<compile_context>
chip_gen: v7x
topology: tpu7x:2x2x1
jax: 0.10.2.dev20260603
libtpu: 0.0.44.dev20260713+nightly
codegen_flags: <defaults>
</compile_context>

<pallas_src>
import jax
import jax.numpy as jnp
from jax import lax
from jax.experimental import pallas as pl
from jax.experimental.pallas import tpu as pltpu
from jax.experimental.pallas import tpu_sc as plsc

N_NODES = 10000
NPAD = 10240
DIM = 128
N_EDGES = 320000
NUM_HEADS = 8

NC = 2
NS = 16
NW = NC * NS
CHUNK = 80
NSLICE = NW
SLICE_E = N_EDGES // NSLICE
NSUPER = 5
SUBCH = SLICE_E // (NSUPER * CHUNK)
SUPER_LEN = SUBCH * CHUNK
ROWS_PER_TILE = NPAD // NS


NBUF = 4


def _gather_scatter_ring(feat_hbm, src_v, dst_v, acc_sh, bufs, sems):
    for j in range(NBUF - 1):
        pltpu.async_copy(feat_hbm.at[src_v.at[pl.ds(j * CHUNK, CHUNK)]], bufs[j], sems[j])

    def chunk_body(c, carry):
        for par in range(NBUF):
            cc = c * NBUF + par
            pltpu.make_async_copy(
                feat_hbm.at[src_v.at[pl.ds(cc * CHUNK, CHUNK)]],
                bufs[par], sems[par]).wait()

            @pl.when(cc + NBUF - 1 < SUBCH)
            def _():
                nxt = (par + NBUF - 1) % NBUF
                pltpu.async_copy(
                    feat_hbm.at[src_v.at[pl.ds((cc + NBUF - 1) * CHUNK, CHUNK)]],
                    bufs[nxt], sems[nxt])

            pltpu.sync_copy(bufs[par],
                            acc_sh.at[dst_v.at[pl.ds(cc * CHUNK, CHUNK)]],
                            add=True)
        return carry

    lax.fori_loop(0, SUBCH // NBUF, chunk_body, 0)
    for cc in range((SUBCH // NBUF) * NBUF, SUBCH):
        par = cc % NBUF
        pltpu.make_async_copy(
            feat_hbm.at[src_v.at[pl.ds(cc * CHUNK, CHUNK)]],
            bufs[par], sems[par]).wait()
        pltpu.sync_copy(bufs[par],
                        acc_sh.at[dst_v.at[pl.ds(cc * CHUNK, CHUNK)]],
                        add=True)


def _sc_layer1(feat, src3, dst3, zeros_nd, ones_rows):

    def body(feat_hbm, src_hbm, dst_hbm, zeros_hbm, ones_hbm, out_hbm,
             src_v, dst_v, b0, b1, b2, b3, acc_sh, s0, s1, s2, s3):
        bufs = (b0, b1, b2, b3)
        sems = (s0, s1, s2, s3)
        rows_v = b0
        cid = lax.axis_index("c")
        sid = lax.axis_index("s")
        row0 = sid * ROWS_PER_TILE
        pltpu.sync_copy(zeros_hbm.at[pl.ds(row0, ROWS_PER_TILE)],
                        acc_sh.at[pl.ds(row0, ROWS_PER_TILE)])

        @pl.when(cid == 1)
        def _():
            pltpu.sync_copy(ones_hbm, rows_v)

        plsc.subcore_barrier()

        @pl.when(cid == 0)
        def _():
            def run_slice(t, carry):
                w = sid * 2 + t

                def super_body(s, carry1):
                    base = w * SLICE_E + s * SUPER_LEN
                    pltpu.sync_copy(dst_hbm.at[pl.ds(base, SUPER_LEN)], dst_v)
                    pltpu.sync_copy(src_hbm.at[pl.ds(base, SUPER_LEN)], src_v)
                    _gather_scatter_ring(feat_hbm, src_v, dst_v, acc_sh,
                                         bufs, sems)
                    return carry1

                lax.fori_loop(0, NSUPER, super_body, 0)
                return carry

            lax.fori_loop(0, 2, run_slice, 0)

        @pl.when(cid == 1)
        def _():
            def run_slice(t, carry):
                w = sid * 2 + t

                def super_body(s, carry1):
                    base = w * SLICE_E + s * SUPER_LEN
                    pltpu.sync_copy(dst_hbm.at[pl.ds(base, SUPER_LEN)], dst_v)

                    def chunk_body(c, carry2):
                        pltpu.sync_copy(
                            rows_v,
                            acc_sh.at[dst_v.at[pl.ds(c * CHUNK, CHUNK)]],
                            add=True)
                        return carry2

                    lax.fori_loop(0, SUBCH, chunk_body, 0)
                    return carry1

                lax.fori_loop(0, NSUPER, super_body, 0)
                return carry

            lax.fori_loop(0, 2, run_slice, 0)

        plsc.subcore_barrier()

        pltpu.sync_copy(acc_sh.at[pl.ds(row0, ROWS_PER_TILE)],
                        out_hbm.at[cid, pl.ds(row0, ROWS_PER_TILE)])

    mesh = plsc.VectorSubcoreMesh(core_axis_name="c", subcore_axis_name="s",
                                  num_cores=NC, num_subcores=NS)
    return pl.kernel(
        body,
        out_type=jax.ShapeDtypeStruct((NC, NPAD, DIM), jnp.float32),
        mesh=mesh,
        scratch_types=[
            pltpu.VMEM((SUPER_LEN,), jnp.int32),
            pltpu.VMEM((SUPER_LEN,), jnp.int32),
            pltpu.VMEM((CHUNK, DIM), jnp.float32),
            pltpu.VMEM((CHUNK, DIM), jnp.float32),
            pltpu.VMEM((CHUNK, DIM), jnp.float32),
            pltpu.VMEM((CHUNK, DIM), jnp.float32),
            pltpu.VMEM_SHARED((NPAD, DIM), jnp.float32),
            pltpu.SemaphoreType.DMA,
            pltpu.SemaphoreType.DMA,
            pltpu.SemaphoreType.DMA,
            pltpu.SemaphoreType.DMA,
        ],
        name="sc_sum_and_deg",
    )(feat, src3, dst3, zeros_nd, ones_rows)


def _sc_layer2(feat, src3, dst3, zeros_nd):

    def body(feat_hbm, src_hbm, dst_hbm, zeros_hbm, out_hbm,
             src_v, dst_v, b0, b1, b2, b3, acc_sh, s0, s1, s2, s3):
        bufs = (b0, b1, b2, b3)
        sems = (s0, s1, s2, s3)
        cid = lax.axis_index("c")
        sid = lax.axis_index("s")
        wid = cid * NS + sid
        row0 = sid * ROWS_PER_TILE
        pltpu.sync_copy(zeros_hbm.at[pl.ds(row0, ROWS_PER_TILE)],
                        acc_sh.at[pl.ds(row0, ROWS_PER_TILE)])
        plsc.subcore_barrier()

        def super_body(s, carry):
            base = wid * SLICE_E + s * SUPER_LEN
            pltpu.sync_copy(src_hbm.at[pl.ds(base, SUPER_LEN)], src_v)
            pltpu.sync_copy(dst_hbm.at[pl.ds(base, SUPER_LEN)], dst_v)
            _gather_scatter_ring(feat_hbm, src_v, dst_v, acc_sh,
                                 bufs, sems)
            return carry

        lax.fori_loop(0, NSUPER, super_body, 0)
        plsc.subcore_barrier()

        pltpu.sync_copy(acc_sh.at[pl.ds(row0, ROWS_PER_TILE)],
                        out_hbm.at[cid, pl.ds(row0, ROWS_PER_TILE)])

    mesh = plsc.VectorSubcoreMesh(core_axis_name="c", subcore_axis_name="s",
                                  num_cores=NC, num_subcores=NS)
    return pl.kernel(
        body,
        out_type=jax.ShapeDtypeStruct((NC, NPAD, DIM), jnp.float32),
        mesh=mesh,
        scratch_types=[
            pltpu.VMEM((SUPER_LEN,), jnp.int32),
            pltpu.VMEM((SUPER_LEN,), jnp.int32),
            pltpu.VMEM((CHUNK, DIM), jnp.float32),
            pltpu.VMEM((CHUNK, DIM), jnp.float32),
            pltpu.VMEM((CHUNK, DIM), jnp.float32),
            pltpu.VMEM((CHUNK, DIM), jnp.float32),
            pltpu.VMEM_SHARED((NPAD, DIM), jnp.float32),
            pltpu.SemaphoreType.DMA,
            pltpu.SemaphoreType.DMA,
            pltpu.SemaphoreType.DMA,
            pltpu.SemaphoreType.DMA,
        ],
        name="sc_seg_sum",
    )(feat, src3, dst3, zeros_nd)


ROW_BLK = 1000
N_BLKS = N_NODES // ROW_BLK


def _tc_sage_body(x_ref, p_ref, deg_ref, wself_ref, wneigh_ref, b_ref, out_ref):
    deg = jnp.maximum(deg_ref[0], 1.0)
    psum = p_ref[0]
    for c in range(1, p_ref.shape[0]):
        psum = psum + p_ref[c]
    agg = psum / deg
    acc = jnp.dot(x_ref[...], wself_ref[...], preferred_element_type=jnp.float32)
    acc += jnp.dot(agg, wneigh_ref[...], preferred_element_type=jnp.float32)
    out_ref[...] = jnp.maximum(acc + b_ref[...], 0.0)


def _tc_sage(x, partials, npart, deg_arr, w_self, w_neigh, b):
    out_dim = w_self.shape[1]
    return pl.pallas_call(
        _tc_sage_body,
        grid=(N_BLKS,),
        in_specs=[
            pl.BlockSpec((ROW_BLK, DIM), lambda i: (i, 0)),
            pl.BlockSpec((npart, ROW_BLK, DIM), lambda i: (0, i, 0)),
            pl.BlockSpec((1, ROW_BLK, DIM), lambda i: (1, i, 0)),
            pl.BlockSpec((DIM, out_dim), lambda i: (0, 0)),
            pl.BlockSpec((DIM, out_dim), lambda i: (0, 0)),
            pl.BlockSpec((1, out_dim), lambda i: (0, 0)),
        ],
        out_specs=pl.BlockSpec((ROW_BLK, out_dim), lambda i: (i, 0)),
        out_shape=jax.ShapeDtypeStruct((N_NODES, out_dim), jnp.float32),
    )(x, partials, deg_arr, w_self, w_neigh, b)


def kernel(x, edge_index, Ws_self, Ws_neigh, bs, Wh_self, Wh_neigh, bh):
    src = edge_index[0].astype(jnp.int32)
    dst = edge_index[1].astype(jnp.int32)
    zeros_nd = jnp.zeros((NPAD, DIM), jnp.float32)
    ones_rows = jnp.ones((CHUNK, DIM), jnp.float32)

    out1 = _sc_layer1(x, src, dst, zeros_nd, ones_rows)
    shared = _tc_sage(x, out1, 1, out1, Ws_self, Ws_neigh, bs.reshape(1, DIM))

    p2 = _sc_layer2(shared, src, dst, zeros_nd)
    w_self_cat = jnp.transpose(Wh_self, (1, 0, 2)).reshape(DIM, NUM_HEADS * DIM)
    w_neigh_cat = jnp.transpose(Wh_neigh, (1, 0, 2)).reshape(DIM, NUM_HEADS * DIM)
    b_cat = bh.reshape(1, NUM_HEADS * DIM)
    heads = _tc_sage(shared, p2, 2, out1, w_self_cat, w_neigh_cat, b_cat)
    return heads.reshape(N_NODES, NUM_HEADS, DIM)

# --- scband reference (transcript-rebuilt; emitter-appended) ---
"""Pipeline reference for scband-multi-head-encoder-17386027614756 (READ-ONLY COPY).

The authoritative reference and input builder live on the scoring server;
editing this copy changes nothing except your own understanding.
"""

import jax, jax.numpy as jnp
import numpy as np

N_NODES = 10000
N_EDGES = 320000
IN_DIM = 128
HIDDEN = 128
NUM_HEADS = 8


def _aggregate_mean(x, src, dst, n_nodes):
    # gather messages from source nodes, scatter-add to destination nodes, normalize by in-degree
    msg = jnp.take(x, src, axis=0)                                   # [E, d] gather
    s = jax.ops.segment_sum(msg, dst, num_segments=n_nodes)          # [N, d] scatter-add
    deg = jax.ops.segment_sum(jnp.ones((src.shape[0], 1), dtype=x.dtype), dst, num_segments=n_nodes)
    return s / jnp.maximum(deg, 1.0)


def _sage_layer(x, src, dst, n_nodes, W_self, W_neigh, b):
    agg = _aggregate_mean(x, src, dst, n_nodes)
    return jax.nn.relu(x @ W_self + agg @ W_neigh + b)


def setup_inputs(seed: int = 0) -> dict:
    key = jax.random.key(seed)
    ks = jax.random.split(key, 10)
    x = jax.random.normal(ks[0], (N_NODES, IN_DIM), dtype=jnp.float32)
    edge_index = jax.random.randint(ks[1], (2, N_EDGES), 0, N_NODES, dtype=jnp.int64)
    scale = 0.05
    # shared encoder: 1 GraphSAGE layer (in_dim -> hidden)
    Ws_self = jax.random.normal(ks[2], (IN_DIM, HIDDEN), dtype=jnp.float32) * scale
    Ws_neigh = jax.random.normal(ks[3], (IN_DIM, HIDDEN), dtype=jnp.float32) * scale
    bs = jnp.zeros((HIDDEN,), dtype=jnp.float32)
    # per-head encoders: remaining_layers = num_layers(2) - shared_layers(1) = 1 layer each (hidden -> hidden)
    Wh_self = jax.random.normal(ks[4], (NUM_HEADS, HIDDEN, HIDDEN), dtype=jnp.float32) * scale
    Wh_neigh = jax.random.normal(ks[5], (NUM_HEADS, HIDDEN, HIDDEN), dtype=jnp.float32) * scale
    bh = jnp.zeros((NUM_HEADS, HIDDEN), dtype=jnp.float32)
    return {"x": x, "edge_index": edge_index, "Ws_self": Ws_self, "Ws_neigh": Ws_neigh,
            "bs": bs, "Wh_self": Wh_self, "Wh_neigh": Wh_neigh, "bh": bh}


def reference(x, edge_index, Ws_self, Ws_neigh, bs, Wh_self, Wh_neigh, bh):
    src = edge_index[0]
    dst = edge_index[1]
    n = x.shape[0]
    # shared layer
    shared = _sage_layer(x, src, dst, n, Ws_self, Ws_neigh, bs)      # [N, H]
    # neighbor aggregation of shared features is identical for all heads; compute once
    agg_s = _aggregate_mean(shared, src, dst, n)                     # [N, H]
    # per-head SAGE layer, batched over heads
    # [h, N, H] = relu(shared @ Wh_self[h] + agg_s @ Wh_neigh[h] + bh[h])
    self_part = jnp.einsum('nd,hdk->hnk', shared, Wh_self)
    neigh_part = jnp.einsum('nd,hdk->hnk', agg_s, Wh_neigh)
    heads = jax.nn.relu(self_part + neigh_part + bh[:, None, :])     # [heads, N, H]
    node_distributions = jnp.transpose(heads, (1, 0, 2))             # [N, heads, H] (torch.stack(dim=1))
    return node_distributions

if __name__ == "__main__":
    import jax
    _d = setup_inputs()
    print(jax.jit(kernel)(*tuple(_d.values())))

</pallas_src>

<mosaic_0001>
#map = affine_map<(d0, d1) -> (0, 0)>
#map1 = affine_map<(d0, d1) -> (0)>
#map2 = affine_map<(d0, d1) -> (0, 0, 0)>
module attributes {stable_mosaic.version = 14 : i64} {
  func.func @sc_seg_sum(%arg0: i32, %arg1: i32, %arg2: memref<10000x128xf32, #tpu.memory_space<hbm>>, %arg3: memref<320000xi32, #tpu.memory_space<hbm>>, %arg4: memref<320000xi32, #tpu.memory_space<hbm>>, %arg5: memref<10240x128xf32, #tpu.memory_space<hbm>>, %arg6: memref<2x10240x128xf32, #tpu.memory_space<hbm>>, %arg7: memref<2000xi32, #tpu.memory_space<vmem>>, %arg8: memref<2000xi32, #tpu.memory_space<vmem>>, %arg9: memref<80x128xf32, #tpu.memory_space<vmem>>, %arg10: memref<80x128xf32, #tpu.memory_space<vmem>>, %arg11: memref<80x128xf32, #tpu.memory_space<vmem>>, %arg12: memref<80x128xf32, #tpu.memory_space<vmem>>, %arg13: memref<10240x128xf32, #tpu.memory_space<vmem_shared>>, %arg14: memref<!tpu.dma_semaphore, #tpu.memory_space<semaphore_mem>>, %arg15: memref<!tpu.dma_semaphore, #tpu.memory_space<semaphore_mem>>, %arg16: memref<!tpu.dma_semaphore, #tpu.memory_space<semaphore_mem>>, %arg17: memref<!tpu.dma_semaphore, #tpu.memory_space<semaphore_mem>>) attributes {dimension_semantics = [#tpu.dimension_semantics<core_parallel>, #tpu.dimension_semantics<subcore_parallel>], iteration_bounds = array<i64: 2, 16>, scalar_prefetch = 0 : i64, scratch_operands = 11 : i64, tpu.core_type = #tpu.core_type<sc_vector_subcore>, window_params = [{transform_indices = #map}, {transform_indices = #map1}, {transform_indices = #map1}, {transform_indices = #map}, {transform_indices = #map2}]} {
    %mul3A = arith.constant 16 : i32
    %mul3A_0 = arith.muli %arg0, %mul3A : i32
    %add3A = arith.addi %mul3A_0, %arg1 : i32
    %mul3A_1 = arith.constant 640 : i32
    %mul3A_2 = arith.muli %arg1, %mul3A_1 : i32
    "tpu.region"() ({
      %run_scoped3A = tpu.sem_alloc : memref<!tpu.dma_semaphore, #tpu.memory_space<semaphore_mem>>
      %dma_start3A = arith.constant 0 : i32
      %dma_start3A_9 = tpu.memref_slice %arg13[%mul3A_2, %dma_start3A] : memref<10240x128xf32, #tpu.memory_space<vmem_shared>> -> memref<640x128xf32, #tpu.memory_space<vmem_shared>>
      %dma_start3A_10 = arith.constant 0 : i32
      %dma_start3A_11 = tpu.memref_slice %arg5[%mul3A_2, %dma_start3A_10] : memref<10240x128xf32, #tpu.memory_space<hbm>> -> memref<640x128xf32, #tpu.memory_space<hbm>>
      tpu.enqueue_dma source(%dma_start3A_11 : memref<640x128xf32, #tpu.memory_space<hbm>>) target(%dma_start3A_9 : memref<640x128xf32, #tpu.memory_space<vmem_shared>>) target_semaphore(%run_scoped3A : memref<!tpu.dma_semaphore, #tpu.memory_space<semaphore_mem>>)
      %dma_wait3A = arith.constant 0 : i32
      %dma_wait3A_12 = tpu.memref_slice %arg13[%mul3A_2, %dma_wait3A] : memref<10240x128xf32, #tpu.memory_space<vmem_shared>> -> memref<640x128xf32, #tpu.memory_space<vmem_shared>>
      %dma_wait3A_13 = arith.constant 0 : i32
      %dma_wait3A_14 = tpu.memref_slice %arg5[%mul3A_2, %dma_wait3A_13] : memref<10240x128xf32, #tpu.memory_space<hbm>> -> memref<640x128xf32, #tpu.memory_space<hbm>>
      tpu.wait_dma2 semaphore(%run_scoped3A : memref<!tpu.dma_semaphore, #tpu.memory_space<semaphore_mem>>) src(%dma_wait3A_14 : memref<640x128xf32, #tpu.memory_space<hbm>>) dst(%dma_wait3A_12 : memref<640x128xf32, #tpu.memory_space<vmem_shared>>)
      tpu.yield
    }) : () -> ()
    %barrier3A = arith.constant 0 : index
    tpu.barrier barrier_id(%barrier3A)
    %scan3A = arith.constant 0 : i32
    %scan3A_3 = arith.constant 0 : i32
    %scan3A_4 = arith.constant 5 : i32
    %scan3A_5 = arith.addi %scan3A_3, %scan3A_4 : i32
    %scan3A_6 = arith.constant 1 : i32
    scf.for %scan3A_9 = %scan3A_3 to %scan3A_5 step %scan3A_6  : i32 {
      %mul3A_10 = arith.constant 10000 : i32
      %mul3A_11 = arith.muli %add3A, %mul3A_10 : i32
      %mul3A_12 = arith.constant 2000 : i32
      %mul3A_13 = arith.muli %scan3A_9, %mul3A_12 : i32
      %add3A_14 = arith.addi %mul3A_11, %mul3A_13 : i32
      "tpu.region"() ({
        %run_scoped3A = tpu.sem_alloc : memref<!tpu.dma_semaphore, #tpu.memory_space<semaphore_mem>>
        %dma_start3A_39 = tpu.memref_slice %arg3[%add3A_14] : memref<320000xi32, #tpu.memory_space<hbm>> -> memref<2000xi32, #tpu.memory_space<hbm>>
        %dma_start3A_40 = tpu.memref_slice %arg3[%add3A_14] : memref<320000xi32, #tpu.memory_space<hbm>> -> memref<2000xi32, #tpu.memory_space<hbm>>
        tpu.enqueue_dma source(%dma_start3A_40 : memref<2000xi32, #tpu.memory_space<hbm>>) target(%arg7 : memref<2000xi32, #tpu.memory_space<vmem>>) target_semaphore(%run_scoped3A : memref<!tpu.dma_semaphore, #tpu.memory_space<semaphore_mem>>)
        %dma_wait3A_41 = tpu.memref_slice %arg3[%add3A_14] : memref<320000xi32, #tpu.memory_space<hbm>> -> memref<2000xi32, #tpu.memory_space<hbm>>
        %dma_wait3A_42 = tpu.memref_slice %arg3[%add3A_14] : memref<320000xi32, #tpu.memory_space<hbm>> -> memref<2000xi32, #tpu.memory_space<hbm>>
        tpu.wait_dma2 semaphore(%run_scoped3A : memref<!tpu.dma_semaphore, #tpu.memory_space<semaphore_mem>>) src(%dma_wait3A_42 : memref<2000xi32, #tpu.memory_space<hbm>>) dst(%arg7 : memref<2000xi32, #tpu.memory_space<vmem>>)
        tpu.yield
      }) : () -> ()
      "tpu.region"() ({
        %run_scoped3A = tpu.sem_alloc : memref<!tpu.dma_semaphore, #tpu.memory_space<semaphore_mem>>
        %dma_start3A_39 = tpu.memref_slice %arg4[%add3A_14] : memref<320000xi32, #tpu.memory_space<hbm>> -> memref<2000xi32, #tpu.memory_space<hbm>>
        %dma_start3A_40 = tpu.memref_slice %arg4[%add3A_14] : memref<320000xi32, #tpu.memory_space<hbm>> -> memref<2000xi32, #tpu.memory_space<hbm>>
        tpu.enqueue_dma source(%dma_start3A_40 : memref<2000xi32, #tpu.memory_space<hbm>>) target(%arg8 : memref<2000xi32, #tpu.memory_space<vmem>>) target_semaphore(%run_scoped3A : memref<!tpu.dma_semaphore, #tpu.memory_space<semaphore_mem>>)
        %dma_wait3A_41 = tpu.memref_slice %arg4[%add3A_14] : memref<320000xi32, #tpu.memory_space<hbm>> -> memref<2000xi32, #tpu.memory_space<hbm>>
        %dma_wait3A_42 = tpu.memref_slice %arg4[%add3A_14] : memref<320000xi32, #tpu.memory_space<hbm>> -> memref<2000xi32, #tpu.memory_space<hbm>>
        tpu.wait_dma2 semaphore(%run_scoped3A : memref<!tpu.dma_semaphore, #tpu.memory_space<semaphore_mem>>) src(%dma_wait3A_42 : memref<2000xi32, #tpu.memory_space<hbm>>) dst(%arg8 : memref<2000xi32, #tpu.memory_space<vmem>>)
        tpu.yield
      }) : () -> ()
      %dma_start3A = arith.constant 0 : i32
      %dma_start3A_15 = tpu.memref_slice %arg7[%dma_start3A] : memref<2000xi32, #tpu.memory_space<vmem>> -> memref<80xi32, #tpu.memory_space<vmem>>
      %dma_start3A_16 = arith.constant 0 : i32
      %dma_start3A_17 = arith.constant 0 : i32
      %dma_start3A_18 = tpu.memref_slice %arg2[%dma_start3A_16, %dma_start3A_17] : memref<10000x128xf32, #tpu.memory_space<hbm>> -> memref<10000x128xf32, #tpu.memory_space<hbm>>
      tpu.enqueue_indirect_dma source(%dma_start3A_18 : memref<10000x128xf32, #tpu.memory_space<hbm>>) target(%arg9 : memref<80x128xf32, #tpu.memory_space<vmem>>) offsets(%dma_start3A_15 : memref<80xi32, #tpu.memory_space<vmem>>) semaphore(%arg14 : memref<!tpu.dma_semaphore, #tpu.memory_space<semaphore_mem>>)
      %dma_start3A_19 = arith.constant 80 : i32
      %dma_start3A_20 = tpu.memref_slice %arg7[%dma_start3A_19] : memref<2000xi32, #tpu.memory_space<vmem>> -> memref<80xi32, #tpu.memory_space<vmem>>
      %dma_start3A_21 = arith.constant 0 : i32
      %dma_start3A_22 = arith.constant 0 : i32
      %dma_start3A_23 = tpu.memref_slice %arg2[%dma_start3A_21, %dma_start3A_22] : memref<10000x128xf32, #tpu.memory_space<hbm>> -> memref<10000x128xf32, #tpu.memory_space<hbm>>
      tpu.enqueue_indirect_dma source(%dma_start3A_23 : memref<10000x128xf32, #tpu.memory_space<hbm>>) target(%arg10 : memref<80x128xf32, #tpu.memory_space<vmem>>) offsets(%dma_start3A_20 : memref<80xi32, #tpu.memory_space<vmem>>) semaphore(%arg15 : memref<!tpu.dma_semaphore, #tpu.memory_space<semaphore_mem>>)
      %dma_start3A_24 = arith.constant 160 : i32
      %dma_start3A_25 = tpu.memref_slice %arg7[%dma_start3A_24] : memref<2000xi32, #tpu.memory_space<vmem>> -> memref<80xi32, #tpu.memory_space<vmem>>
      %dma_start3A_26 = arith.constant 0 : i32
      %dma_start3A_27 = arith.constant 0 : i32
      %dma_start3A_28 = tpu.memref_slice %arg2[%dma_start3A_26, %dma_start3A_27] : memref<10000x128xf32, #tpu.memory_space<hbm>> -> memref<10000x128xf32, #tpu.memory_space<hbm>>
      tpu.enqueue_indirect_dma source(%dma_start3A_28 : memref<10000x128xf32, #tpu.memory_space<hbm>>) target(%arg11 : memref<80x128xf32, #tpu.memory_space<vmem>>) offsets(%dma_start3A_25 : memref<80xi32, #tpu.memory_space<vmem>>) semaphore(%arg16 : memref<!tpu.dma_semaphore, #tpu.memory_space<semaphore_mem>>)
      %scan3A_29 = arith.constant 0 : i32
      %scan3A_30 = arith.constant 0 : i32
      %scan3A_31 = arith.constant 6 : i32
      %scan3A_32 = arith.addi %scan3A_30, %scan3A_31 : i32
      %scan3A_33 = arith.constant 1 : i32
      scf.for %scan3A_39 = %scan3A_30 to %scan3A_32 step %scan3A_33  : i32 {
        %mul3A_40 = arith.constant 4 : i32
        %mul3A_41 = arith.muli %scan3A_39, %mul3A_40 : i32
        %add3A_42 = arith.constant 0 : i32
        %add3A_43 = arith.addi %mul3A_41, %add3A_42 : i32
        %mul3A_44 = arith.constant 80 : i32
        %mul3A_45 = arith.muli %add3A_43, %mul3A_44 : i32
        %dma_wait3A_46 = tpu.memref_slice %arg7[%mul3A_45] : memref<2000xi32, #tpu.memory_space<vmem>> -> memref<80xi32, #tpu.memory_space<vmem>>
        %dma_wait3A_47 = arith.constant 0 : i32
        %dma_wait3A_48 = arith.constant 0 : i32
        %dma_wait3A_49 = tpu.memref_slice %arg2[%dma_wait3A_47, %dma_wait3A_48] : memref<10000x128xf32, #tpu.memory_space<hbm>> -> memref<10000x128xf32, #tpu.memory_space<hbm>>
        tpu.wait_indirect_dma semaphore(%arg14 : memref<!tpu.dma_semaphore, #tpu.memory_space<semaphore_mem>>) src(%dma_wait3A_49 : memref<10000x128xf32, #tpu.memory_space<hbm>>) dst(%arg9 : memref<80x128xf32, #tpu.memory_space<vmem>>)
        %add3A_50 = arith.constant 4 : i32
        %add3A_51 = arith.addi %add3A_43, %add3A_50 : i32
        %sub3A = arith.constant 1 : i32
        %sub3A_52 = arith.subi %add3A_51, %sub3A : i32
        %lt3A = arith.constant 25 : i32
        %lt3A_53 = arith.cmpi slt, %sub3A_52, %lt3A : i32
        %convert_element_type3A = arith.extui %lt3A_53 : i1 to i32
        %cond3A = arith.constant 0 : i32
        %cond3A_54 = arith.cmpi ne, %convert_element_type3A, %cond3A : i32
        scf.if %cond3A_54 {
          %add3A_120 = arith.constant 4 : i32
          %add3A_121 = arith.addi %add3A_43, %add3A_120 : i32
          %sub3A_122 = arith.constant 1 : i32
          %sub3A_123 = arith.subi %add3A_121, %sub3A_122 : i32
          %mul3A_124 = arith.constant 80 : i32
          %mul3A_125 = arith.muli %sub3A_123, %mul3A_124 : i32
          %dma_start3A_126 = tpu.memref_slice %arg7[%mul3A_125] : memref<2000xi32, #tpu.memory_space<vmem>> -> memref<80xi32, #tpu.memory_space<vmem>>
          %dma_start3A_127 = arith.constant 0 : i32
          %dma_start3A_128 = arith.constant 0 : i32
          %dma_start3A_129 = tpu.memref_slice %arg2[%dma_start3A_127, %dma_start3A_128] : memref<10000x128xf32, #tpu.memory_space<hbm>> -> memref<10000x128xf32, #tpu.memory_space<hbm>>
          tpu.enqueue_indirect_dma source(%dma_start3A_129 : memref<10000x128xf32, #tpu.memory_space<hbm>>) target(%arg12 : memref<80x128xf32, #tpu.memory_space<vmem>>) offsets(%dma_start3A_126 : memref<80xi32, #tpu.memory_space<vmem>>) semaphore(%arg17 : memref<!tpu.dma_semaphore, #tpu.memory_space<semaphore_mem>>)
        } else {
        }
        %mul3A_55 = arith.constant 80 : i32
        %mul3A_56 = arith.muli %add3A_43, %mul3A_55 : i32
        "tpu.region"() ({
          %run_scoped3A = tpu.sem_alloc : memref<!tpu.dma_semaphore, #tpu.memory_space<semaphore_mem>>
          %dma_start3A_120 = tpu.memref_slice %arg8[%mul3A_56] : memref<2000xi32, #tpu.memory_space<vmem>> -> memref<80xi32, #tpu.memory_space<vmem>>
          %dma_start3A_121 = arith.constant 0 : i32
          %dma_start3A_122 = arith.constant 0 : i32
          %dma_start3A_123 = tpu.memref_slice %arg13[%dma_start3A_121, %dma_start3A_122] : memref<10240x128xf32, #tpu.memory_space<vmem_shared>> -> memref<10240x128xf32, #tpu.memory_space<vmem_shared>>
          tpu.enqueue_indirect_dma source(%arg9 : memref<80x128xf32, #tpu.memory_space<vmem>>) target(%dma_start3A_123 : memref<10240x128xf32, #tpu.memory_space<vmem_shared>>) offsets(%dma_start3A_120 : memref<80xi32, #tpu.memory_space<vmem>>) semaphore(%run_scoped3A : memref<!tpu.dma_semaphore, #tpu.memory_space<semaphore_mem>>) {add = true}
          %dma_wait3A_124 = tpu.memref_slice %arg8[%mul3A_56] : memref<2000xi32, #tpu.memory_space<vmem>> -> memref<80xi32, #tpu.memory_space<vmem>>
          %dma_wait3A_125 = arith.constant 0 : i32
          %dma_wait3A_126 = arith.constant 0 : i32
          %dma_wait3A_127 = tpu.memref_slice %arg13[%dma_wait3A_125, %dma_wait3A_126] : memref<10240x128xf32, #tpu.memory_space<vmem_shared>> -> memref<10240x128xf32, #tpu.memory_space<vmem_shared>>
          tpu.wait_indirect_dma semaphore(%run_scoped3A : memref<!tpu.dma_semaphore, #tpu.memory_space<semaphore_mem>>) src(%arg9 : memref<80x128xf32, #tpu.memory_space<vmem>>) dst(%dma_wait3A_127 : memref<10240x128xf32, #tpu.memory_space<vmem_shared>>)
          tpu.yield
        }) : () -> ()
        %mul3A_57 = arith.constant 4 : i32
        %mul3A_58 = arith.muli %scan3A_39, %mul3A_57 : i32
        %add3A_59 = arith.constant 1 : i32
        %add3A_60 = arith.addi %mul3A_58, %add3A_59 : i32
        %mul3A_61 = arith.constant 80 : i32
        %mul3A_62 = arith.muli %add3A_60, %mul3A_61 : i32
        %dma_wait3A_63 = tpu.memref_slice %arg7[%mul3A_62] : memref<2000xi32, #tpu.memory_space<vmem>> -> memref<80xi32, #tpu.memory_space<vmem>>
        %dma_wait3A_64 = arith.constant 0 : i32
        %dma_wait3A_65 = arith.constant 0 : i32
        %dma_wait3A_66 = tpu.memref_slice %arg2[%dma_wait3A_64, %dma_wait3A_65] : memref<10000x128xf32, #tpu.memory_space<hbm>> -> memref<10000x128xf32, #tpu.memory_space<hbm>>
        tpu.wait_indirect_dma semaphore(%arg15 : memref<!tpu.dma_semaphore, #tpu.memory_space<semaphore_mem>>) src(%dma_wait3A_66 : memref<10000x128xf32, #tpu.memory_space<hbm>>) dst(%arg10 : memref<80x128xf32, #tpu.memory_space<vmem>>)
        %add3A_67 = arith.constant 4 : i32
        %add3A_68 = arith.addi %add3A_60, %add3A_67 : i32
        %sub3A_69 = arith.constant 1 : i32
        %sub3A_70 = arith.subi %add3A_68, %sub3A_69 : i32
        %lt3A_71 = arith.constant 25 : i32
        %lt3A_72 = arith.cmpi slt, %sub3A_70, %lt3A_71 : i32
        %convert_element_type3A_73 = arith.extui %lt3A_72 : i1 to i32
        %cond3A_74 = arith.constant 0 : i32
        %cond3A_75 = arith.cmpi ne, %convert_element_type3A_73, %cond3A_74 : i32
        scf.if %cond3A_75 {
          %add3A_120 = arith.constant 4 : i32
          %add3A_121 = arith.addi %add3A_60, %add3A_120 : i32
          %sub3A_122 = arith.constant 1 : i32
          %sub3A_123 = arith.subi %add3A_121, %sub3A_122 : i32
          %mul3A_124 = arith.constant 80 : i32
          %mul3A_125 = arith.muli %sub3A_123, %mul3A_124 : i32
          %dma_start3A_126 = tpu.memref_slice %arg7[%mul3A_125] : memref<2000xi32, #tpu.memory_space<vmem>> -> memref<80xi32, #tpu.memory_space<vmem>>
          %dma_start3A_127 = arith.constant 0 : i32
          %dma_start3A_128 = arith.constant 0 : i32
          %dma_start3A_129 = tpu.memref_slice %arg2[%dma_start3A_127, %dma_start3A_128] : memref<10000x128xf32, #tpu.memory_space<hbm>> -> memref<10000x128xf32, #tpu.memory_space<hbm>>
          tpu.enqueue_indirect_dma source(%dma_start3A_129 : memref<10000x128xf32, #tpu.memory_space<hbm>>) target(%arg9 : memref<80x128xf32, #tpu.memory_space<vmem>>) offsets(%dma_start3A_126 : memref<80xi32, #tpu.memory_space<vmem>>) semaphore(%arg14 : memref<!tpu.dma_semaphore, #tpu.memory_space<semaphore_mem>>)
        } else {
        }
        %mul3A_76 = arith.constant 80 : i32
        %mul3A_77 = arith.muli %add3A_60, %mul3A_76 : i32
        "tpu.region"() ({
          %run_scoped3A = tpu.sem_alloc : memref<!tpu.dma_semaphore, #tpu.memory_space<semaphore_mem>>
          %dma_start3A_120 = tpu.memref_slice %arg8[%mul3A_77] : memref<2000xi32, #tpu.memory_space<vmem>> -> memref<80xi32, #tpu.memory_space<vmem>>
          %dma_start3A_121 = arith.constant 0 : i32
          %dma_start3A_122 = arith.constant 0 : i32
          %dma_start3A_123 = tpu.memref_slice %arg13[%dma_start3A_121, %dma_start3A_122] : memref<10240x128xf32, #tpu.memory_space<vmem_shared>> -> memref<10240x128xf32, #tpu.memory_space<vmem_shared>>
          tpu.enqueue_indirect_dma source(%arg10 : memref<80x128xf32, #tpu.memory_space<vmem>>) target(%dma_start3A_123 : memref<10240x128xf32, #tpu.memory_space<vmem_shared>>) offsets(%dma_start3A_120 : memref<80xi32, #tpu.memory_space<vmem>>) semaphore(%run_scoped3A : memref<!tpu.dma_semaphore, #tpu.memory_space<semaphore_mem>>) {add = true}
          %dma_wait3A_124 = tpu.memref_slice %arg8[%mul3A_77] : memref<2000xi32, #tpu.memory_space<vmem>> -> memref<80xi32, #tpu.memory_space<vmem>>
          %dma_wait3A_125 = arith.constant 0 : i32
          %dma_wait3A_126 = arith.constant 0 : i32
          %dma_wait3A_127 = tpu.memref_slice %arg13[%dma_wait3A_125, %dma_wait3A_126] : memref<10240x128xf32, #tpu.memory_space<vmem_shared>> -> memref<10240x128xf32, #tpu.memory_space<vmem_shared>>
          tpu.wait_indirect_dma semaphore(%run_scoped3A : memref<!tpu.dma_semaphore, #tpu.memory_space<semaphore_mem>>) src(%arg10 : memref<80x128xf32, #tpu.memory_space<vmem>>) dst(%dma_wait3A_127 : memref<10240x128xf32, #tpu.memory_space<vmem_shared>>)
          tpu.yield
        }) : () -> ()
        %mul3A_78 = arith.constant 4 : i32
        %mul3A_79 = arith.muli %scan3A_39, %mul3A_78 : i32
        %add3A_80 = arith.constant 2 : i32
        %add3A_81 = arith.addi %mul3A_79, %add3A_80 : i32
        %mul3A_82 = arith.constant 80 : i32
        %mul3A_83 = arith.muli %add3A_81, %mul3A_82 : i32
        %dma_wait3A_84 = tpu.memref_slice %arg7[%mul3A_83] : memref<2000xi32, #tpu.memory_space<vmem>> -> memref<80xi32, #tpu.memory_space<vmem>>
        %dma_wait3A_85 = arith.constant 0 : i32
        %dma_wait3A_86 = arith.constant 0 : i32
        %dma_wait3A_87 = tpu.memref_slice %arg2[%dma_wait3A_85, %dma_wait3A_86] : memref<10000x128xf32, #tpu.memory_space<hbm>> -> memref<10000x128xf32, #tpu.memory_space<hbm>>
        tpu.wait_indirect_dma semaphore(%arg16 : memref<!tpu.dma_semaphore, #tpu.memory_space<semaphore_mem>>) src(%dma_wait3A_87 : memref<10000x128xf32, #tpu.memory_space<hbm>>) dst(%arg11 : memref<80x128xf32, #tpu.memory_space<vmem>>)
        %add3A_88 = arith.constant 4 : i32
        %add3A_89 = arith.addi %add3A_81, %add3A_88 : i32
        %sub3A_90 = arith.constant 1 : i32
        %sub3A_91 = arith.subi %add3A_89, %sub3A_90 : i32
        %lt3A_92 = arith.constant 25 : i32
        %lt3A_93 = arith.cmpi slt, %sub3A_91, %lt3A_92 : i32
        %convert_element_type3A_94 = arith.extui %lt3A_93 : i1 to i32
        %cond3A_95 = arith.constant 0 : i32
        %cond3A_96 = arith.cmpi ne, %convert_element_type3A_94, %cond3A_95 : i32
        scf.if %cond3A_96 {
          %add3A_120 = arith.constant 4 : i32
          %add3A_121 = arith.addi %add3A_81, %add3A_120 : i32
          %sub3A_122 = arith.constant 1 : i32
          %sub3A_123 = arith.subi %add3A_121, %sub3A_122 : i32
          %mul3A_124 = arith.constant 80 : i32
          %mul3A_125 = arith.muli %sub3A_123, %mul3A_124 : i32
          %dma_start3A_126 = tpu.memref_slice %arg7[%mul3A_125] : memref<2000xi32, #tpu.memory_space<vmem>> -> memref<80xi32, #tpu.memory_space<vmem>>
          %dma_start3A_127 = arith.constant 0 : i32
          %dma_start3A_128 = arith.constant 0 : i32
          %dma_start3A_129 = tpu.memref_slice %arg2[%dma_start3A_127, %dma_start3A_128] : memref<10000x128xf32, #tpu.memory_space<hbm>> -> memref<10000x128xf32, #tpu.memory_space<hbm>>
          tpu.enqueue_indirect_dma source(%dma_start3A_129 : memref<10000x128xf32, #tpu.memory_space<hbm>>) target(%arg10 : memref<80x128xf32, #tpu.memory_space<vmem>>) offsets(%dma_start3A_126 : memref<80xi32, #tpu.memory_space<vmem>>) semaphore(%arg15 : memref<!tpu.dma_semaphore, #tpu.memory_space<semaphore_mem>>)
        } else {
        }
        %mul3A_97 = arith.constant 80 : i32
        %mul3A_98 = arith.muli %add3A_81, %mul3A_97 : i32
        "tpu.region"() ({
          %run_scoped3A = tpu.sem_alloc : memref<!tpu.dma_semaphore, #tpu.memory_space<semaphore_mem>>
          %dma_start3A_120 = tpu.memref_slice %arg8[%mul3A_98] : memref<2000xi32, #tpu.memory_space<vmem>> -> memref<80xi32, #tpu.memory_space<vmem>>
          %dma_start3A_121 = arith.constant 0 : i32
          %dma_start3A_122 = arith.constant 0 : i32
          %dma_start3A_123 = tpu.memref_slice %arg13[%dma_start3A_121, %dma_start3A_122] : memref<10240x128xf32, #tpu.memory_space<vmem_shared>> -> memref<10240x128xf32, #tpu.memory_space<vmem_shared>>
          tpu.enqueue_indirect_dma source(%arg11 : memref<80x128xf32, #tpu.memory_space<vmem>>) target(%dma_start3A_123 : memref<10240x128xf32, #tpu.memory_space<vmem_shared>>) offsets(%dma_start3A_120 : memref<80xi32, #tpu.memory_space<vmem>>) semaphore(%run_scoped3A : memref<!tpu.dma_semaphore, #tpu.memory_space<semaphore_mem>>) {add = true}
          %dma_wait3A_124 = tpu.memref_slice %arg8[%mul3A_98] : memref<2000xi32, #tpu.memory_space<vmem>> -> memref<80xi32, #tpu.memory_space<vmem>>
          %dma_wait3A_125 = arith.constant 0 : i32
          %dma_wait3A_126 = arith.constant 0 : i32
          %dma_wait3A_127 = tpu.memref_slice %arg13[%dma_wait3A_125, %dma_wait3A_126] : memref<10240x128xf32, #tpu.memory_space<vmem_shared>> -> memref<10240x128xf32, #tpu.memory_space<vmem_shared>>
          tpu.wait_indirect_dma semaphore(%run_scoped3A : memref<!tpu.dma_semaphore, #tpu.memory_space<semaphore_mem>>) src(%arg11 : memref<80x128xf32, #tpu.memory_space<vmem>>) dst(%dma_wait3A_127 : memref<10240x128xf32, #tpu.memory_space<vmem_shared>>)
          tpu.yield
        }) : () -> ()
        %mul3A_99 = arith.constant 4 : i32
        %mul3A_100 = arith.muli %scan3A_39, %mul3A_99 : i32
        %add3A_101 = arith.constant 3 : i32
        %add3A_102 = arith.addi %mul3A_100, %add3A_101 : i32
        %mul3A_103 = arith.constant 80 : i32
        %mul3A_104 = arith.muli %add3A_102, %mul3A_103 : i32
        %dma_wait3A_105 = tpu.memref_slice %arg7[%mul3A_104] : memref<2000xi32, #tpu.memory_space<vmem>> -> memref<80xi32, #tpu.memory_space<vmem>>
        %dma_wait3A_106 = arith.constant 0 : i32
        %dma_wait3A_107 = arith.constant 0 : i32
        %dma_wait3A_108 = tpu.memref_slice %arg2[%dma_wait3A_106, %dma_wait3A_107] : memref<10000x128xf32, #tpu.memory_space<hbm>> -> memref<10000x128xf32, #tpu.memory_space<hbm>>
        tpu.wait_indirect_dma semaphore(%arg17 : memref<!tpu.dma_semaphore, #tpu.memory_space<semaphore_mem>>) src(%dma_wait3A_108 : memref<10000x128xf32, #tpu.memory_space<hbm>>) dst(%arg12 : memref<80x128xf32, #tpu.memory_space<vmem>>)
        %add3A_109 = arith.constant 4 : i32
        %add3A_110 = arith.addi %add3A_102, %add3A_109 : i32
        %sub3A_111 = arith.constant 1 : i32
        %sub3A_112 = arith.subi %add3A_110, %sub3A_111 : i32
        %lt3A_113 = arith.constant 25 : i32
        %lt3A_114 = arith.cmpi slt, %sub3A_112, %lt3A_113 : i32
        %convert_element_type3A_115 = arith.extui %lt3A_114 : i1 to i32
        %cond3A_116 = arith.constant 0 : i32
        %cond3A_117 = arith.cmpi ne, %convert_element_type3A_115, %cond3A_116 : i32
        scf.if %cond3A_117 {
          %add3A_120 = arith.constant 4 : i32
          %add3A_121 = arith.addi %add3A_102, %add3A_120 : i32
          %sub3A_122 = arith.constant 1 : i32
          %sub3A_123 = arith.subi %add3A_121, %sub3A_122 : i32
          %mul3A_124 = arith.constant 80 : i32
          %mul3A_125 = arith.muli %sub3A_123, %mul3A_124 : i32
          %dma_start3A_126 = tpu.memref_slice %arg7[%mul3A_125] : memref<2000xi32, #tpu.memory_space<vmem>> -> memref<80xi32, #tpu.memory_space<vmem>>
          %dma_start3A_127 = arith.constant 0 : i32
          %dma_start3A_128 = arith.constant 0 : i32
          %dma_start3A_129 = tpu.memref_slice %arg2[%dma_start3A_127, %dma_start3A_128] : memref<10000x128xf32, #tpu.memory_space<hbm>> -> memref<10000x128xf32, #tpu.memory_space<hbm>>
          tpu.enqueue_indirect_dma source(%dma_start3A_129 : memref<10000x128xf32, #tpu.memory_space<hbm>>) target(%arg11 : memref<80x128xf32, #tpu.memory_space<vmem>>) offsets(%dma_start3A_126 : memref<80xi32, #tpu.memory_space<vmem>>) semaphore(%arg16 : memref<!tpu.dma_semaphore, #tpu.memory_space<semaphore_mem>>)
        } else {
        }
        %mul3A_118 = arith.constant 80 : i32
        %mul3A_119 = arith.muli %add3A_102, %mul3A_118 : i32
        "tpu.region"() ({
          %run_scoped3A = tpu.sem_alloc : memref<!tpu.dma_semaphore, #tpu.memory_space<semaphore_mem>>
          %dma_start3A_120 = tpu.memref_slice %arg8[%mul3A_119] : memref<2000xi32, #tpu.memory_space<vmem>> -> memref<80xi32, #tpu.memory_space<vmem>>
          %dma_start3A_121 = arith.constant 0 : i32
          %dma_start3A_122 = arith.constant 0 : i32
          %dma_start3A_123 = tpu.memref_slice %arg13[%dma_start3A_121, %dma_start3A_122] : memref<10240x128xf32, #tpu.memory_space<vmem_shared>> -> memref<10240x128xf32, #tpu.memory_space<vmem_shared>>
          tpu.enqueue_indirect_dma source(%arg12 : memref<80x128xf32, #tpu.memory_space<vmem>>) target(%dma_start3A_123 : memref<10240x128xf32, #tpu.memory_space<vmem_shared>>) offsets(%dma_start3A_120 : memref<80xi32, #tpu.memory_space<vmem>>) semaphore(%run_scoped3A : memref<!tpu.dma_semaphore, #tpu.memory_space<semaphore_mem>>) {add = true}
          %dma_wait3A_124 = tpu.memref_slice %arg8[%mul3A_119] : memref<2000xi32, #tpu.memory_space<vmem>> -> memref<80xi32, #tpu.memory_space<vmem>>
          %dma_wait3A_125 = arith.constant 0 : i32
          %dma_wait3A_126 = arith.constant 0 : i32
          %dma_wait3A_127 = tpu.memref_slice %arg13[%dma_wait3A_125, %dma_wait3A_126] : memref<10240x128xf32, #tpu.memory_space<vmem_shared>> -> memref<10240x128xf32, #tpu.memory_space<vmem_shared>>
          tpu.wait_indirect_dma semaphore(%run_scoped3A : memref<!tpu.dma_semaphore, #tpu.memory_space<semaphore_mem>>) src(%arg12 : memref<80x128xf32, #tpu.memory_space<vmem>>) dst(%dma_wait3A_127 : memref<10240x128xf32, #tpu.memory_space<vmem_shared>>)
          tpu.yield
        }) : () -> ()
      }
      %scan3A_34 = arith.constant 6 : i32
      %dma_wait3A = arith.constant 1920 : i32
      %dma_wait3A_35 = tpu.memref_slice %arg7[%dma_wait3A] : memref<2000xi32, #tpu.memory_space<vmem>> -> memref<80xi32, #tpu.memory_space<vmem>>
      %dma_wait3A_36 = arith.constant 0 : i32
      %dma_wait3A_37 = arith.constant 0 : i32
      %dma_wait3A_38 = tpu.memref_slice %arg2[%dma_wait3A_36, %dma_wait3A_37] : memref<10000x128xf32, #tpu.memory_space<hbm>> -> memref<10000x128xf32, #tpu.memory_space<hbm>>
      tpu.wait_indirect_dma semaphore(%arg14 : memref<!tpu.dma_semaphore, #tpu.memory_space<semaphore_mem>>) src(%dma_wait3A_38 : memref<10000x128xf32, #tpu.memory_space<hbm>>) dst(%arg9 : memref<80x128xf32, #tpu.memory_space<vmem>>)
      "tpu.region"() ({
        %run_scoped3A = tpu.sem_alloc : memref<!tpu.dma_semaphore, #tpu.memory_space<semaphore_mem>>
        %dma_start3A_39 = arith.constant 1920 : i32
        %dma_start3A_40 = tpu.memref_slice %arg8[%dma_start3A_39] : memref<2000xi32, #tpu.memory_space<vmem>> -> memref<80xi32, #tpu.memory_space<vmem>>
        %dma_start3A_41 = arith.constant 0 : i32
        %dma_start3A_42 = arith.constant 0 : i32
        %dma_start3A_43 = tpu.memref_slice %arg13[%dma_start3A_41, %dma_start3A_42] : memref<10240x128xf32, #tpu.memory_space<vmem_shared>> -> memref<10240x128xf32, #tpu.memory_space<vmem_shared>>
        tpu.enqueue_indirect_dma source(%arg9 : memref<80x128xf32, #tpu.memory_space<vmem>>) target(%dma_start3A_43 : memref<10240x128xf32, #tpu.memory_space<vmem_shared>>) offsets(%dma_start3A_40 : memref<80xi32, #tpu.memory_space<vmem>>) semaphore(%run_scoped3A : memref<!tpu.dma_semaphore, #tpu.memory_space<semaphore_mem>>) {add = true}
        %dma_wait3A_44 = arith.constant 1920 : i32
        %dma_wait3A_45 = tpu.memref_slice %arg8[%dma_wait3A_44] : memref<2000xi32, #tpu.memory_space<vmem>> -> memref<80xi32, #tpu.memory_space<vmem>>
        %dma_wait3A_46 = arith.constant 0 : i32
        %dma_wait3A_47 = arith.constant 0 : i32
        %dma_wait3A_48 = tpu.memref_slice %arg13[%dma_wait3A_46, %dma_wait3A_47] : memref<10240x128xf32, #tpu.memory_space<vmem_shared>> -> memref<10240x128xf32, #tpu.memory_space<vmem_shared>>
        tpu.wait_indirect_dma semaphore(%run_scoped3A : memref<!tpu.dma_semaphore, #tpu.memory_space<semaphore_mem>>) src(%arg9 : memref<80x128xf32, #tpu.memory_space<vmem>>) dst(%dma_wait3A_48 : memref<10240x128xf32, #tpu.memory_space<vmem_shared>>)
        tpu.yield
      }) : () -> ()
    }
    %scan3A_7 = arith.constant 5 : i32
    %barrier3A_8 = arith.constant 0 : index
    tpu.barrier barrier_id(%barrier3A_8)
    "tpu.region"() ({
      %run_scoped3A = tpu.sem_alloc : memref<!tpu.dma_semaphore, #tpu.memory_space<semaphore_mem>>
      %dma_start3A = arith.constant 0 : i32
      %dma_start3A_9 = tpu.memref_slice %arg6[%arg0, %mul3A_2, %dma_start3A] : memref<2x10240x128xf32, #tpu.memory_space<hbm>> -> memref<1x640x128xf32, #tpu.memory_space<hbm>>
      %dma_start3A_10 = tpu.memref_squeeze %dma_start3A_9 : memref<1x640x128xf32, #tpu.memory_space<hbm>> -> memref<640x128xf32, #tpu.memory_space<hbm>>
      %dma_start3A_11 = arith.constant 0 : i32
      %dma_start3A_12 = tpu.memref_slice %arg13[%mul3A_2, %dma_start3A_11] : memref<10240x128xf32, #tpu.memory_space<vmem_shared>> -> memref<640x128xf32, #tpu.memory_space<vmem_shared>>
      tpu.enqueue_dma source(%dma_start3A_12 : memref<640x128xf32, #tpu.memory_space<vmem_shared>>) target(%dma_start3A_10 : memref<640x128xf32, #tpu.memory_space<hbm>>) target_semaphore(%run_scoped3A : memref<!tpu.dma_semaphore, #tpu.memory_space<semaphore_mem>>)
      %dma_wait3A = arith.constant 0 : i32
      %dma_wait3A_13 = tpu.memref_slice %arg6[%arg0, %mul3A_2, %dma_wait3A] : memref<2x10240x128xf32, #tpu.memory_space<hbm>> -> memref<1x640x128xf32, #tpu.memory_space<hbm>>
      %dma_wait3A_14 = tpu.memref_squeeze %dma_wait3A_13 : memref<1x640x128xf32, #tpu.memory_space<hbm>> -> memref<640x128xf32, #tpu.memory_space<hbm>>
      %dma_wait3A_15 = arith.constant 0 : i32
      %dma_wait3A_16 = tpu.memref_slice %arg13[%mul3A_2, %dma_wait3A_15] : memref<10240x128xf32, #tpu.memory_space<vmem_shared>> -> memref<640x128xf32, #tpu.memory_space<vmem_shared>>
      tpu.wait_dma2 semaphore(%run_scoped3A : memref<!tpu.dma_semaphore, #tpu.memory_space<semaphore_mem>>) src(%dma_wait3A_16 : memref<640x128xf32, #tpu.memory_space<vmem_shared>>) dst(%dma_wait3A_14 : memref<640x128xf32, #tpu.memory_space<hbm>>)
      tpu.yield
    }) : () -> ()
    return
  }
}

#map = affine_map<(d0, d1) -> (0, 0)>
#map1 = affine_map<(d0, d1) -> (0)>
#map2 = affine_map<(d0, d1) -> (0, 0, 0)>
module attributes {stable_mosaic.version = 14 : i64} {
  func.func @sc_sum_and_deg(%arg0: i32, %arg1: i32, %arg2: memref<10000x128xf32, #tpu.memory_space<hbm>>, %arg3: memref<320000xi32, #tpu.memory_space<hbm>>, %arg4: memref<320000xi32, #tpu.memory_space<hbm>>, %arg5: memref<10240x128xf32, #tpu.memory_space<hbm>>, %arg6: memref<80x128xf32, #tpu.memory_space<hbm>>, %arg7: memref<2x10240x128xf32, #tpu.memory_space<hbm>>, %arg8: memref<2000xi32, #tpu.memory_space<vmem>>, %arg9: memref<2000xi32, #tpu.memory_space<vmem>>, %arg10: memref<80x128xf32, #tpu.memory_space<vmem>>, %arg11: memref<80x128xf32, #tpu.memory_space<vmem>>, %arg12: memref<80x128xf32, #tpu.memory_space<vmem>>, %arg13: memref<80x128xf32, #tpu.memory_space<vmem>>, %arg14: memref<10240x128xf32, #tpu.memory_space<vmem_shared>>, %arg15: memref<!tpu.dma_semaphore, #tpu.memory_space<semaphore_mem>>, %arg16: memref<!tpu.dma_semaphore, #tpu.memory_space<semaphore_mem>>, %arg17: memref<!tpu.dma_semaphore, #tpu.memory_space<semaphore_mem>>, %arg18: memref<!tpu.dma_semaphore, #tpu.memory_space<semaphore_mem>>) attributes {dimension_semantics = [#tpu.dimension_semantics<core_parallel>, #tpu.dimension_semantics<subcore_parallel>], iteration_bounds = array<i64: 2, 16>, scalar_prefetch = 0 : i64, scratch_operands = 11 : i64, tpu.core_type = #tpu.core_type<sc_vector_subcore>, window_params = [{transform_indices = #map}, {transform_indices = #map1}, {transform_indices = #map1}, {transform_indices = #map}, {transform_indices = #map}, {transform_indices = #map2}]} {
    %mul3A = arith.constant 640 : i32
    %mul3A_0 = arith.muli %arg1, %mul3A : i32
    "tpu.region"() ({
      %run_scoped3A = tpu.sem_alloc : memref<!tpu.dma_semaphore, #tpu.memory_space<semaphore_mem>>
      %dma_start3A = arith.constant 0 : i32
      %dma_start3A_14 = tpu.memref_slice %arg14[%mul3A_0, %dma_start3A] : memref<10240x128xf32, #tpu.memory_space<vmem_shared>> -> memref<640x128xf32, #tpu.memory_space<vmem_shared>>
      %dma_start3A_15 = arith.constant 0 : i32
      %dma_start3A_16 = tpu.memref_slice %arg5[%mul3A_0, %dma_start3A_15] : memref<10240x128xf32, #tpu.memory_space<hbm>> -> memref<640x128xf32, #tpu.memory_space<hbm>>
      tpu.enqueue_dma source(%dma_start3A_16 : memref<640x128xf32, #tpu.memory_space<hbm>>) target(%dma_start3A_14 : memref<640x128xf32, #tpu.memory_space<vmem_shared>>) target_semaphore(%run_scoped3A : memref<!tpu.dma_semaphore, #tpu.memory_space<semaphore_mem>>)
      %dma_wait3A = arith.constant 0 : i32
      %dma_wait3A_17 = tpu.memref_slice %arg14[%mul3A_0, %dma_wait3A] : memref<10240x128xf32, #tpu.memory_space<vmem_shared>> -> memref<640x128xf32, #tpu.memory_space<vmem_shared>>
      %dma_wait3A_18 = arith.constant 0 : i32
      %dma_wait3A_19 = tpu.memref_slice %arg5[%mul3A_0, %dma_wait3A_18] : memref<10240x128xf32, #tpu.memory_space<hbm>> -> memref<640x128xf32, #tpu.memory_space<hbm>>
      tpu.wait_dma2 semaphore(%run_scoped3A : memref<!tpu.dma_semaphore, #tpu.memory_space<semaphore_mem>>) src(%dma_wait3A_19 : memref<640x128xf32, #tpu.memory_space<hbm>>) dst(%dma_wait3A_17 : memref<640x128xf32, #tpu.memory_space<vmem_shared>>)
      tpu.yield
    }) : () -> ()
    %eq3A = arith.constant 1 : i32
    %eq3A_1 = arith.cmpi eq, %arg0, %eq3A : i32
    %convert_element_type3A = arith.extui %eq3A_1 : i1 to i32
    %cond3A = arith.constant 0 : i32
    %cond3A_2 = arith.cmpi ne, %convert_element_type3A, %cond3A : i32
    scf.if %cond3A_2 {
      "tpu.region"() ({
        %run_scoped3A = tpu.sem_alloc : memref<!tpu.dma_semaphore, #tpu.memory_space<semaphore_mem>>
        tpu.enqueue_dma source(%arg6 : memref<80x128xf32, #tpu.memory_space<hbm>>) target(%arg10 : memref<80x128xf32, #tpu.memory_space<vmem>>) target_semaphore(%run_scoped3A : memref<!tpu.dma_semaphore, #tpu.memory_space<semaphore_mem>>)
        tpu.wait_dma2 semaphore(%run_scoped3A : memref<!tpu.dma_semaphore, #tpu.memory_space<semaphore_mem>>) src(%arg6 : memref<80x128xf32, #tpu.memory_space<hbm>>) dst(%arg10 : memref<80x128xf32, #tpu.memory_space<vmem>>)
        tpu.yield
      }) : () -> ()
    } else {
    }
    %barrier3A = arith.constant 0 : index
    tpu.barrier barrier_id(%barrier3A)
    %eq3A_3 = arith.constant 0 : i32
    %eq3A_4 = arith.cmpi eq, %arg0, %eq3A_3 : i32
    %convert_element_type3A_5 = arith.extui %eq3A_4 : i1 to i32
    %cond3A_6 = arith.constant 0 : i32
    %cond3A_7 = arith.cmpi ne, %convert_element_type3A_5, %cond3A_6 : i32
    scf.if %cond3A_7 {
      %scan3A = arith.constant 0 : i32
      %scan3A_14 = arith.constant 0 : i32
      %scan3A_15 = arith.constant 2 : i32
      %scan3A_16 = arith.addi %scan3A_14, %scan3A_15 : i32
      %scan3A_17 = arith.constant 1 : i32
      scf.for %scan3A_19 = %scan3A_14 to %scan3A_16 step %scan3A_17  : i32 {
        %mul3A_20 = arith.constant 2 : i32
        %mul3A_21 = arith.muli %arg1, %mul3A_20 : i32
        %add3A = arith.addi %mul3A_21, %scan3A_19 : i32
        %scan3A_22 = arith.constant 0 : i32
        %scan3A_23 = arith.constant 0 : i32
        %scan3A_24 = arith.constant 5 : i32
        %scan3A_25 = arith.addi %scan3A_23, %scan3A_24 : i32
        %scan3A_26 = arith.constant 1 : i32
        scf.for %scan3A_28 = %scan3A_23 to %scan3A_25 step %scan3A_26  : i32 {
          %mul3A_29 = arith.constant 10000 : i32
          %mul3A_30 = arith.muli %add3A, %mul3A_29 : i32
          %mul3A_31 = arith.constant 2000 : i32
          %mul3A_32 = arith.muli %scan3A_28, %mul3A_31 : i32
          %add3A_33 = arith.addi %mul3A_30, %mul3A_32 : i32
          "tpu.region"() ({
            %run_scoped3A = tpu.sem_alloc : memref<!tpu.dma_semaphore, #tpu.memory_space<semaphore_mem>>
            %dma_start3A_58 = tpu.memref_slice %arg4[%add3A_33] : memref<320000xi32, #tpu.memory_space<hbm>> -> memref<2000xi32, #tpu.memory_space<hbm>>
            %dma_start3A_59 = tpu.memref_slice %arg4[%add3A_33] : memref<320000xi32, #tpu.memory_space<hbm>> -> memref<2000xi32, #tpu.memory_space<hbm>>
            tpu.enqueue_dma source(%dma_start3A_59 : memref<2000xi32, #tpu.memory_space<hbm>>) target(%arg9 : memref<2000xi32, #tpu.memory_space<vmem>>) target_semaphore(%run_scoped3A : memref<!tpu.dma_semaphore, #tpu.memory_space<semaphore_mem>>)
            %dma_wait3A_60 = tpu.memref_slice %arg4[%add3A_33] : memref<320000xi32, #tpu.memory_space<hbm>> -> memref<2000xi32, #tpu.memory_space<hbm>>
            %dma_wait3A_61 = tpu.memref_slice %arg4[%add3A_33] : memref<320000xi32, #tpu.memory_space<hbm>> -> memref<2000xi32, #tpu.memory_space<hbm>>
            tpu.wait_dma2 semaphore(%run_scoped3A : memref<!tpu.dma_semaphore, #tpu.memory_space<semaphore_mem>>) src(%dma_wait3A_61 : memref<2000xi32, #tpu.memory_space<hbm>>) dst(%arg9 : memref<2000xi32, #tpu.memory_space<vmem>>)
            tpu.yield
          }) : () -> ()
          "tpu.region"() ({
            %run_scoped3A = tpu.sem_alloc : memref<!tpu.dma_semaphore, #tpu.memory_space<semaphore_mem>>
            %dma_start3A_58 = tpu.memref_slice %arg3[%add3A_33] : memref<320000xi32, #tpu.memory_space<hbm>> -> memref<2000xi32, #tpu.memory_space<hbm>>
            %dma_start3A_59 = tpu.memref_slice %arg3[%add3A_33] : memref<320000xi32, #tpu.memory_space<hbm>> -> memref<2000xi32, #tpu.memory_space<hbm>>
            tpu.enqueue_dma source(%dma_start3A_59 : memref<2000xi32, #tpu.memory_space<hbm>>) target(%arg8 : memref<2000xi32, #tpu.memory_space<vmem>>) target_semaphore(%run_scoped3A : memref<!tpu.dma_semaphore, #tpu.memory_space<semaphore_mem>>)
            %dma_wait3A_60 = tpu.memref_slice %arg3[%add3A_33] : memref<320000xi32, #tpu.memory_space<hbm>> -> memref<2000xi32, #tpu.memory_space<hbm>>
            %dma_wait3A_61 = tpu.memref_slice %arg3[%add3A_33] : memref<320000xi32, #tpu.memory_space<hbm>> -> memref<2000xi32, #tpu.memory_space<hbm>>
            tpu.wait_dma2 semaphore(%run_scoped3A : memref<!tpu.dma_semaphore, #tpu.memory_space<semaphore_mem>>) src(%dma_wait3A_61 : memref<2000xi32, #tpu.memory_space<hbm>>) dst(%arg8 : memref<2000xi32, #tpu.memory_space<vmem>>)
            tpu.yield
          }) : () -> ()
          %dma_start3A = arith.constant 0 : i32
          %dma_start3A_34 = tpu.memref_slice %arg8[%dma_start3A] : memref<2000xi32, #tpu.memory_space<vmem>> -> memref<80xi32, #tpu.memory_space<vmem>>
          %dma_start3A_35 = arith.constant 0 : i32
          %dma_start3A_36 = arith.constant 0 : i32
          %dma_start3A_37 = tpu.memref_slice %arg2[%dma_start3A_35, %dma_start3A_36] : memref<10000x128xf32, #tpu.memory_space<hbm>> -> memref<10000x128xf32, #tpu.memory_space<hbm>>
          tpu.enqueue_indirect_dma source(%dma_start3A_37 : memref<10000x128xf32, #tpu.memory_space<hbm>>) target(%arg10 : memref<80x128xf32, #tpu.memory_space<vmem>>) offsets(%dma_start3A_34 : memref<80xi32, #tpu.memory_space<vmem>>) semaphore(%arg15 : memref<!tpu.dma_semaphore, #tpu.memory_space<semaphore_mem>>)
          %dma_start3A_38 = arith.constant 80 : i32
          %dma_start3A_39 = tpu.memref_slice %arg8[%dma_start3A_38] : memref<2000xi32, #tpu.memory_space<vmem>> -> memref<80xi32, #tpu.memory_space<vmem>>
          %dma_start3A_40 = arith.constant 0 : i32
          %dma_start3A_41 = arith.constant 0 : i32
          %dma_start3A_42 = tpu.memref_slice %arg2[%dma_start3A_40, %dma_start3A_41] : memref<10000x128xf32, #tpu.memory_space<hbm>> -> memref<10000x128xf32, #tpu.memory_space<hbm>>
          tpu.enqueue_indirect_dma source(%dma_start3A_42 : memref<10000x128xf32, #tpu.memory_space<hbm>>) target(%arg11 : memref<80x128xf32, #tpu.memory_space<vmem>>) offsets(%dma_start3A_39 : memref<80xi32, #tpu.memory_space<vmem>>) semaphore(%arg16 : memref<!tpu.dma_semaphore, #tpu.memory_space<semaphore_mem>>)
          %dma_start3A_43 = arith.constant 160 : i32
          %dma_start3A_44 = tpu.memref_slice %arg8[%dma_start3A_43] : memref<2000xi32, #tpu.memory_space<vmem>> -> memref<80xi32, #tpu.memory_space<vmem>>
          %dma_start3A_45 = arith.constant 0 : i32
          %dma_start3A_46 = arith.constant 0 : i32
          %dma_start3A_47 = tpu.memref_slice %arg2[%dma_start3A_45, %dma_start3A_46] : memref<10000x128xf32, #tpu.memory_space<hbm>> -> memref<10000x128xf32, #tpu.memory_space<hbm>>
          tpu.enqueue_indirect_dma source(%dma_start3A_47 : memref<10000x128xf32, #tpu.memory_space<hbm>>) target(%arg12 : memref<80x128xf32, #tpu.memory_space<vmem>>) offsets(%dma_start3A_44 : memref<80xi32, #tpu.memory_space<vmem>>) semaphore(%arg17 : memref<!tpu.dma_semaphore, #tpu.memory_space<semaphore_mem>>)
          %scan3A_48 = arith.constant 0 : i32
          %scan3A_49 = arith.constant 0 : i32
          %scan3A_50 = arith.constant 6 : i32
          %scan3A_51 = arith.addi %scan3A_49, %scan3A_50 : i32
          %scan3A_52 = arith.constant 1 : i32
          scf.for %scan3A_58 = %scan3A_49 to %scan3A_51 step %scan3A_52  : i32 {
            %mul3A_59 = arith.constant 4 : i32
            %mul3A_60 = arith.muli %scan3A_58, %mul3A_59 : i32
            %add3A_61 = arith.constant 0 : i32
            %add3A_62 = arith.addi %mul3A_60, %add3A_61 : i32
            %mul3A_63 = arith.constant 80 : i32
            %mul3A_64 = arith.muli %add3A_62, %mul3A_63 : i32
            %dma_wait3A_65 = tpu.memref_slice %arg8[%mul3A_64] : memref<2000xi32, #tpu.memory_space<vmem>> -> memref<80xi32, #tpu.memory_space<vmem>>
            %dma_wait3A_66 = arith.constant 0 : i32
            %dma_wait3A_67 = arith.constant 0 : i32
            %dma_wait3A_68 = tpu.memref_slice %arg2[%dma_wait3A_66, %dma_wait3A_67] : memref<10000x128xf32, #tpu.memory_space<hbm>> -> memref<10000x128xf32, #tpu.memory_space<hbm>>
            tpu.wait_indirect_dma semaphore(%arg15 : memref<!tpu.dma_semaphore, #tpu.memory_space<semaphore_mem>>) src(%dma_wait3A_68 : memref<10000x128xf32, #tpu.memory_space<hbm>>) dst(%arg10 : memref<80x128xf32, #tpu.memory_space<vmem>>)
            %add3A_69 = arith.constant 4 : i32
            %add3A_70 = arith.addi %add3A_62, %add3A_69 : i32
            %sub3A = arith.constant 1 : i32
            %sub3A_71 = arith.subi %add3A_70, %sub3A : i32
            %lt3A = arith.constant 25 : i32
            %lt3A_72 = arith.cmpi slt, %sub3A_71, %lt3A : i32
            %convert_element_type3A_73 = arith.extui %lt3A_72 : i1 to i32
            %cond3A_74 = arith.constant 0 : i32
            %cond3A_75 = arith.cmpi ne, %convert_element_type3A_73, %cond3A_74 : i32
            scf.if %cond3A_75 {
              %add3A_141 = arith.constant 4 : i32
              %add3A_142 = arith.addi %add3A_62, %add3A_141 : i32
              %sub3A_143 = arith.constant 1 : i32
              %sub3A_144 = arith.subi %add3A_142, %sub3A_143 : i32
              %mul3A_145 = arith.constant 80 : i32
              %mul3A_146 = arith.muli %sub3A_144, %mul3A_145 : i32
              %dma_start3A_147 = tpu.memref_slice %arg8[%mul3A_146] : memref<2000xi32, #tpu.memory_space<vmem>> -> memref<80xi32, #tpu.memory_space<vmem>>
              %dma_start3A_148 = arith.constant 0 : i32
              %dma_start3A_149 = arith.constant 0 : i32
              %dma_start3A_150 = tpu.memref_slice %arg2[%dma_start3A_148, %dma_start3A_149] : memref<10000x128xf32, #tpu.memory_space<hbm>> -> memref<10000x128xf32, #tpu.memory_space<hbm>>
              tpu.enqueue_indirect_dma source(%dma_start3A_150 : memref<10000x128xf32, #tpu.memory_space<hbm>>) target(%arg13 : memref<80x128xf32, #tpu.memory_space<vmem>>) offsets(%dma_start3A_147 : memref<80xi32, #tpu.memory_space<vmem>>) semaphore(%arg18 : memref<!tpu.dma_semaphore, #tpu.memory_space<semaphore_mem>>)
            } else {
            }
            %mul3A_76 = arith.constant 80 : i32
            %mul3A_77 = arith.muli %add3A_62, %mul3A_76 : i32
            "tpu.region"() ({
              %run_scoped3A = tpu.sem_alloc : memref<!tpu.dma_semaphore, #tpu.memory_space<semaphore_mem>>
              %dma_start3A_141 = tpu.memref_slice %arg9[%mul3A_77] : memref<2000xi32, #tpu.memory_space<vmem>> -> memref<80xi32, #tpu.memory_space<vmem>>
              %dma_start3A_142 = arith.constant 0 : i32
              %dma_start3A_143 = arith.constant 0 : i32
              %dma_start3A_144 = tpu.memref_slice %arg14[%dma_start3A_142, %dma_start3A_143] : memref<10240x128xf32, #tpu.memory_space<vmem_shared>> -> memref<10240x128xf32, #tpu.memory_space<vmem_shared>>
              tpu.enqueue_indirect_dma source(%arg10 : memref<80x128xf32, #tpu.memory_space<vmem>>) target(%dma_start3A_144 : memref<10240x128xf32, #tpu.memory_space<vmem_shared>>) offsets(%dma_start3A_141 : memref<80xi32, #tpu.memory_space<vmem>>) semaphore(%run_scoped3A : memref<!tpu.dma_semaphore, #tpu.memory_space<semaphore_mem>>) {add = true}
              %dma_wait3A_145 = tpu.memref_slice %arg9[%mul3A_77] : memref<2000xi32, #tpu.memory_space<vmem>> -> memref<80xi32, #tpu.memory_space<vmem>>
              %dma_wait3A_146 = arith.constant 0 : i32
              %dma_wait3A_147 = arith.constant 0 : i32
              %dma_wait3A_148 = tpu.memref_slice %arg14[%dma_wait3A_146, %dma_wait3A_147] : memref<10240x128xf32, #tpu.memory_space<vmem_shared>> -> memref<10240x128xf32, #tpu.memory_space<vmem_shared>>
              tpu.wait_indirect_dma semaphore(%run_scoped3A : memref<!tpu.dma_semaphore, #tpu.memory_space<semaphore_mem>>) src(%arg10 : memref<80x128xf32, #tpu.memory_space<vmem>>) dst(%dma_wait3A_148 : memref<10240x128xf32, #tpu.memory_space<vmem_shared>>)
              tpu.yield
            }) : () -> ()
            %mul3A_78 = arith.constant 4 : i32
            %mul3A_79 = arith.muli %scan3A_58, %mul3A_78 : i32
            %add3A_80 = arith.constant 1 : i32
            %add3A_81 = arith.addi %mul3A_79, %add3A_80 : i32
            %mul3A_82 = arith.constant 80 : i32
            %mul3A_83 = arith.muli %add3A_81, %mul3A_82 : i32
            %dma_wait3A_84 = tpu.memref_slice %arg8[%mul3A_83] : memref<2000xi32, #tpu.memory_space<vmem>> -> memref<80xi32, #tpu.memory_space<vmem>>
            %dma_wait3A_85 = arith.constant 0 : i32
            %dma_wait3A_86 = arith.constant 0 : i32
            %dma_wait3A_87 = tpu.memref_slice %arg2[%dma_wait3A_85, %dma_wait3A_86] : memref<10000x128xf32, #tpu.memory_space<hbm>> -> memref<10000x128xf32, #tpu.memory_space<hbm>>
            tpu.wait_indirect_dma semaphore(%arg16 : memref<!tpu.dma_semaphore, #tpu.memory_space<semaphore_mem>>) src(%dma_wait3A_87 : memref<10000x128xf32, #tpu.memory_space<hbm>>) dst(%arg11 : memref<80x128xf32, #tpu.memory_space<vmem>>)
            %add3A_88 = arith.constant 4 : i32
            %add3A_89 = arith.addi %add3A_81, %add3A_88 : i32
            %sub3A_90 = arith.constant 1 : i32
            %sub3A_91 = arith.subi %add3A_89, %sub3A_90 : i32
            %lt3A_92 = arith.constant 25 : i32
            %lt3A_93 = arith.cmpi slt, %sub3A_91, %lt3A_92 : i32
            %convert_element_type3A_94 = arith.extui %lt3A_93 : i1 to i32
            %cond3A_95 = arith.constant 0 : i32
            %cond3A_96 = arith.cmpi ne, %convert_element_type3A_94, %cond3A_95 : i32
            scf.if %cond3A_96 {
              %add3A_141 = arith.constant 4 : i32
              %add3A_142 = arith.addi %add3A_81, %add3A_141 : i32
              %sub3A_143 = arith.constant 1 : i32
              %sub3A_144 = arith.subi %add3A_142, %sub3A_143 : i32
              %mul3A_145 = arith.constant 80 : i32
              %mul3A_146 = arith.muli %sub3A_144, %mul3A_145 : i32
              %dma_start3A_147 = tpu.memref_slice %arg8[%mul3A_146] : memref<2000xi32, #tpu.memory_space<vmem>> -> memref<80xi32, #tpu.memory_space<vmem>>
              %dma_start3A_148 = arith.constant 0 : i32
              %dma_start3A_149 = arith.constant 0 : i32
              %dma_start3A_150 = tpu.memref_slice %arg2[%dma_start3A_148, %dma_start3A_149] : memref<10000x128xf32, #tpu.memory_space<hbm>> -> memref<10000x128xf32, #tpu.memory_space<hbm>>
              tpu.enqueue_indirect_dma source(%dma_start3A_150 : memref<10000x128xf32, #tpu.memory_space<hbm>>) target(%arg10 : memref<80x128xf32, #tpu.memory_space<vmem>>) offsets(%dma_start3A_147 : memref<80xi32, #tpu.memory_space<vmem>>) semaphore(%arg15 : memref<!tpu.dma_semaphore, #tpu.memory_space<semaphore_mem>>)
            } else {
            }
            %mul3A_97 = arith.constant 80 : i32
            %mul3A_98 = arith.muli %add3A_81, %mul3A_97 : i32
            "tpu.region"() ({
              %run_scoped3A = tpu.sem_alloc : memref<!tpu.dma_semaphore, #tpu.memory_space<semaphore_mem>>
              %dma_start3A_141 = tpu.memref_slice %arg9[%mul3A_98] : memref<2000xi32, #tpu.memory_space<vmem>> -> memref<80xi32, #tpu.memory_space<vmem>>
              %dma_start3A_142 = arith.constant 0 : i32
              %dma_start3A_143 = arith.constant 0 : i32
              %dma_start3A_144 = tpu.memref_slice %arg14[%dma_start3A_142, %dma_start3A_143] : memref<10240x128xf32, #tpu.memory_space<vmem_shared>> -> memref<10240x128xf32, #tpu.memory_space<vmem_shared>>
              tpu.enqueue_indirect_dma source(%arg11 : memref<80x128xf32, #tpu.memory_space<vmem>>) target(%dma_start3A_144 : memref<10240x128xf32, #tpu.memory_space<vmem_shared>>) offsets(%dma_start3A_141 : memref<80xi32, #tpu.memory_space<vmem>>) semaphore(%run_scoped3A : memref<!tpu.dma_semaphore, #tpu.memory_space<semaphore_mem>>) {add = true}
              %dma_wait3A_145 = tpu.memref_slice %arg9[%mul3A_98] : memref<2000xi32, #tpu.memory_space<vmem>> -> memref<80xi32, #tpu.memory_space<vmem>>
              %dma_wait3A_146 = arith.constant 0 : i32
              %dma_wait3A_147 = arith.constant 0 : i32
              %dma_wait3A_148 = tpu.memref_slice %arg14[%dma_wait3A_146, %dma_wait3A_147] : memref<10240x128xf32, #tpu.memory_space<vmem_shared>> -> memref<10240x128xf32, #tpu.memory_space<vmem_shared>>
              tpu.wait_indirect_dma semaphore(%run_scoped3A : memref<!tpu.dma_semaphore, #tpu.memory_space<semaphore_mem>>) src(%arg11 : memref<80x128xf32, #tpu.memory_space<vmem>>) dst(%dma_wait3A_148 : memref<10240x128xf32, #tpu.memory_space<vmem_shared>>)
              tpu.yield
            }) : () -> ()
            %mul3A_99 = arith.constant 4 : i32
            %mul3A_100 = arith.muli %scan3A_58, %mul3A_99 : i32
            %add3A_101 = arith.constant 2 : i32
            %add3A_102 = arith.addi %mul3A_100, %add3A_101 : i32
            %mul3A_103 = arith.constant 80 : i32
            %mul3A_104 = arith.muli %add3A_102, %mul3A_103 : i32
            %dma_wait3A_105 = tpu.memref_slice %arg8[%mul3A_104] : memref<2000xi32, #tpu.memory_space<vmem>> -> memref<80xi32, #tpu.memory_space<vmem>>
            %dma_wait3A_106 = arith.constant 0 : i32
            %dma_wait3A_107 = arith.constant 0 : i32
            %dma_wait3A_108 = tpu.memref_slice %arg2[%dma_wait3A_106, %dma_wait3A_107] : memref<10000x128xf32, #tpu.memory_space<hbm>> -> memref<10000x128xf32, #tpu.memory_space<hbm>>
            tpu.wait_indirect_dma semaphore(%arg17 : memref<!tpu.dma_semaphore, #tpu.memory_space<semaphore_mem>>) src(%dma_wait3A_108 : memref<10000x128xf32, #tpu.memory_space<hbm>>) dst(%arg12 : memref<80x128xf32, #tpu.memory_space<vmem>>)
            %add3A_109 = arith.constant 4 : i32
            %add3A_110 = arith.addi %add3A_102, %add3A_109 : i32
            %sub3A_111 = arith.constant 1 : i32
            %sub3A_112 = arith.subi %add3A_110, %sub3A_111 : i32
            %lt3A_113 = arith.constant 25 : i32
            %lt3A_114 = arith.cmpi slt, %sub3A_112, %lt3A_113 : i32
            %convert_element_type3A_115 = arith.extui %lt3A_114 : i1 to i32
            %cond3A_116 = arith.constant 0 : i32
            %cond3A_117 = arith.cmpi ne, %convert_element_type3A_115, %cond3A_116 : i32
            scf.if %cond3A_117 {
              %add3A_141 = arith.constant 4 : i32
              %add3A_142 = arith.addi %add3A_102, %add3A_141 : i32
              %sub3A_143 = arith.constant 1 : i32
              %sub3A_144 = arith.subi %add3A_142, %sub3A_143 : i32
              %mul3A_145 = arith.constant 80 : i32
              %mul3A_146 = arith.muli %sub3A_144, %mul3A_145 : i32
              %dma_start3A_147 = tpu.memref_slice %arg8[%mul3A_146] : memref<2000xi32, #tpu.memory_space<vmem>> -> memref<80xi32, #tpu.memory_space<vmem>>
              %dma_start3A_148 = arith.constant 0 : i32
              %dma_start3A_149 = arith.constant 0 : i32
              %dma_start3A_150 = tpu.memref_slice %arg2[%dma_start3A_148, %dma_start3A_149] : memref<10000x128xf32, #tpu.memory_space<hbm>> -> memref<10000x128xf32, #tpu.memory_space<hbm>>
              tpu.enqueue_indirect_dma source(%dma_start3A_150 : memref<10000x128xf32, #tpu.memory_space<hbm>>) target(%arg11 : memref<80x128xf32, #tpu.memory_space<vmem>>) offsets(%dma_start3A_147 : memref<80xi32, #tpu.memory_space<vmem>>) semaphore(%arg16 : memref<!tpu.dma_semaphore, #tpu.memory_space<semaphore_mem>>)
            } else {
            }
            %mul3A_118 = arith.constant 80 : i32
            %mul3A_119 = arith.muli %add3A_102, %mul3A_118 : i32
            "tpu.region"() ({
              %run_scoped3A = tpu.sem_alloc : memref<!tpu.dma_semaphore, #tpu.memory_space<semaphore_mem>>
              %dma_start3A_141 = tpu.memref_slice %arg9[%mul3A_119] : memref<2000xi32, #tpu.memory_space<vmem>> -> memref<80xi32, #tpu.memory_space<vmem>>
              %dma_start3A_142 = arith.constant 0 : i32
              %dma_start3A_143 = arith.constant 0 : i32
              %dma_start3A_144 = tpu.memref_slice %arg14[%dma_start3A_142, %dma_start3A_143] : memref<10240x128xf32, #tpu.memory_space<vmem_shared>> -> memref<10240x128xf32, #tpu.memory_space<vmem_shared>>
              tpu.enqueue_indirect_dma source(%arg12 : memref<80x128xf32, #tpu.memory_space<vmem>>) target(%dma_start3A_144 : memref<10240x128xf32, #tpu.memory_space<vmem_shared>>) offsets(%dma_start3A_141 : memref<80xi32, #tpu.memory_space<vmem>>) semaphore(%run_scoped3A : memref<!tpu.dma_semaphore, #tpu.memory_space<semaphore_mem>>) {add = true}
              %dma_wait3A_145 = tpu.memref_slice %arg9[%mul3A_119] : memref<2000xi32, #tpu.memory_space<vmem>> -> memref<80xi32, #tpu.memory_space<vmem>>
              %dma_wait3A_146 = arith.constant 0 : i32
              %dma_wait3A_147 = arith.constant 0 : i32
              %dma_wait3A_148 = tpu.memref_slice %arg14[%dma_wait3A_146, %dma_wait3A_147] : memref<10240x128xf32, #tpu.memory_space<vmem_shared>> -> memref<10240x128xf32, #tpu.memory_space<vmem_shared>>
              tpu.wait_indirect_dma semaphore(%run_scoped3A : memref<!tpu.dma_semaphore, #tpu.memory_space<semaphore_mem>>) src(%arg12 : memref<80x128xf32, #tpu.memory_space<vmem>>) dst(%dma_wait3A_148 : memref<10240x128xf32, #tpu.memory_space<vmem_shared>>)
              tpu.yield
            }) : () -> ()
            %mul3A_120 = arith.constant 4 : i32
            %mul3A_121 = arith.muli %scan3A_58, %mul3A_120 : i32
            %add3A_122 = arith.constant 3 : i32
            %add3A_123 = arith.addi %mul3A_121, %add3A_122 : i32
            %mul3A_124 = arith.constant 80 : i32
            %mul3A_125 = arith.muli %add3A_123, %mul3A_124 : i32
            %dma_wait3A_126 = tpu.memref_slice %arg8[%mul3A_125] : memref<2000xi32, #tpu.memory_space<vmem>> -> memref<80xi32, #tpu.memory_space<vmem>>
            %dma_wait3A_127 = arith.constant 0 : i32
            %dma_wait3A_128 = arith.constant 0 : i32
            %dma_wait3A_129 = tpu.memref_slice %arg2[%dma_wait3A_127, %dma_wait3A_128] : memref<10000x128xf32, #tpu.memory_space<hbm>> -> memref<10000x128xf32, #tpu.memory_space<hbm>>
            tpu.wait_indirect_dma semaphore(%arg18 : memref<!tpu.dma_semaphore, #tpu.memory_space<semaphore_mem>>) src(%dma_wait3A_129 : memref<10000x128xf32, #tpu.memory_space<hbm>>) dst(%arg13 : memref<80x128xf32, #tpu.memory_space<vmem>>)
            %add3A_130 = arith.constant 4 : i32
            %add3A_131 = arith.addi %add3A_123, %add3A_130 : i32
            %sub3A_132 = arith.constant 1 : i32
            %sub3A_133 = arith.subi %add3A_131, %sub3A_132 : i32
            %lt3A_134 = arith.constant 25 : i32
            %lt3A_135 = arith.cmpi slt, %sub3A_133, %lt3A_134 : i32
            %convert_element_type3A_136 = arith.extui %lt3A_135 : i1 to i32
            %cond3A_137 = arith.constant 0 : i32
            %cond3A_138 = arith.cmpi ne, %convert_element_type3A_136, %cond3A_137 : i32
            scf.if %cond3A_138 {
              %add3A_141 = arith.constant 4 : i32
              %add3A_142 = arith.addi %add3A_123, %add3A_141 : i32
              %sub3A_143 = arith.constant 1 : i32
              %sub3A_144 = arith.subi %add3A_142, %sub3A_143 : i32
              %mul3A_145 = arith.constant 80 : i32
              %mul3A_146 = arith.muli %sub3A_144, %mul3A_145 : i32
              %dma_start3A_147 = tpu.memref_slice %arg8[%mul3A_146] : memref<2000xi32, #tpu.memory_space<vmem>> -> memref<80xi32, #tpu.memory_space<vmem>>
              %dma_start3A_148 = arith.constant 0 : i32
              %dma_start3A_149 = arith.constant 0 : i32
              %dma_start3A_150 = tpu.memref_slice %arg2[%dma_start3A_148, %dma_start3A_149] : memref<10000x128xf32, #tpu.memory_space<hbm>> -> memref<10000x128xf32, #tpu.memory_space<hbm>>
              tpu.enqueue_indirect_dma source(%dma_start3A_150 : memref<10000x128xf32, #tpu.memory_space<hbm>>) target(%arg12 : memref<80x128xf32, #tpu.memory_space<vmem>>) offsets(%dma_start3A_147 : memref<80xi32, #tpu.memory_space<vmem>>) semaphore(%arg17 : memref<!tpu.dma_semaphore, #tpu.memory_space<semaphore_mem>>)
            } else {
            }
            %mul3A_139 = arith.constant 80 : i32
            %mul3A_140 = arith.muli %add3A_123, %mul3A_139 : i32
            "tpu.region"() ({
              %run_scoped3A = tpu.sem_alloc : memref<!tpu.dma_semaphore, #tpu.memory_space<semaphore_mem>>
              %dma_start3A_141 = tpu.memref_slice %arg9[%mul3A_140] : memref<2000xi32, #tpu.memory_space<vmem>> -> memref<80xi32, #tpu.memory_space<vmem>>
              %dma_start3A_142 = arith.constant 0 : i32
              %dma_start3A_143 = arith.constant 0 : i32
              %dma_start3A_144 = tpu.memref_slice %arg14[%dma_start3A_142, %dma_start3A_143] : memref<10240x128xf32, #tpu.memory_space<vmem_shared>> -> memref<10240x128xf32, #tpu.memory_space<vmem_shared>>
              tpu.enqueue_indirect_dma source(%arg13 : memref<80x128xf32, #tpu.memory_space<vmem>>) target(%dma_start3A_144 : memref<10240x128xf32, #tpu.memory_space<vmem_shared>>) offsets(%dma_start3A_141 : memref<80xi32, #tpu.memory_space<vmem>>) semaphore(%run_scoped3A : memref<!tpu.dma_semaphore, #tpu.memory_space<semaphore_mem>>) {add = true}
              %dma_wait3A_145 = tpu.memref_slice %arg9[%mul3A_140] : memref<2000xi32, #tpu.memory_space<vmem>> -> memref<80xi32, #tpu.memory_space<vmem>>
              %dma_wait3A_146 = arith.constant 0 : i32
              %dma_wait3A_147 = arith.constant 0 : i32
              %dma_wait3A_148 = tpu.memref_slice %arg14[%dma_wait3A_146, %dma_wait3A_147] : memref<10240x128xf32, #tpu.memory_space<vmem_shared>> -> memref<10240x128xf32, #tpu.memory_space<vmem_shared>>
              tpu.wait_indirect_dma semaphore(%run_scoped3A : memref<!tpu.dma_semaphore, #tpu.memory_space<semaphore_mem>>) src(%arg13 : memref<80x128xf32, #tpu.memory_space<vmem>>) dst(%dma_wait3A_148 : memref<10240x128xf32, #tpu.memory_space<vmem_shared>>)
              tpu.yield
            }) : () -> ()
          }
          %scan3A_53 = arith.constant 6 : i32
          %dma_wait3A = arith.constant 1920 : i32
          %dma_wait3A_54 = tpu.memref_slice %arg8[%dma_wait3A] : memref<2000xi32, #tpu.memory_space<vmem>> -> memref<80xi32, #tpu.memory_space<vmem>>
          %dma_wait3A_55 = arith.constant 0 : i32
          %dma_wait3A_56 = arith.constant 0 : i32
          %dma_wait3A_57 = tpu.memref_slice %arg2[%dma_wait3A_55, %dma_wait3A_56] : memref<10000x128xf32, #tpu.memory_space<hbm>> -> memref<10000x128xf32, #tpu.memory_space<hbm>>
          tpu.wait_indirect_dma semaphore(%arg15 : memref<!tpu.dma_semaphore, #tpu.memory_space<semaphore_mem>>) src(%dma_wait3A_57 : memref<10000x128xf32, #tpu.memory_space<hbm>>) dst(%arg10 : memref<80x128xf32, #tpu.memory_space<vmem>>)
          "tpu.region"() ({
            %run_scoped3A = tpu.sem_alloc : memref<!tpu.dma_semaphore, #tpu.memory_space<semaphore_mem>>
            %dma_start3A_58 = arith.constant 1920 : i32
            %dma_start3A_59 = tpu.memref_slice %arg9[%dma_start3A_58] : memref<2000xi32, #tpu.memory_space<vmem>> -> memref<80xi32, #tpu.memory_space<vmem>>
            %dma_start3A_60 = arith.constant 0 : i32
            %dma_start3A_61 = arith.constant 0 : i32
            %dma_start3A_62 = tpu.memref_slice %arg14[%dma_start3A_60, %dma_start3A_61] : memref<10240x128xf32, #tpu.memory_space<vmem_shared>> -> memref<10240x128xf32, #tpu.memory_space<vmem_shared>>
            tpu.enqueue_indirect_dma source(%arg10 : memref<80x128xf32, #tpu.memory_space<vmem>>) target(%dma_start3A_62 : memref<10240x128xf32, #tpu.memory_space<vmem_shared>>) offsets(%dma_start3A_59 : memref<80xi32, #tpu.memory_space<vmem>>) semaphore(%run_scoped3A : memref<!tpu.dma_semaphore, #tpu.memory_space<semaphore_mem>>) {add = true}
            %dma_wait3A_63 = arith.constant 1920 : i32
            %dma_wait3A_64 = tpu.memref_slice %arg9[%dma_wait3A_63] : memref<2000xi32, #tpu.memory_space<vmem>> -> memref<80xi32, #tpu.memory_space<vmem>>
            %dma_wait3A_65 = arith.constant 0 : i32
            %dma_wait3A_66 = arith.constant 0 : i32
            %dma_wait3A_67 = tpu.memref_slice %arg14[%dma_wait3A_65, %dma_wait3A_66] : memref<10240x128xf32, #tpu.memory_space<vmem_shared>> -> memref<10240x128xf32, #tpu.memory_space<vmem_shared>>
            tpu.wait_indirect_dma semaphore(%run_scoped3A : memref<!tpu.dma_semaphore, #tpu.memory_space<semaphore_mem>>) src(%arg10 : memref<80x128xf32, #tpu.memory_space<vmem>>) dst(%dma_wait3A_67 : memref<10240x128xf32, #tpu.memory_space<vmem_shared>>)
            tpu.yield
          }) : () -> ()
        }
        %scan3A_27 = arith.constant 5 : i32
      }
      %scan3A_18 = arith.constant 2 : i32
    } else {
    }
    %eq3A_8 = arith.constant 1 : i32
    %eq3A_9 = arith.cmpi eq, %arg0, %eq3A_8 : i32
    %convert_element_type3A_10 = arith.extui %eq3A_9 : i1 to i32
    %cond3A_11 = arith.constant 0 : i32
    %cond3A_12 = arith.cmpi ne, %convert_element_type3A_10, %cond3A_11 : i32
    scf.if %cond3A_12 {
      %scan3A = arith.constant 0 : i32
      %scan3A_14 = arith.constant 0 : i32
      %scan3A_15 = arith.constant 2 : i32
      %scan3A_16 = arith.addi %scan3A_14, %scan3A_15 : i32
      %scan3A_17 = arith.constant 1 : i32
      scf.for %scan3A_19 = %scan3A_14 to %scan3A_16 step %scan3A_17  : i32 {
        %mul3A_20 = arith.constant 2 : i32
        %mul3A_21 = arith.muli %arg1, %mul3A_20 : i32
        %add3A = arith.addi %mul3A_21, %scan3A_19 : i32
        %scan3A_22 = arith.constant 0 : i32
        %scan3A_23 = arith.constant 0 : i32
        %scan3A_24 = arith.constant 5 : i32
        %scan3A_25 = arith.addi %scan3A_23, %scan3A_24 : i32
        %scan3A_26 = arith.constant 1 : i32
        scf.for %scan3A_28 = %scan3A_23 to %scan3A_25 step %scan3A_26  : i32 {
          %mul3A_29 = arith.constant 10000 : i32
          %mul3A_30 = arith.muli %add3A, %mul3A_29 : i32
          %mul3A_31 = arith.constant 2000 : i32
          %mul3A_32 = arith.muli %scan3A_28, %mul3A_31 : i32
          %add3A_33 = arith.addi %mul3A_30, %mul3A_32 : i32
          "tpu.region"() ({
            %run_scoped3A = tpu.sem_alloc : memref<!tpu.dma_semaphore, #tpu.memory_space<semaphore_mem>>
            %dma_start3A = tpu.memref_slice %arg4[%add3A_33] : memref<320000xi32, #tpu.memory_space<hbm>> -> memref<2000xi32, #tpu.memory_space<hbm>>
            %dma_start3A_40 = tpu.memref_slice %arg4[%add3A_33] : memref<320000xi32, #tpu.memory_space<hbm>> -> memref<2000xi32, #tpu.memory_space<hbm>>
            tpu.enqueue_dma source(%dma_start3A_40 : memref<2000xi32, #tpu.memory_space<hbm>>) target(%arg9 : memref<2000xi32, #tpu.memory_space<vmem>>) target_semaphore(%run_scoped3A : memref<!tpu.dma_semaphore, #tpu.memory_space<semaphore_mem>>)
            %dma_wait3A = tpu.memref_slice %arg4[%add3A_33] : memref<320000xi32, #tpu.memory_space<hbm>> -> memref<2000xi32, #tpu.memory_space<hbm>>
            %dma_wait3A_41 = tpu.memref_slice %arg4[%add3A_33] : memref<320000xi32, #tpu.memory_space<hbm>> -> memref<2000xi32, #tpu.memory_space<hbm>>
            tpu.wait_dma2 semaphore(%run_scoped3A : memref<!tpu.dma_semaphore, #tpu.memory_space<semaphore_mem>>) src(%dma_wait3A_41 : memref<2000xi32, #tpu.memory_space<hbm>>) dst(%arg9 : memref<2000xi32, #tpu.memory_space<vmem>>)
            tpu.yield
          }) : () -> ()
          %scan3A_34 = arith.constant 0 : i32
          %scan3A_35 = arith.constant 0 : i32
          %scan3A_36 = arith.constant 25 : i32
          %scan3A_37 = arith.addi %scan3A_35, %scan3A_36 : i32
          %scan3A_38 = arith.constant 1 : i32
          scf.for %scan3A_40 = %scan3A_35 to %scan3A_37 step %scan3A_38  : i32 {
            %mul3A_41 = arith.constant 80 : i32
            %mul3A_42 = arith.muli %scan3A_40, %mul3A_41 : i32
            "tpu.region"() ({
              %run_scoped3A = tpu.sem_alloc : memref<!tpu.dma_semaphore, #tpu.memory_space<semaphore_mem>>
              %dma_start3A = tpu.memref_slice %arg9[%mul3A_42] : memref<2000xi32, #tpu.memory_space<vmem>> -> memref<80xi32, #tpu.memory_space<vmem>>
              %dma_start3A_43 = arith.constant 0 : i32
              %dma_start3A_44 = arith.constant 0 : i32
              %dma_start3A_45 = tpu.memref_slice %arg14[%dma_start3A_43, %dma_start3A_44] : memref<10240x128xf32, #tpu.memory_space<vmem_shared>> -> memref<10240x128xf32, #tpu.memory_space<vmem_shared>>
              tpu.enqueue_indirect_dma source(%arg10 : memref<80x128xf32, #tpu.memory_space<vmem>>) target(%dma_start3A_45 : memref<10240x128xf32, #tpu.memory_space<vmem_shared>>) offsets(%dma_start3A : memref<80xi32, #tpu.memory_space<vmem>>) semaphore(%run_scoped3A : memref<!tpu.dma_semaphore, #tpu.memory_space<semaphore_mem>>) {add = true}
              %dma_wait3A = tpu.memref_slice %arg9[%mul3A_42] : memref<2000xi32, #tpu.memory_space<vmem>> -> memref<80xi32, #tpu.memory_space<vmem>>
              %dma_wait3A_46 = arith.constant 0 : i32
              %dma_wait3A_47 = arith.constant 0 : i32
              %dma_wait3A_48 = tpu.memref_slice %arg14[%dma_wait3A_46, %dma_wait3A_47] : memref<10240x128xf32, #tpu.memory_space<vmem_shared>> -> memref<10240x128xf32, #tpu.memory_space<vmem_shared>>
              tpu.wait_indirect_dma semaphore(%run_scoped3A : memref<!tpu.dma_semaphore, #tpu.memory_space<semaphore_mem>>) src(%arg10 : memref<80x128xf32, #tpu.memory_space<vmem>>) dst(%dma_wait3A_48 : memref<10240x128xf32, #tpu.memory_space<vmem_shared>>)
              tpu.yield
            }) : () -> ()
          }
          %scan3A_39 = arith.constant 25 : i32
        }
        %scan3A_27 = arith.constant 5 : i32
      }
      %scan3A_18 = arith.constant 2 : i32
    } else {
    }
    %barrier3A_13 = arith.constant 0 : index
    tpu.barrier barrier_id(%barrier3A_13)
    "tpu.region"() ({
      %run_scoped3A = tpu.sem_alloc : memref<!tpu.dma_semaphore, #tpu.memory_space<semaphore_mem>>
      %dma_start3A = arith.constant 0 : i32
      %dma_start3A_14 = tpu.memref_slice %arg7[%arg0, %mul3A_0, %dma_start3A] : memref<2x10240x128xf32, #tpu.memory_space<hbm>> -> memref<1x640x128xf32, #tpu.memory_space<hbm>>
      %dma_start3A_15 = tpu.memref_squeeze %dma_start3A_14 : memref<1x640x128xf32, #tpu.memory_space<hbm>> -> memref<640x128xf32, #tpu.memory_space<hbm>>
      %dma_start3A_16 = arith.constant 0 : i32
      %dma_start3A_17 = tpu.memref_slice %arg14[%mul3A_0, %dma_start3A_16] : memref<10240x128xf32, #tpu.memory_space<vmem_shared>> -> memref<640x128xf32, #tpu.memory_space<vmem_shared>>
      tpu.enqueue_dma source(%dma_start3A_17 : memref<640x128xf32, #tpu.memory_space<vmem_shared>>) target(%dma_start3A_15 : memref<640x128xf32, #tpu.memory_space<hbm>>) target_semaphore(%run_scoped3A : memref<!tpu.dma_semaphore, #tpu.memory_space<semaphore_mem>>)
      %dma_wait3A = arith.constant 0 : i32
      %dma_wait3A_18 = tpu.memref_slice %arg7[%arg0, %mul3A_0, %dma_wait3A] : memref<2x10240x128xf32, #tpu.memory_space<hbm>> -> memref<1x640x128xf32, #tpu.memory_space<hbm>>
      %dma_wait3A_19 = tpu.memref_squeeze %dma_wait3A_18 : memref<1x640x128xf32, #tpu.memory_space<hbm>> -> memref<640x128xf32, #tpu.memory_space<hbm>>
      %dma_wait3A_20 = arith.constant 0 : i32
      %dma_wait3A_21 = tpu.memref_slice %arg14[%mul3A_0, %dma_wait3A_20] : memref<10240x128xf32, #tpu.memory_space<vmem_shared>> -> memref<640x128xf32, #tpu.memory_space<vmem_shared>>
      tpu.wait_dma2 semaphore(%run_scoped3A : memref<!tpu.dma_semaphore, #tpu.memory_space<semaphore_mem>>) src(%dma_wait3A_21 : memref<640x128xf32, #tpu.memory_space<vmem_shared>>) dst(%dma_wait3A_19 : memref<640x128xf32, #tpu.memory_space<hbm>>)
      tpu.yield
    }) : () -> ()
    return
  }
}

module attributes {stable_mosaic.version = 14 : i64} {
  func.func @_tc_sage_body(%arg0: i32, %arg1: memref<1000x128xf32, #tpu.memory_space<vmem>>, %arg2: memref<1x1000x128xf32, #tpu.memory_space<vmem>>, %arg3: memref<1x1000x128xf32, #tpu.memory_space<vmem>>, %arg4: memref<128x128xf32, #tpu.memory_space<vmem>>, %arg5: memref<128x128xf32, #tpu.memory_space<vmem>>, %arg6: memref<1x128xf32, #tpu.memory_space<vmem>>, %arg7: memref<1000x128xf32, #tpu.memory_space<vmem>>) attributes {dimension_semantics = [#tpu.dimension_semantics<arbitrary>], iteration_bounds = array<i64: 10>, scalar_prefetch = 0 : i64, scratch_operands = 0 : i64, tpu.core_type = #tpu.core_type<tc>, window_params = [{transform_indices = @transform_0, window_bounds = array<i64: 1000, 128>}, {transform_indices = @transform_1, window_bounds = array<i64: 1, 1000, 128>}, {transform_indices = @transform_2, window_bounds = array<i64: 1, 1000, 128>}, {pipeline_mode = #tpu.pipeline_mode<synchronous>, transform_indices = @transform_3, window_bounds = array<i64: 128, 128>}, {pipeline_mode = #tpu.pipeline_mode<synchronous>, transform_indices = @transform_4, window_bounds = array<i64: 128, 128>}, {pipeline_mode = #tpu.pipeline_mode<synchronous>, transform_indices = @transform_5, window_bounds = array<i64: 1, 128>}, {transform_indices = @transform_6, window_bounds = array<i64: 1000, 128>}]} {
    %get3A = arith.constant 0 : index
    %get3A_0 = arith.constant 0 : index
    %get3A_1 = arith.constant 0 : index
    %get3A_2 = vector.load %arg3[%get3A, %get3A_0, %get3A_1] : memref<1x1000x128xf32, #tpu.memory_space<vmem>>, vector<1x1000x128xf32>
    %get3A_3 = vector.shape_cast %get3A_2 : vector<1x1000x128xf32> to vector<1000x128xf32>
    %max3A = arith.constant 1.000000e+00 : f32
    %max3A_4 = vector.broadcast %max3A : f32 to vector<1000x128xf32>
    %max3A_5 = arith.maximumf %get3A_3, %max3A_4 : vector<1000x128xf32>
    %get3A_6 = arith.constant 0 : index
    %get3A_7 = arith.constant 0 : index
    %get3A_8 = arith.constant 0 : index
    %get3A_9 = vector.load %arg2[%get3A_6, %get3A_7, %get3A_8] : memref<1x1000x128xf32, #tpu.memory_space<vmem>>, vector<1x1000x128xf32>
    %get3A_10 = vector.shape_cast %get3A_9 : vector<1x1000x128xf32> to vector<1000x128xf32>
    %div3A = arith.divf %get3A_10, %max3A_5 : vector<1000x128xf32>
    %get3A_11 = arith.constant 0 : index
    %get3A_12 = arith.constant 0 : index
    %get3A_13 = vector.load %arg1[%get3A_11, %get3A_12] : memref<1000x128xf32, #tpu.memory_space<vmem>>, vector<1000x128xf32>
    %get3A_14 = arith.constant 0 : index
    %get3A_15 = arith.constant 0 : index
    %get3A_16 = vector.load %arg4[%get3A_14, %get3A_15] : memref<128x128xf32, #tpu.memory_space<vmem>>, vector<128x128xf32>
    %dot_general3A = arith.constant dense<0.000000e+00> : vector<1000x128xf32>
    %dot_general3A_17 = tpu.matmul %get3A_13, %get3A_16, %dot_general3A {dimension_numbers = #tpu.dot_dimension_numbers<[1], [0], [0], [1], [0, 0, 1, 1], [], []>, transpose_lhs_hint = false} : vector<1000x128xf32>, vector<128x128xf32>, vector<1000x128xf32> -> vector<1000x128xf32>
    %get3A_18 = arith.constant 0 : index
    %get3A_19 = arith.constant 0 : index
    %get3A_20 = vector.load %arg5[%get3A_18, %get3A_19] : memref<128x128xf32, #tpu.memory_space<vmem>>, vector<128x128xf32>
    %dot_general3A_21 = arith.constant dense<0.000000e+00> : vector<1000x128xf32>
    %dot_general3A_22 = tpu.matmul %div3A, %get3A_20, %dot_general3A_21 {dimension_numbers = #tpu.dot_dimension_numbers<[1], [0], [0], [1], [0, 0, 1, 1], [], []>, transpose_lhs_hint = false} : vector<1000x128xf32>, vector<128x128xf32>, vector<1000x128xf32> -> vector<1000x128xf32>
    %add3A = arith.addf %dot_general3A_17, %dot_general3A_22 : vector<1000x128xf32>
    %get3A_23 = arith.constant 0 : index
    %get3A_24 = arith.constant 0 : index
    %get3A_25 = vector.load %arg6[%get3A_23, %get3A_24] : memref<1x128xf32, #tpu.memory_space<vmem>>, vector<1x128xf32>
    %add3A_26 = vector.broadcast %get3A_25 : vector<1x128xf32> to vector<1000x128xf32>
    %add3A_27 = arith.addf %add3A, %add3A_26 : vector<1000x128xf32>
    %max3A_28 = arith.constant 0.000000e+00 : f32
    %max3A_29 = vector.broadcast %max3A_28 : f32 to vector<1000x128xf32>
    %max3A_30 = arith.maximumf %add3A_27, %max3A_29 : vector<1000x128xf32>
    %swap3A = arith.constant 0 : index
    %swap3A_31 = arith.constant 0 : index
    %swap3A_32 = vector.load %arg7[%swap3A, %swap3A_31] : memref<1000x128xf32, #tpu.memory_space<vmem>>, vector<1000x128xf32>
    tpu.vector_store %arg7[%swap3A, %swap3A_31], %max3A_30 {strides = array<i32>} : memref<1000x128xf32, #tpu.memory_space<vmem>>, vector<1000x128xf32>,
    return
  }
  func.func @transform_0(%arg0: i32) -> (i32, i32) {
    %c0_i32 = arith.constant 0 : i32
    %c0_i32_0 = arith.constant 0 : i32
    return %arg0, %c0_i32 : i32, i32
  }
  func.func @transform_1(%arg0: i32) -> (i32, i32, i32) {
    %c0_i32 = arith.constant 0 : i32
    %c0_i32_0 = arith.constant 0 : i32
    %c0_i32_1 = arith.constant 0 : i32
    return %c0_i32, %arg0, %c0_i32_0 : i32, i32, i32
  }
  func.func @transform_2(%arg0: i32) -> (i32, i32, i32) {
    %c1_i32 = arith.constant 1 : i32
    %c0_i32 = arith.constant 0 : i32
    %c0_i32_0 = arith.constant 0 : i32
    return %c1_i32, %arg0, %c0_i32 : i32, i32, i32
  }
  func.func @transform_3(%arg0: i32) -> (i32, i32) {
    %c0_i32 = arith.constant 0 : i32
    %c0_i32_0 = arith.constant 0 : i32
    %c0_i32_1 = arith.constant 0 : i32
    return %c0_i32, %c0_i32_0 : i32, i32
  }
  func.func @transform_4(%arg0: i32) -> (i32, i32) {
    %c0_i32 = arith.constant 0 : i32
    %c0_i32_0 = arith.constant 0 : i32
    %c0_i32_1 = arith.constant 0 : i32
    return %c0_i32, %c0_i32_0 : i32, i32
  }
  func.func @transform_5(%arg0: i32) -> (i32, i32) {
    %c0_i32 = arith.constant 0 : i32
    %c0_i32_0 = arith.constant 0 : i32
    %c0_i32_1 = arith.constant 0 : i32
    return %c0_i32, %c0_i32_0 : i32, i32
  }
  func.func @transform_6(%arg0: i32) -> (i32, i32) {
    %c0_i32 = arith.constant 0 : i32
    %c0_i32_0 = arith.constant 0 : i32
    return %arg0, %c0_i32 : i32, i32
  }
}

module attributes {stable_mosaic.version = 14 : i64} {
  func.func @_tc_sage_body(%arg0: i32, %arg1: memref<1000x128xf32, #tpu.memory_space<vmem>>, %arg2: memref<2x1000x128xf32, #tpu.memory_space<vmem>>, %arg3: memref<1x1000x128xf32, #tpu.memory_space<vmem>>, %arg4: memref<128x1024xf32, #tpu.memory_space<vmem>>, %arg5: memref<128x1024xf32, #tpu.memory_space<vmem>>, %arg6: memref<1x1024xf32, #tpu.memory_space<vmem>>, %arg7: memref<1000x1024xf32, #tpu.memory_space<vmem>>) attributes {dimension_semantics = [#tpu.dimension_semantics<arbitrary>], iteration_bounds = array<i64: 10>, scalar_prefetch = 0 : i64, scratch_operands = 0 : i64, tpu.core_type = #tpu.core_type<tc>, window_params = [{transform_indices = @transform_0, window_bounds = array<i64: 1000, 128>}, {transform_indices = @transform_1, window_bounds = array<i64: 2, 1000, 128>}, {transform_indices = @transform_2, window_bounds = array<i64: 1, 1000, 128>}, {pipeline_mode = #tpu.pipeline_mode<synchronous>, transform_indices = @transform_3, window_bounds = array<i64: 128, 1024>}, {pipeline_mode = #tpu.pipeline_mode<synchronous>, transform_indices = @transform_4, window_bounds = array<i64: 128, 1024>}, {pipeline_mode = #tpu.pipeline_mode<synchronous>, transform_indices = @transform_5, window_bounds = array<i64: 1, 1024>}, {transform_indices = @transform_6, window_bounds = array<i64: 1000, 1024>}]} {
    %get3A = arith.constant 0 : index
    %get3A_0 = arith.constant 0 : index
    %get3A_1 = arith.constant 0 : index
    %get3A_2 = vector.load %arg3[%get3A, %get3A_0, %get3A_1] : memref<1x1000x128xf32, #tpu.memory_space<vmem>>, vector<1x1000x128xf32>
    %get3A_3 = vector.shape_cast %get3A_2 : vector<1x1000x128xf32> to vector<1000x128xf32>
    %max3A = arith.constant 1.000000e+00 : f32
    %max3A_4 = vector.broadcast %max3A : f32 to vector<1000x128xf32>
    %max3A_5 = arith.maximumf %get3A_3, %max3A_4 : vector<1000x128xf32>
    %get3A_6 = arith.constant 0 : index
    %get3A_7 = arith.constant 0 : index
    %get3A_8 = arith.constant 0 : index
    %get3A_9 = vector.load %arg2[%get3A_6, %get3A_7, %get3A_8] : memref<2x1000x128xf32, #tpu.memory_space<vmem>>, vector<1x1000x128xf32>
    %get3A_10 = vector.shape_cast %get3A_9 : vector<1x1000x128xf32> to vector<1000x128xf32>
    %get3A_11 = arith.constant 1 : index
    %get3A_12 = arith.constant 0 : index
    %get3A_13 = arith.constant 0 : index
    %get3A_14 = vector.load %arg2[%get3A_11, %get3A_12, %get3A_13] : memref<2x1000x128xf32, #tpu.memory_space<vmem>>, vector<1x1000x128xf32>
    %get3A_15 = vector.shape_cast %get3A_14 : vector<1x1000x128xf32> to vector<1000x128xf32>
    %add3A = arith.addf %get3A_10, %get3A_15 : vector<1000x128xf32>
    %div3A = arith.divf %add3A, %max3A_5 : vector<1000x128xf32>
    %get3A_16 = arith.constant 0 : index
    %get3A_17 = arith.constant 0 : index
    %get3A_18 = vector.load %arg1[%get3A_16, %get3A_17] : memref<1000x128xf32, #tpu.memory_space<vmem>>, vector<1000x128xf32>
    %get3A_19 = arith.constant 0 : index
    %get3A_20 = arith.constant 0 : index
    %get3A_21 = vector.load %arg4[%get3A_19, %get3A_20] : memref<128x1024xf32, #tpu.memory_space<vmem>>, vector<128x1024xf32>
    %dot_general3A = arith.constant dense<0.000000e+00> : vector<1000x1024xf32>
    %dot_general3A_22 = tpu.matmul %get3A_18, %get3A_21, %dot_general3A {dimension_numbers = #tpu.dot_dimension_numbers<[1], [0], [0], [1], [0, 0, 1, 1], [], []>, transpose_lhs_hint = false} : vector<1000x128xf32>, vector<128x1024xf32>, vector<1000x1024xf32> -> vector<1000x1024xf32>
    %get3A_23 = arith.constant 0 : index
    %get3A_24 = arith.constant 0 : index
    %get3A_25 = vector.load %arg5[%get3A_23, %get3A_24] : memref<128x1024xf32, #tpu.memory_space<vmem>>, vector<128x1024xf32>
    %dot_general3A_26 = arith.constant dense<0.000000e+00> : vector<1000x1024xf32>
    %dot_general3A_27 = tpu.matmul %div3A, %get3A_25, %dot_general3A_26 {dimension_numbers = #tpu.dot_dimension_numbers<[1], [0], [0], [1], [0, 0, 1, 1], [], []>, transpose_lhs_hint = false} : vector<1000x128xf32>, vector<128x1024xf32>, vector<1000x1024xf32> -> vector<1000x1024xf32>
    %add3A_28 = arith.addf %dot_general3A_22, %dot_general3A_27 : vector<1000x1024xf32>
    %get3A_29 = arith.constant 0 : index
    %get3A_30 = arith.constant 0 : index
    %get3A_31 = vector.load %arg6[%get3A_29, %get3A_30] : memref<1x1024xf32, #tpu.memory_space<vmem>>, vector<1x1024xf32>
    %add3A_32 = vector.broadcast %get3A_31 : vector<1x1024xf32> to vector<1000x1024xf32>
    %add3A_33 = arith.addf %add3A_28, %add3A_32 : vector<1000x1024xf32>
    %max3A_34 = arith.constant 0.000000e+00 : f32
    %max3A_35 = vector.broadcast %max3A_34 : f32 to vector<1000x1024xf32>
    %max3A_36 = arith.maximumf %add3A_33, %max3A_35 : vector<1000x1024xf32>
    %swap3A = arith.constant 0 : index
    %swap3A_37 = arith.constant 0 : index
    %swap3A_38 = vector.load %arg7[%swap3A, %swap3A_37] : memref<1000x1024xf32, #tpu.memory_space<vmem>>, vector<1000x1024xf32>
    tpu.vector_store %arg7[%swap3A, %swap3A_37], %max3A_36 {strides = array<i32>} : memref<1000x1024xf32, #tpu.memory_space<vmem>>, vector<1000x1024xf32>,
    return
  }
  func.func @transform_0(%arg0: i32) -> (i32, i32) {
    %c0_i32 = arith.constant 0 : i32
    %c0_i32_0 = arith.constant 0 : i32
    return %arg0, %c0_i32 : i32, i32
  }
  func.func @transform_1(%arg0: i32) -> (i32, i32, i32) {
    %c0_i32 = arith.constant 0 : i32
    %c0_i32_0 = arith.constant 0 : i32
    %c0_i32_1 = arith.constant 0 : i32
    return %c0_i32, %arg0, %c0_i32_0 : i32, i32, i32
  }
  func.func @transform_2(%arg0: i32) -> (i32, i32, i32) {
    %c1_i32 = arith.constant 1 : i32
    %c0_i32 = arith.constant 0 : i32
    %c0_i32_0 = arith.constant 0 : i32
    return %c1_i32, %arg0, %c0_i32 : i32, i32, i32
  }
  func.func @transform_3(%arg0: i32) -> (i32, i32) {
    %c0_i32 = arith.constant 0 : i32
    %c0_i32_0 = arith.constant 0 : i32
    %c0_i32_1 = arith.constant 0 : i32
    return %c0_i32, %c0_i32_0 : i32, i32
  }
  func.func @transform_4(%arg0: i32) -> (i32, i32) {
    %c0_i32 = arith.constant 0 : i32
    %c0_i32_0 = arith.constant 0 : i32
    %c0_i32_1 = arith.constant 0 : i32
    return %c0_i32, %c0_i32_0 : i32, i32
  }
  func.func @transform_5(%arg0: i32) -> (i32, i32) {
    %c0_i32 = arith.constant 0 : i32
    %c0_i32_0 = arith.constant 0 : i32
    %c0_i32_1 = arith.constant 0 : i32
    return %c0_i32, %c0_i32_0 : i32, i32
  }
  func.func @transform_6(%arg0: i32) -> (i32, i32) {
    %c0_i32 = arith.constant 0 : i32
    %c0_i32_0 = arith.constant 0 : i32
    return %arg0, %c0_i32 : i32, i32
  }
}

</mosaic_0001>

<sc_bundles>
// kernel: sc_seg_sum.3.cloned.1.call-start
scs
__scs_entry_jumppad:
0x0: {  	(pc) =	sbr.rel $0x88, $3  }
0x1: {  	(tag) =	ssettag $0x0;
	lr =	simm.s32 $0x1  }
0x2: {  	[smem:$0x3F99] =	sst lr;
	_ =	strace $0xD0000000  }
0x3: {  	_ = 	snop  }
0x4: {  	_ = 	snop  }
0x5: {  	_ = 	snop  }
0x6: {  	_ = 	snop  }
0x7: {  	_ = 	snop  }
__scs_overlays_trampoline_lowered:
0x8: {  	[smem:$0x3FA8] =	sst s0  }
0x9: {  	[smem:$0x3FA9] =	sst s1  }
0xa: {  	[smem:$0x3FAA] =	sst s2  }
0xb: {  	[smem:$0x3FAB] =	sst s3  }
0xc: {  	[smem:$0x3FAC] =	sst s4  }
0xd: {  	[smem:$0x3FAD] =	sst s5  }
0xe: {  	[smem:$0x3FAE] =	sst s6  }
0xf: {  	[smem:$0x3FAF] =	sst s7  }
0x10: {  	[smem:$0x3FB0] =	sst s8  }
0x11: {  	[smem:$0x3FB1] =	sst s9;
	s0 =	simm.s32 @!p0 $0x0  }
0x12: {  	s1 =	sld [smem:$0x3F97];
	s0 =	simm.s32 @p0 $0x1  }
0x13: {  	[smem:$0x3FB2] =	sst s0;
	s0 =	simm.s32 @!p1 $0x0  }
0x14: {  	s2 =	sld [smem:$0x3F96];
	s0 =	simm.s32 @p1 $0x1  }
0x15: {  	[smem:$0x3FB3] =	sst s0;
	s0 =	simm.s32 @!p2 $0x0  }
0x16: {  	s3 =	sld [smem:$0x3FDB];
	s0 =	simm.s32 @p2 $0x1  }
0x17: {  	s4 =	simm.s32 $0x1BF5;
	[smem:$0x3FB5] =	sst s0  }
0x18: {  	s0 =	sld [smem:$0x3F98];
	_ =	swait.ge [sflag:s4], $0x0  }
0x19: {  	s7 =	sld [smem:$0x3F99]  }
0x1a: {  	s8 =	sadd.s32 $0xFFFFE003, lr  }
0x1b: {  	s9 =	sadd.s32 $0xFFFFFEF7, lr;
	s5 =	simm.s32 $0xFFFFFFFF;
	p2 =	slt.u32 s8, $0xFFFFF086  }
0x1c: {  	p1 =	slt.u32 s9, $0xF7A;
	s5 =	simm.s32 @!p2 $0x0  }
0x1d: {  	s5 =	simm.s32 @p1 $0x1;
	p0 =	seq.s32 s7, s2  }
0x1e: {  	s7 =	smul.u32 @!p0 $0xF7A, s2;
	p2 =	seq.s32 @!p0 s5, $0x0  }
0x1f: {  	s9 =	smul.u32 $0xF7A, s1;
	s8 =	simm.s32 @!p0 $0x1BF5;
	p2 =	por !p2, p0  }
0x20: {  	[sflag:s8] =	ssyncset.s32 @!p0 $0xFFFFF086;
	s6 =	sadd.s32 @!p0 s3, s7;
	s7 =	simm.s32 @!p0 $0x108  }
0x21: {  	s3 =	sadd.s32 s3, s9;
	s6 =	sadd.s32 @!p0 $0x88, s6;
	s7 =	simm.s32 @p2 $0x1082  }
0x22: {  	[simem:s7], [sflag:s8] =	dma.local @!p0 [hbm:s6], $0xF7A  }
0x23: {  	s9 =	sor.u32 $0xD0000000, s2;
	s6 =	simm.s32 $0x108;
	_ =	swait.ge @!p0 [sflag:s8], $0x0  }
0x24: {  	s3 =	sadd.s32 $0x88, s3;
	s6 =	simm.s32 @!p1 $0x1082;
	[sflag:s4] =	ssyncset.s32 $0xFFFFF086  }
0x25: {  	[simem:s6], [sflag:s4] =	dma.local [hbm:s3], $0xF7A  }
0x26: {  	[smem:$0x3F99] =	sst s1;
	(tag) =	ssettag s2;
	_ =	strace s9  }
0x27: {  	s1 =	sld [smem:$0x3FA9]  }
0x28: {  	s2 =	sld [smem:$0x3FAA]  }
0x29: {  	s4 =	sld [smem:$0x3FAC]  }
0x2a: {  	p0 =	seq.s32 s5, $0x0;
	s5 =	sld [smem:$0x3FAD]  }
0x2b: {  	s6 =	sld [smem:$0x3FAE]  }
0x2c: {  	s7 =	sld [smem:$0x3FAF]  }
0x2d: {  	s3 =	simm.s32 $0x108;
	s8 =	sld [smem:$0x3FB0]  }
0x2e: {  	s3 =	simm.s32 @!p0 $0x1082;
	s9 =	sld [smem:$0x3FB1]  }
0x2f: {  	lr =	sadd.s32 s0, s3;
	s0 =	sld [smem:$0x3FA8]  }
0x30: {  	s3 =	sld [smem:$0x3FAB]  }
0x31: {  	[smem:$0x3FB4] =	sst s10  }
0x32: {  	s10 =	sld [smem:$0x3FB2];
	_ =	sdelay $0x3  }
0x33: {  	p0 =	seq.s32 s10, $0x1;
	s10 =	sld [smem:$0x3FB4];
	_ =	sdelay $0x3  }
0x34: {  	[smem:$0x3FB4] =	sst s10  }
0x35: {  	s10 =	sld [smem:$0x3FB3];
	_ =	sdelay $0x3  }
0x36: {  	p1 =	seq.s32 s10, $0x1;
	s10 =	sld [smem:$0x3FB4];
	_ =	sdelay $0x3  }
0x37: {  	[smem:$0x3FB4] =	sst s10  }
0x38: {  	s10 =	sld [smem:$0x3FB5]  }
0x39: {  	_ = 	snop;
	(pc) =	sbr.ind lr, $3  }
0x3a: {  	_ = 	snop  }
0x3b: {  	_ = 	snop  }
0x3c: {  	p2 =	seq.s32 s10, $0x1;
	s10 =	sld [smem:$0x3FB4]  }
0x3d: {  	_ =	shalt  }
0x3e: {  	_ =	shalt  }
0x3f: {  	_ =	shalt  }
0x40: {  	_ =	shalt  }
0x41: {  	_ =	shalt  }
0x42: {  	_ =	shalt  }
0x43: {  	_ =	shalt  }
0x44: {  	_ =	shalt  }
0x45: {  	_ =	shalt  }
0x46: {  	_ =	shalt  }
0x47: {  	_ =	shalt  }
0x48: {  	_ =	shalt  }
0x49: {  	_ =	shalt  }
0x4a: {  	_ =	shalt  }
0x4b: {  	_ =	shalt  }
0x4c: {  	_ =	shalt  }
0x4d: {  	_ =	shalt  }
0x4e: {  	_ =	shalt  }
0x4f: {  	_ =	shalt  }
0x50: {  	_ =	shalt  }
0x51: {  	_ =	shalt  }
0x52: {  	_ =	shalt  }
0x53: {  	_ =	shalt  }
0x54: {  	_ =	shalt  }
0x55: {  	_ =	shalt  }
0x56: {  	_ =	shalt  }
0x57: {  	_ =	shalt  }
0x58: {  	_ =	shalt  }
0x59: {  	_ =	shalt  }
0x5a: {  	_ =	shalt  }
0x5b: {  	_ =	shalt  }
0x5c: {  	_ =	shalt  }
0x5d: {  	_ =	shalt  }
0x5e: {  	_ =	shalt  }
0x5f: {  	_ =	shalt  }
0x60: {  	_ =	shalt  }
0x61: {  	_ =	shalt  }
0x62: {  	_ =	shalt  }
0x63: {  	_ =	shalt  }
0x64: {  	_ =	shalt  }
0x65: {  	_ =	shalt  }
0x66: {  	_ =	shalt  }
0x67: {  	_ =	shalt  }
0x68: {  	_ =	shalt  }
0x69: {  	_ =	shalt  }
0x6a: {  	_ =	shalt  }
0x6b: {  	_ =	shalt  }
0x6c: {  	_ =	shalt  }
0x6d: {  	_ =	shalt  }
0x6e: {  	_ =	shalt  }
0x6f: {  	_ =	shalt  }
0x70: {  	_ =	shalt  }
0x71: {  	_ =	shalt  }
0x72: {  	_ =	shalt  }
0x73: {  	_ =	shalt  }
0x74: {  	_ =	shalt  }
0x75: {  	_ =	shalt  }
0x76: {  	_ =	shalt  }
0x77: {  	_ =	shalt  }
0x78: {  	_ =	shalt  }
0x79: {  	_ =	shalt  }
0x7a: {  	_ =	shalt  }
0x7b: {  	_ =	shalt  }
0x7c: {  	_ =	shalt  }
0x7d: {  	_ =	shalt  }
0x7e: {  	_ =	shalt  }
0x7f: {  	_ =	shalt  }
0x80: {  	_ =	shalt  }
0x81: {  	_ =	shalt  }
0x82: {  	_ =	shalt  }
0x83: {  	_ =	shalt  }
0x84: {  	_ =	shalt  }
0x85: {  	_ =	shalt  }
0x86: {  	_ =	shalt  }
0x87: {  	_ =	shalt  }
.Lfunc_end0:
.L_simem_size_0:
called_computation.2_lowered:
.L_overlay_start_0:
0x88: {  	s2 =	sld [smem:$0x3FD9]  }
0x89: {  	s3 =	sld [smem:$0x3FFE];
	_ =	sdelay $0x1  }
0x8a: {  	s1 =	srdreg.scid  }
0x8b: {  	s0 =	sand.u32 $0x1, s1  }
0x8c: {  	s17 =	sshll.u32 s0, $0xA;
	s2 =	sadd.s32 s3, s2  }
0x8d: {  	s2 =	sadd.s32 s2, s17  }
0x8e: {  	[smem:$0x3FC0] =	sst s2  }
0x8f: {  	_ = 	snop  }
0x90: {  	s2 =	sld [smem:$0x3FD0];
	(tm) =	ssettm $0x1  }
0x91: {  	s18 =	sld [smem:$0x3FFB];
	_ =	sdelay $0x3  }
0x92: {  	_ =	strace s18  }
0x93: {  	s3 =	sld [smem:$0x3FFC];
	_ =	sdelay $0x3  }
0x94: {  	_ =	strace s3  }
0x95: {  	s3 =	sld [smem:$0x3FFD];
	_ =	sdelay $0x3  }
0x96: {  	_ =	strace s3  }
0x97: {  	_ =	strace $0x8FFFFFFF  }
0x98: {  	s19 =	sld [smem:$0x3FDB];
	_ =	sdelay $0x1  }
0x99: {  	s4 =	simm.s32 $_scs_section_size  }
0x9a: {  	s5 =	simm.s32 $_size__tile_overlayer_lowered;
	s6 =	simm.s32 $_tile_overlayer_lowered  }
0x9b: {  	s22 =	simm.s32 $0x1BFF;
	s21 =	sshll.u32 s6, $0x1;
	s3 =	sadd.s32 s4, s19  }
0x9c: {  	s7 =	simm.s32 $0x0;
	s20 =	sshll.u32 s5, $0x1;
	s5 =	sadd.s32 s21, s3  }
0x9d: {  	[timem:s7], [sflag:s22] =	dma.local [hbm:s5], s20  }
0x9e: {  	_ =	swait.ge [sflag:s22], s20  }
0x9f: {  	s4 =	ssub.s32 $0x0, s20;
	[sflag:s22] =	ssyncset.done $0x0  }
0xa0: {  	[sflag:s22] =	ssyncadd.s32 s4;
	_ =	sdelay $0x1  }
0xa1: {  	s23 =	simm.s32 $0x1B8B  }
0xa2: {  	_ =	swait.ge [sflag:s23], $0x1  }
0xa3: {  	[sflag:s23] =	ssyncset.done $0x0  }
0xa4: {  	s25 =	simm.s32 $0x1B8E;
	s24 =	sld [smem:$0x3FFE];
	[sflag:s23] =	ssyncadd.s32 $0xFFFFFFFF  }
0xa5: {  	s26 =	simm.s32 $execute0_lowered;
	[smem:$0x3FD2] =	sst s25  }
0xa6: {  	s5 =	sshll.u32 s26, $0x1;
	_ =	strace $0x80000049;
	[dreg:$0x1] =	wrdreg $0xFFFFFFFF  }
0xa7: {  	s28 =	simm.s32 $_size_execute0_lowered;
	s3 =	sadd.s32 s3, s5;
	[dreg:$0x0] =	wrdreg $0x0  }
0xa8: {  	s5 =	sshll.u32 s28, $0x1;
	[dreg:$0x2] =	wrdreg s3  }
0xa9: {  	[dreg:$0x3] =	wrdreg s5  }
0xaa: {  	[dreg:$0x4] =	wrdreg $0xC0  }
0xab: {  	_ =	task [dreg:s7], $0x5FFFF  }
0xac: {  	[dreg:$0x1] =	wrdreg $0xFFFFFFFF  }
0xad: {  	[dreg:$0x0] =	wrdreg $0x60  }
0xae: {  	[dreg:$0x2] =	wrdreg s24  }
0xaf: {  	[dreg:$0x3] =	wrdreg s2  }
0xb0: {  	[dreg:$0x4] =	wrdreg $0xB0000  }
0xb1: {  	[dreg:$0x5] =	wrdreg $0x9  }
0xb2: {  	_ =	task.clear_ibuf [dreg:s7], $0x6FFFF;
	_ =	strace $0x90000049  }
0xb3: {  	s29 =	simm.s32 $0x9;
	_ =	strace $0x8000004B  }
0xb4: {  	_ =	swait.ge [sflag:s29], $0x1  }
0xb5: {  	[sflag:s29] =	ssyncadd.s32 $0xFFFFFFFF  }
0xb6: {  	_ =	strace $0x9000004B  }
0xb7: {  	_ =	sfence  }
0xb8: {  	s30 =	sld [smem:$0x0];
	_ =	sdelay $0x2  }
0xb9: {  	s31 =	sshll.u32 s1, $0xD;
	s1 =	sshrl.u32 s1, $0x2  }
0xba: {  	s3 =	sand.u32 $0x4000, s31;
	s1 =	sadd.s32 s1, s30  }
0xbb: {  	s0 =	sor.u32 s3, s0;
	s1 =	sshll.u32 s1, $0x11  }
0xbc: {  	s0 =	sor.u32 s1, s0  }
0xbd: {  	s0 =	sadd.s32 $0x8F2B, s0  }
0xbe: {  	[sflag:s0] =	ssyncadd.remote.s32 $0x1  }
0xbf: {  	_ =	sfence.sel $0xFFFF  }
0xc0: {  	[dreg:$0x0] =	wrdreg $0xFFFFFFFF;
	(pc) =	sbr.abs _section_cstart, $3  }
0xc1: {  	[dreg:$0x1] =	wrdreg $0xFFFFFFFF  }
0xc2: {  	_ =	task.clear_ibuf [dreg:s7], $0x2FFFF;
	_ =	strace $0x9FFFFFFF  }
0xc3: {  	(tm) =	ssettm $0x7FFFFFFF  }
tec
execute0_lowered:
.L_overlay_start_1:
0x0: {  	(tag) =	ssettag $0x1  }
0x1: {  	s0 =	srdreg.scid;
	s11 =	stileid.u32  }
0x2: {  	s1 =	sand.u32 $0x1, s0;
	s4 =	smul.u32 $0x2710, s11  }
0x3: {  	s5 =	rddreg [dreg:$0x0];
	s3 =	smul.u32 $0x27100, s1  }
0x4: {  	s2 =	rddreg [dreg:$0x2]  }
0x5: {  	s0 =	rddreg [dreg:$0x1];
	s4 =	sadd.s32 s4, s3;
	s3 =	simm.s32 $0x0  }
0x6: {  	s7 =	simm.s32 $0xF0;
	[smem:$0x7FF] =	sst s3  }
0x7: {  	s8 =	simm.s32 $0x140;
	_ =	strace $0x8000004A;
	[dreg:$0x7] =	wrdreg s7  }
0x8: {  	s9 =	simm.s32 $0x850;
	[dreg:$0x8] =	wrdreg s8  }
0x9: {  	s10 =	simm.s32 $0x8A0;
	[dreg:$0x9] =	wrdreg s9  }
0xa: {  	s12 =	simm.s32 $0x1E0;
	[dreg:$0xb] =	wrdreg s10  }
0xb: {  	s13 =	simm.s32 $0x8F0;
	[dreg:$0xc] =	wrdreg s12  }
0xc: {  	s15 =	simm.s32 $0x230;
	[dreg:$0xd] =	wrdreg s13  }
0xd: {  	s16 =	simm.s32 $0x940;
	[dreg:$0xe] =	wrdreg s15  }
0xe: {  	s17 =	simm.s32 $0x280;
	s18 =	simm.s32 $0x990;
	[dreg:$0xf] =	wrdreg s16  }
0xf: {  	s20 =	simm.s32 $0x2D0;
	s21 =	simm.s32 $0x9E0;
	[dreg:$0x10] =	wrdreg s17  }
0x10: {  	s22 =	simm.s32 $0x320;
	s24 =	simm.s32 $0xA30;
	[dreg:$0x11] =	wrdreg s18  }
0x11: {  	s25 =	simm.s32 $0x370;
	s26 =	simm.s32 $0xA80;
	[dreg:$0x12] =	wrdreg s20  }
0x12: {  	s28 =	simm.s32 $0x730;
	s29 =	simm.s32 $0xE40;
	[dreg:$0x13] =	wrdreg s21  }
0x13: {  	s30 =	simm.s32 $0x780;
	s31 =	simm.s32 $0xE90;
	[dreg:$0x14] =	wrdreg s22  }
0x14: {  	s23 =	sshll.u32 s11, $0x6;
	s14 =	ssub.s32 $0x2, s1;
	[dreg:$0x15] =	wrdreg s24  }
0x15: {  	s1 =	smul.u32 $0x140000, s1;
	s4 =	sshrl.u32 s4, $0x3;
	[dreg:$0x16] =	wrdreg s25  }
0x16: {  	s4 =	sadd.s32 s4, s5;
	s7 =	simm.s32 $0x190;
	[dreg:$0x17] =	wrdreg s26  }
0x17: {  	s9 =	sshrl.u32 s14, $0x1;
	s12 =	simm.s32 $0x410;
	[dreg:$0xa] =	wrdreg s7  }
0x18: {  	s10 =	smul.u32 $0x50000, s11;
	s15 =	simm.s32 $0x460;
	[dreg:$0x1a] =	wrdreg s12  }
0x19: {  	s16 =	simm.s32 $0xB70;
	s17 =	simm.s32 $0x4B0;
	[dreg:$0x1c] =	wrdreg s15  }
0x1a: {  	s18 =	simm.s32 $0xBC0;
	s20 =	simm.s32 $0xC10;
	[dreg:$0x1d] =	wrdreg s16  }
0x1b: {  	s21 =	simm.s32 $0x550;
	s22 =	simm.s32 $0xC60;
	[dreg:$0x1e] =	wrdreg s17  }
0x1c: {  	s24 =	simm.s32 $0xCB0;
	s25 =	simm.s32 $0x5F0;
	[dreg:$0x1f] =	wrdreg s18  }
0x1d: {  	s26 =	simm.s32 $0xD00;
	s6 =	sadd.s32 $0x2400, s4;
	[smem:$0x7F5] =	sst s20  }
0x1e: {  	s4 =	sadd.s32 $0xC200, s4;
	s7 =	sor.u32 $0x1C05, s23;
	[smem:$0x7F6] =	sst s21  }
0x1f: {  	s12 =	simm.s32 $0x50;
	s15 =	simm.s32 $0x6000;
	[smem:$0x7F7] =	sst s22  }
0x20: {  	s16 =	simm.s32 $0x1;
	s17 =	simm.s32 $0x8800;
	[smem:$0x7F9] =	sst s24  }
0x21: {  	s23 =	simm.s32 $0x5A0;
	s18 =	simm.s32 $0x2;
	[smem:$0x7FA] =	sst s25  }
0x22: {  	s20 =	simm.s32 $0x4;
	[smem:$0x7FB] =	sst s26;
	s21 =	simm.s32 $0x640  }
0x23: {  	s22 =	simm.s32 $0xD50;
	s24 =	simm.s32 $0xDA0;
	[dreg:$0x4] =	wrdreg s6  }
0x24: {  	s25 =	simm.s32 $0x6E0;
	s26 =	simm.s32 $0xDF0;
	[dreg:$0x5] =	wrdreg s4  }
0x25: {  	s6 =	simm.s32 $0xA0;
	s4 =	sadd.s32 $0x8E000, s5;
	[smem:$0x7F8] =	sst s23  }
0x26: {  	s19 =	sshrl.u32 s10, $0x2;
	s10 =	simm.s32 $0x3C0;
	[smem:$0x7FC] =	sst s7  }
0x27: {  	s23 =	simm.s32 $0x690;
	[dreg:$0x6] =	wrdreg s6;
	s6 =	smul.u32 $0x14000, s11  }
0x28: {  	[dreg:$0x18] =	wrdreg s10;
	s11 =	simm.s32 $0xAD0;
	s10 =	simm.s32 $0x5  }
0x29: {  	[dreg:$0x19] =	wrdreg s11;
	s11 =	simm.s32 $0x800;
	s8 =	sshrl.u32 s6, $0x3  }
0x2a: {  	s1 =	sadd.s32 s6, s1;
	s5 =	sadd.s32 s8, s5;
	s8 =	ssub.s32 s14, s9  }
0x2b: {  	s9 =	sadd.s32 s19, s2;
	s1 =	sshrl.u32 s1, $0x3;
	s14 =	simm.s32 $0xB20  }
0x2c: {  	s19 =	simm.s32 $0x500;
	s5 =	sadd.s32 $0x16000, s5;
	[dreg:$0x1b] =	wrdreg s14  }
0x2d: {  	s0 =	sadd.s32 s0, s1;
	s13 =	smax.u32 s8, $0x1;
	[smem:$0x7F4] =	sst s19  }
0x2e: {  	s8 =	sshrl.u32 s9, $0x3;
	s14 =	simm.s32 $0x3800;
	[smem:$0x7F1] =	sst s5  }
0x2f: {  	s19 =	simm.s32 $0x3;
	s1 =	simm.s32 $0xEE0;
	[smem:$0x7F2] =	sst s0  }
0x30: {  	s9 =	simm.s32 $0x0;
	[smem:$0x7F3] =	sst s13;
	s13 =	simm.s32 $0x1000  }
0x31: {  	s0 =	simm.s32 $0xF30;
	s5 =	simm.s32 $0xF80;
	[smem:$0x7FD] =	sst s8  }
.LBB2_1:
0x32: {  	s6 =	sld [smem:$0x7F1];
	_ =	sdelay $0x1  }
0x33: {  	[smem:$0x7F0] =	sst s9  }
0x34: {  	[spmem:s8], [sflag:s7] =	dma.local [hbm:s6], $0x2800  }
0x35: {  	_ =	swait.ge [sflag:s10], $0x2800  }
0x36: {  	[sflag:s10] =	ssyncset.done $0x0  }
0x37: {  	[sflag:s10] =	ssyncadd.s32 $0xFFFFD800  }
0x38: {  	[bflag:$0x0] =	sbarrier.arrive $0xFFFF  }
0x39: {  	s8 =	rddreg [dreg:$0x5]  }
0x3a: {  	s6 =	sadd.s32 $0x0, s8  }
0x3b: {  	[tilespmem:s3], [sflag:$0x5] =	stream.linear.gather [hbm4b:s6+s3], $0x7D0, $0x38;
	[tilespmem:$0x1F000] =	vst v63  }
0x3c: {  	_ =	swait.ge [sflag:s10], $0x7D0  }
0x3d: {  	s9 =	rddreg [dreg:$0x4];
	[sflag:s10] =	ssyncset.done $0x0  }
0x3e: {  	[sflag:s10] =	ssyncadd.s32 $0xFFFFF830;
	s6 =	sadd.s32 $0x0, s9  }
0x3f: {  	[tilespmem:s11], [sflag:$0x5] =	stream.linear.gather [hbm4b:s6+s3], $0x7D0, $0x38;
	[tilespmem:$0x1F000] =	vst v63  }
0x40: {  	_ =	swait.ge [sflag:s10], $0x7D0  }
0x41: {  	[sflag:s10] =	ssyncset.done $0x0  }
0x42: {  	[sflag:s10] =	ssyncadd.s32 $0xFFFFF830  }
0x43: {  	[tilespmem:s13], [sflag:$0x1] =	stream.indirect.gather [hbm4b:s4+s12], $0x80, s3, s12, $0xb8;
	[tilespmem:$0x1F000] =	vst v63  }
0x44: {  	_ = 	snop  }
0x45: {  	[tilespmem:s14], [sflag:$0x2] =	stream.indirect.gather [hbm4b:s4+s12], $0x80, s12, s12, $0xb8;
	[tilespmem:$0x1F000] =	vst v63  }
0x46: {  	s7 =	rddreg [dreg:$0x6]  }
0x47: {  	[tilespmem:s15], [sflag:$0x3] =	stream.indirect.gather [hbm4b:s4+s12], $0x80, s7, s12, $0xb8;
	[tilespmem:$0x1F000] =	vst v63  }
0x48: {  	_ =	swait.ge [sflag:s16], $0x2800  }
0x49: {  	[sflag:s16] =	ssyncset.done $0x0  }
0x4a: {  	s8 =	rddreg [dreg:$0x7];
	[sflag:s16] =	ssyncadd.s32 $0xFFFFD800  }
0x4b: {  	[tilespmem:s17], [sflag:$0x4] =	stream.indirect.gather [hbm4b:s4+s12], $0x80, s8, s12, $0xb8;
	[tilespmem:$0x1F000] =	vst v63  }
0x4c: {  	_ = 	snop  }
0x4d: {  	[spmem:s2] =	stream.indirect.scatter.add.f32 [tilespmem:s13], [sflag:$0x5], $0x80, s11, s12, $0xb8;
	[tilespmem:$0x1F000] =	vst v63  }
0x4e: {  	_ =	swait.ge [sflag:s10], $0x2800  }
0x4f: {  	[sflag:s10] =	ssyncset.done $0x0  }
0x50: {  	[sflag:s10] =	ssyncadd.s32 $0xFFFFD800  }
0x51: {  	_ =	swait.ge [sflag:s18], $0x2800  }
0x52: {  	[sflag:s18] =	ssyncset.done $0x0  }
0x53: {  	s9 =	rddreg [dreg:$0x8];
	[sflag:s18] =	ssyncadd.s32 $0xFFFFD800  }
0x54: {  	[tilespmem:s13], [sflag:$0x1] =	stream.indirect.gather [hbm4b:s4+s12], $0x80, s9, s12, $0xb8;
	[tilespmem:$0x1F000] =	vst v63  }
0x55: {  	s7 =	rddreg [dreg:$0x9]  }
0x56: {  	[spmem:s2] =	stream.indirect.scatter.add.f32 [tilespmem:s14], [sflag:$0x5], $0x80, s7, s12, $0xb8;
	[tilespmem:$0x1F000] =	vst v63  }
0x57: {  	_ =	swait.ge [sflag:s10], $0x2800  }
0x58: {  	[sflag:s10] =	ssyncset.done $0x0  }
0x59: {  	[sflag:s10] =	ssyncadd.s32 $0xFFFFD800  }
0x5a: {  	_ =	swait.ge [sflag:s19], $0x2800  }
0x5b: {  	[sflag:s19] =	ssyncset.done $0x0  }
0x5c: {  	s9 =	rddreg [dreg:$0xa];
	[sflag:s19] =	ssyncadd.s32 $0xFFFFD800  }
0x5d: {  	[tilespmem:s14], [sflag:$0x2] =	stream.indirect.gather [hbm4b:s4+s12], $0x80, s9, s12, $0xb8;
	[tilespmem:$0x1F000] =	vst v63  }
0x5e: {  	s7 =	rddreg [dreg:$0xb]  }
0x5f: {  	[spmem:s2] =	stream.indirect.scatter.add.f32 [tilespmem:s15], [sflag:$0x5], $0x80, s7, s12, $0xb8;
	[tilespmem:$0x1F000] =	vst v63  }
0x60: {  	_ =	swait.ge [sflag:s10], $0x2800  }
0x61: {  	[sflag:s10] =	ssyncset.done $0x0  }
0x62: {  	[sflag:s10] =	ssyncadd.s32 $0xFFFFD800  }
0x63: {  	_ =	swait.ge [sflag:s20], $0x2800  }
0x64: {  	[sflag:s20] =	ssyncset.done $0x0  }
0x65: {  	s9 =	rddreg [dreg:$0xc];
	[sflag:s20] =	ssyncadd.s32 $0xFFFFD800  }
0x66: {  	[tilespmem:s15], [sflag:$0x3] =	stream.indirect.gather [hbm4b:s4+s12], $0x80, s9, s12, $0xb8;
	[tilespmem:$0x1F000] =	vst v63  }
0x67: {  	s7 =	rddreg [dreg:$0xd]  }
0x68: {  	[spmem:s2] =	stream.indirect.scatter.add.f32 [tilespmem:s17], [sflag:$0x5], $0x80, s7, s12, $0xb8;
	[tilespmem:$0x1F000] =	vst v63  }
0x69: {  	_ =	swait.ge [sflag:s10], $0x2800  }
0x6a: {  	[sflag:s10] =	ssyncset.done $0x0  }
0x6b: {  	[sflag:s10] =	ssyncadd.s32 $0xFFFFD800  }
0x6c: {  	_ =	swait.ge [sflag:s16], $0x2800  }
0x6d: {  	[sflag:s16] =	ssyncset.done $0x0  }
0x6e: {  	s9 =	rddreg [dreg:$0xe];
	[sflag:s16] =	ssyncadd.s32 $0xFFFFD800  }
0x6f: {  	[tilespmem:s17], [sflag:$0x4] =	stream.indirect.gather [hbm4b:s4+s12], $0x80, s9, s12, $0xb8;
	[tilespmem:$0x1F000] =	vst v63  }
0x70: {  	s7 =	rddreg [dreg:$0xf]  }
0x71: {  	[spmem:s2] =	stream.indirect.scatter.add.f32 [tilespmem:s13], [sflag:$0x5], $0x80, s7, s12, $0xb8;
	[tilespmem:$0x1F000] =	vst v63  }
0x72: {  	_ =	swait.ge [sflag:s10], $0x2800  }
0x73: {  	[sflag:s10] =	ssyncset.done $0x0  }
0x74: {  	[sflag:s10] =	ssyncadd.s32 $0xFFFFD800  }
0x75: {  	_ =	swait.ge [sflag:s18], $0x2800  }
0x76: {  	[sflag:s18] =	ssyncset.done $0x0  }
0x77: {  	s9 =	rddreg [dreg:$0x10];
	[sflag:s18] =	ssyncadd.s32 $0xFFFFD800  }
0x78: {  	[tilespmem:s13], [sflag:$0x1] =	stream.indirect.gather [hbm4b:s4+s12], $0x80, s9, s12, $0xb8;
	[tilespmem:$0x1F000] =	vst v63  }
0x79: {  	s7 =	rddreg [dreg:$0x11]  }
0x7a: {  	[spmem:s2] =	stream.indirect.scatter.add.f32 [tilespmem:s14], [sflag:$0x5], $0x80, s7, s12, $0xb8;
	[tilespmem:$0x1F000] =	vst v63  }
0x7b: {  	_ =	swait.ge [sflag:s10], $0x2800  }
0x7c: {  	[sflag:s10] =	ssyncset.done $0x0  }
0x7d: {  	[sflag:s10] =	ssyncadd.s32 $0xFFFFD800  }
0x7e: {  	_ =	swait.ge [sflag:s19], $0x2800  }
0x7f: {  	[sflag:s19] =	ssyncset.done $0x0  }
0x80: {  	s9 =	rddreg [dreg:$0x12];
	[sflag:s19] =	ssyncadd.s32 $0xFFFFD800  }
0x81: {  	[tilespmem:s14], [sflag:$0x2] =	stream.indirect.gather [hbm4b:s4+s12], $0x80, s9, s12, $0xb8;
	[tilespmem:$0x1F000] =	vst v63  }
0x82: {  	s7 =	rddreg [dreg:$0x13]  }
0x83: {  	[spmem:s2] =	stream.indirect.scatter.add.f32 [tilespmem:s15], [sflag:$0x5], $0x80, s7, s12, $0xb8;
	[tilespmem:$0x1F000] =	vst v63  }
0x84: {  	_ =	swait.ge [sflag:s10], $0x2800  }
0x85: {  	[sflag:s10] =	ssyncset.done $0x0  }
0x86: {  	[sflag:s10] =	ssyncadd.s32 $0xFFFFD800  }
0x87: {  	_ =	swait.ge [sflag:s20], $0x2800  }
0x88: {  	[sflag:s20] =	ssyncset.done $0x0  }
0x89: {  	s9 =	rddreg [dreg:$0x14];
	[sflag:s20] =	ssyncadd.s32 $0xFFFFD800  }
0x8a: {  	[tilespmem:s15], [sflag:$0x3] =	stream.indirect.gather [hbm4b:s4+s12], $0x80, s9, s12, $0xb8;
	[tilespmem:$0x1F000] =	vst v63  }
0x8b: {  	s7 =	rddreg [dreg:$0x15]  }
0x8c: {  	[spmem:s2] =	stream.indirect.scatter.add.f32 [tilespmem:s17], [sflag:$0x5], $0x80, s7, s12, $0xb8;
	[tilespmem:$0x1F000] =	vst v63  }
0x8d: {  	_ =	swait.ge [sflag:s10], $0x2800  }
0x8e: {  	[sflag:s10] =	ssyncset.done $0x0  }
0x8f: {  	[sflag:s10] =	ssyncadd.s32 $0xFFFFD800  }
0x90: {  	_ =	swait.ge [sflag:s16], $0x2800  }
0x91: {  	[sflag:s16] =	ssyncset.done $0x0  }
0x92: {  	s9 =	rddreg [dreg:$0x16];
	[sflag:s16] =	ssyncadd.s32 $0xFFFFD800  }
0x93: {  	[tilespmem:s17], [sflag:$0x4] =	stream.indirect.gather [hbm4b:s4+s12], $0x80, s9, s12, $0xb8;
	[tilespmem:$0x1F000] =	vst v63  }
0x94: {  	s7 =	rddreg [dreg:$0x17]  }
0x95: {  	[spmem:s2] =	stream.indirect.scatter.add.f32 [tilespmem:s13], [sflag:$0x5], $0x80, s7, s12, $0xb8;
	[tilespmem:$0x1F000] =	vst v63  }
0x96: {  	_ =	swait.ge [sflag:s10], $0x2800  }
0x97: {  	[sflag:s10] =	ssyncset.done $0x0  }
0x98: {  	[sflag:s10] =	ssyncadd.s32 $0xFFFFD800  }
0x99: {  	_ =	swait.ge [sflag:s18], $0x2800  }
0x9a: {  	[sflag:s18] =	ssyncset.done $0x0  }
0x9b: {  	s9 =	rddreg [dreg:$0x18];
	[sflag:s18] =	ssyncadd.s32 $0xFFFFD800  }
0x9c: {  	[tilespmem:s13], [sflag:$0x1] =	stream.indirect.gather [hbm4b:s4+s12], $0x80, s9, s12, $0xb8;
	[tilespmem:$0x1F000] =	vst v63  }
0x9d: {  	s7 =	rddreg [dreg:$0x19]  }
0x9e: {  	[spmem:s2] =	stream.indirect.scatter.add.f32 [tilespmem:s14], [sflag:$0x5], $0x80, s7, s12, $0xb8;
	[tilespmem:$0x1F000] =	vst v63  }
0x9f: {  	_ =	swait.ge [sflag:s10], $0x2800  }
0xa0: {  	[sflag:s10] =	ssyncset.done $0x0  }
0xa1: {  	[sflag:s10] =	ssyncadd.s32 $0xFFFFD800  }
0xa2: {  	_ =	swait.ge [sflag:s19], $0x2800  }
0xa3: {  	[sflag:s19] =	ssyncset.done $0x0  }
0xa4: {  	s9 =	rddreg [dreg:$0x1a];
	[sflag:s19] =	ssyncadd.s32 $0xFFFFD800  }
0xa5: {  	[tilespmem:s14], [sflag:$0x2] =	stream.indirect.gather [hbm4b:s4+s12], $0x80, s9, s12, $0xb8;
	[tilespmem:$0x1F000] =	vst v63  }
0xa6: {  	s7 =	rddreg [dreg:$0x1b]  }
0xa7: {  	[spmem:s2] =	stream.indirect.scatter.add.f32 [tilespmem:s15], [sflag:$0x5], $0x80, s7, s12, $0xb8;
	[tilespmem:$0x1F000] =	vst v63  }
0xa8: {  	_ =	swait.ge [sflag:s10], $0x2800  }
0xa9: {  	[sflag:s10] =	ssyncset.done $0x0  }
0xaa: {  	[sflag:s10] =	ssyncadd.s32 $0xFFFFD800  }
0xab: {  	_ =	swait.ge [sflag:s20], $0x2800  }
0xac: {  	[sflag:s20] =	ssyncset.done $0x0  }
0xad: {  	s9 =	rddreg [dreg:$0x1c];
	[sflag:s20] =	ssyncadd.s32 $0xFFFFD800  }
0xae: {  	[tilespmem:s15], [sflag:$0x3] =	stream.indirect.gather [hbm4b:s4+s12], $0x80, s9, s12, $0xb8;
	[tilespmem:$0x1F000] =	vst v63  }
0xaf: {  	s7 =	rddreg [dreg:$0x1d]  }
0xb0: {  	[spmem:s2] =	stream.indirect.scatter.add.f32 [tilespmem:s17], [sflag:$0x5], $0x80, s7, s12, $0xb8;
	[tilespmem:$0x1F000] =	vst v63  }
0xb1: {  	_ =	swait.ge [sflag:s10], $0x2800  }
0xb2: {  	[sflag:s10] =	ssyncset.done $0x0  }
0xb3: {  	[sflag:s10] =	ssyncadd.s32 $0xFFFFD800  }
0xb4: {  	_ =	swait.ge [sflag:s16], $0x2800  }
0xb5: {  	[sflag:s16] =	ssyncset.done $0x0  }
0xb6: {  	s9 =	rddreg [dreg:$0x1e];
	[sflag:s16] =	ssyncadd.s32 $0xFFFFD800  }
0xb7: {  	[tilespmem:s17], [sflag:$0x4] =	stream.indirect.gather [hbm4b:s4+s12], $0x80, s9, s12, $0xb8;
	[tilespmem:$0x1F000] =	vst v63  }
0xb8: {  	s7 =	rddreg [dreg:$0x1f]  }
0xb9: {  	[spmem:s2] =	stream.indirect.scatter.add.f32 [tilespmem:s13], [sflag:$0x5], $0x80, s7, s12, $0xb8;
	[tilespmem:$0x1F000] =	vst v63  }
0xba: {  	_ =	swait.ge [sflag:s10], $0x2800  }
0xbb: {  	[sflag:s10] =	ssyncset.done $0x0  }
0xbc: {  	[sflag:s10] =	ssyncadd.s32 $0xFFFFD800  }
0xbd: {  	_ =	swait.ge [sflag:s18], $0x2800  }
0xbe: {  	s9 =	sld [smem:$0x7F4]  }
0xbf: {  	[sflag:s18] =	ssyncset.done $0x0  }
0xc0: {  	s7 =	sld [smem:$0x7F5];
	[sflag:s18] =	ssyncadd.s32 $0xFFFFD800  }
0xc1: {  	[tilespmem:s13], [sflag:$0x1] =	stream.indirect.gather [hbm4b:s4+s12], $0x80, s9, s12, $0xb8;
	[tilespmem:$0x1F000] =	vst v63  }
0xc2: {  	_ = 	snop  }
0xc3: {  	[spmem:s2] =	stream.indirect.scatter.add.f32 [tilespmem:s14], [sflag:$0x5], $0x80, s7, s12, $0xb8;
	[tilespmem:$0x1F000] =	vst v63  }
0xc4: {  	_ =	swait.ge [sflag:s10], $0x2800  }
0xc5: {  	[sflag:s10] =	ssyncset.done $0x0  }
0xc6: {  	[sflag:s10] =	ssyncadd.s32 $0xFFFFD800  }
0xc7: {  	_ =	swait.ge [sflag:s19], $0x2800  }
0xc8: {  	s9 =	sld [smem:$0x7F6]  }
0xc9: {  	[sflag:s19] =	ssyncset.done $0x0  }
0xca: {  	s7 =	sld [smem:$0x7F7];
	[sflag:s19] =	ssyncadd.s32 $0xFFFFD800  }
0xcb: {  	[tilespmem:s14], [sflag:$0x2] =	stream.indirect.gather [hbm4b:s4+s12], $0x80, s9, s12, $0xb8;
	[tilespmem:$0x1F000] =	vst v63  }
0xcc: {  	_ = 	snop  }
0xcd: {  	[spmem:s2] =	stream.indirect.scatter.add.f32 [tilespmem:s15], [sflag:$0x5], $0x80, s7, s12, $0xb8;
	[tilespmem:$0x1F000] =	vst v63  }
0xce: {  	_ =	swait.ge [sflag:s10], $0x2800  }
0xcf: {  	[sflag:s10] =	ssyncset.done $0x0  }
0xd0: {  	[sflag:s10] =	ssyncadd.s32 $0xFFFFD800  }
0xd1: {  	_ =	swait.ge [sflag:s20], $0x2800  }
0xd2: {  	s9 =	sld [smem:$0x7F8]  }
0xd3: {  	[sflag:s20] =	ssyncset.done $0x0  }
0xd4: {  	s7 =	sld [smem:$0x7F9];
	[sflag:s20] =	ssyncadd.s32 $0xFFFFD800  }
0xd5: {  	[tilespmem:s15], [sflag:$0x3] =	stream.indirect.gather [hbm4b:s4+s12], $0x80, s9, s12, $0xb8;
	[tilespmem:$0x1F000] =	vst v63  }
0xd6: {  	_ = 	snop  }
0xd7: {  	[spmem:s2] =	stream.indirect.scatter.add.f32 [tilespmem:s17], [sflag:$0x5], $0x80, s7, s12, $0xb8;
	[tilespmem:$0x1F000] =	vst v63  }
0xd8: {  	_ =	swait.ge [sflag:s10], $0x2800  }
0xd9: {  	[sflag:s10] =	ssyncset.done $0x0  }
0xda: {  	[sflag:s10] =	ssyncadd.s32 $0xFFFFD800  }
0xdb: {  	_ =	swait.ge [sflag:s16], $0x2800  }
0xdc: {  	s8 =	sld [smem:$0x7FA]  }
0xdd: {  	[sflag:s16] =	ssyncset.done $0x0  }
0xde: {  	s9 =	sld [smem:$0x7FB];
	[sflag:s16] =	ssyncadd.s32 $0xFFFFD800  }
0xdf: {  	[tilespmem:s17], [sflag:$0x4] =	stream.indirect.gather [hbm4b:s4+s12], $0x80, s8, s12, $0xb8;
	[tilespmem:$0x1F000] =	vst v63  }
0xe0: {  	_ = 	snop  }
0xe1: {  	[spmem:s2] =	stream.indirect.scatter.add.f32 [tilespmem:s13], [sflag:$0x5], $0x80, s9, s12, $0xb8;
	[tilespmem:$0x1F000] =	vst v63  }
0xe2: {  	_ =	swait.ge [sflag:s10], $0x2800  }
0xe3: {  	[sflag:s10] =	ssyncset.done $0x0  }
0xe4: {  	[sflag:s10] =	ssyncadd.s32 $0xFFFFD800  }
0xe5: {  	_ =	swait.ge [sflag:s18], $0x2800  }
0xe6: {  	[sflag:s18] =	ssyncset.done $0x0  }
0xe7: {  	[sflag:s18] =	ssyncadd.s32 $0xFFFFD800  }
0xe8: {  	[tilespmem:s13], [sflag:$0x1] =	stream.indirect.gather [hbm4b:s4+s12], $0x80, s21, s12, $0xb8;
	[tilespmem:$0x1F000] =	vst v63  }
0xe9: {  	_ = 	snop  }
0xea: {  	[spmem:s2] =	stream.indirect.scatter.add.f32 [tilespmem:s14], [sflag:$0x5], $0x80, s22, s12, $0xb8;
	[tilespmem:$0x1F000] =	vst v63  }
0xeb: {  	_ =	swait.ge [sflag:s10], $0x2800  }
0xec: {  	[sflag:s10] =	ssyncset.done $0x0  }
0xed: {  	[sflag:s10] =	ssyncadd.s32 $0xFFFFD800  }
0xee: {  	_ =	swait.ge [sflag:s19], $0x2800  }
0xef: {  	[sflag:s19] =	ssyncset.done $0x0  }
0xf0: {  	[sflag:s19] =	ssyncadd.s32 $0xFFFFD800  }
0xf1: {  	[tilespmem:s14], [sflag:$0x2] =	stream.indirect.gather [hbm4b:s4+s12], $0x80, s23, s12, $0xb8;
	[tilespmem:$0x1F000] =	vst v63  }
0xf2: {  	_ = 	snop  }
0xf3: {  	[spmem:s2] =	stream.indirect.scatter.add.f32 [tilespmem:s15], [sflag:$0x5], $0x80, s24, s12, $0xb8;
	[tilespmem:$0x1F000] =	vst v63  }
0xf4: {  	_ =	swait.ge [sflag:s10], $0x2800  }
0xf5: {  	[sflag:s10] =	ssyncset.done $0x0  }
0xf6: {  	[sflag:s10] =	ssyncadd.s32 $0xFFFFD800  }
0xf7: {  	_ =	swait.ge [sflag:s20], $0x2800  }
0xf8: {  	[sflag:s20] =	ssyncset.done $0x0  }
0xf9: {  	[sflag:s20] =	ssyncadd.s32 $0xFFFFD800  }
0xfa: {  	[tilespmem:s15], [sflag:$0x3] =	stream.indirect.gather [hbm4b:s4+s12], $0x80, s25, s12, $0xb8;
	[tilespmem:$0x1F000] =	vst v63  }
0xfb: {  	_ = 	snop  }
0xfc: {  	[spmem:s2] =	stream.indirect.scatter.add.f32 [tilespmem:s17], [sflag:$0x5], $0x80, s26, s12, $0xb8;
	[tilespmem:$0x1F000] =	vst v63  }
0xfd: {  	_ =	swait.ge [sflag:s10], $0x2800  }
0xfe: {  	[sflag:s10] =	ssyncset.done $0x0  }
0xff: {  	[sflag:s10] =	ssyncadd.s32 $0xFFFFD800  }
0x100: {  	_ =	swait.ge [sflag:s16], $0x2800  }
0x101: {  	[sflag:s16] =	ssyncset.done $0x0  }
0x102: {  	[sflag:s16] =	ssyncadd.s32 $0xFFFFD800  }
0x103: {  	[tilespmem:s17], [sflag:$0x4] =	stream.indirect.gather [hbm4b:s4+s12], $0x80, s28, s12, $0xb8;
	[tilespmem:$0x1F000] =	vst v63  }
0x104: {  	_ = 	snop  }
0x105: {  	[spmem:s2] =	stream.indirect.scatter.add.f32 [tilespmem:s13], [sflag:$0x5], $0x80, s29, s12, $0xb8;
	[tilespmem:$0x1F000] =	vst v63  }
0x106: {  	_ =	swait.ge [sflag:s10], $0x2800  }
0x107: {  	[sflag:s10] =	ssyncset.done $0x0  }
0x108: {  	[sflag:s10] =	ssyncadd.s32 $0xFFFFD800  }
0x109: {  	_ =	swait.ge [sflag:s18], $0x2800  }
0x10a: {  	[sflag:s18] =	ssyncset.done $0x0  }
0x10b: {  	[sflag:s18] =	ssyncadd.s32 $0xFFFFD800  }
0x10c: {  	[tilespmem:s13], [sflag:$0x1] =	stream.indirect.gather [hbm4b:s4+s12], $0x80, s30, s12, $0xb8;
	[tilespmem:$0x1F000] =	vst v63  }
0x10d: {  	_ = 	snop  }
0x10e: {  	[spmem:s2] =	stream.indirect.scatter.add.f32 [tilespmem:s14], [sflag:$0x5], $0x80, s31, s12, $0xb8;
	[tilespmem:$0x1F000] =	vst v63  }
0x10f: {  	_ =	swait.ge [sflag:s10], $0x2800  }
0x110: {  	[sflag:s10] =	ssyncset.done $0x0  }
0x111: {  	[sflag:s10] =	ssyncadd.s32 $0xFFFFD800  }
0x112: {  	_ =	swait.ge [sflag:s19], $0x2800  }
0x113: {  	[sflag:s19] =	ssyncset.done $0x0  }
0x114: {  	[sflag:s19] =	ssyncadd.s32 $0xFFFFD800  }
0x115: {  	[spmem:s2] =	stream.indirect.scatter.add.f32 [tilespmem:s15], [sflag:$0x5], $0x80, s1, s12, $0xb8;
	[tilespmem:$0x1F000] =	vst v63  }
0x116: {  	_ =	swait.ge [sflag:s10], $0x2800  }
0x117: {  	[sflag:s10] =	ssyncset.done $0x0  }
0x118: {  	[sflag:s10] =	ssyncadd.s32 $0xFFFFD800  }
0x119: {  	_ =	swait.ge [sflag:s20], $0x2800  }
0x11a: {  	[sflag:s20] =	ssyncset.done $0x0  }
0x11b: {  	[sflag:s20] =	ssyncadd.s32 $0xFFFFD800  }
0x11c: {  	[spmem:s2] =	stream.indirect.scatter.add.f32 [tilespmem:s17], [sflag:$0x5], $0x80, s0, s12, $0xb8;
	[tilespmem:$0x1F000] =	vst v63  }
0x11d: {  	_ =	swait.ge [sflag:s10], $0x2800  }
0x11e: {  	[sflag:s10] =	ssyncset.done $0x0  }
0x11f: {  	[sflag:s10] =	ssyncadd.s32 $0xFFFFD800  }
0x120: {  	_ =	swait.ge [sflag:s16], $0x2800  }
0x121: {  	[sflag:s16] =	ssyncset.done $0x0  }
0x122: {  	[sflag:s16] =	ssyncadd.s32 $0xFFFFD800  }
0x123: {  	[spmem:s2] =	stream.indirect.scatter.add.f32 [tilespmem:s13], [sflag:$0x5], $0x80, s5, s12, $0xb8;
	[tilespmem:$0x1F000] =	vst v63  }
0x124: {  	s6 =	simm.s32 $0x1F4;
	_ =	swait.ge [sflag:s10], $0x2800  }
0x125: {  	s8 =	simm.s32 $0xFA;
	s9 =	rddreg [dreg:$0x5];
	[sflag:s10] =	ssyncset.done $0x0  }
.LBB2_2:
0x126: {  	[sflag:s10] =	ssyncadd.s32 $0xFFFFD800;
	s9 =	sadd.s32 s8, s9  }
0x127: {  	[tilespmem:s3], [sflag:$0x5] =	stream.linear.gather [hbm4b:s9+s3], $0x7D0, $0x38;
	[tilespmem:$0x1F000] =	vst v63  }
0x128: {  	_ =	swait.ge [sflag:s10], $0x7D0  }
0x129: {  	s9 =	rddreg [dreg:$0x4];
	[sflag:s10] =	ssyncset.done $0x0  }
0x12a: {  	[sflag:s10] =	ssyncadd.s32 $0xFFFFF830;
	s9 =	sadd.s32 s8, s9  }
0x12b: {  	[tilespmem:s11], [sflag:$0x5] =	stream.linear.gather [hbm4b:s9+s3], $0x7D0, $0x38;
	[tilespmem:$0x1F000] =	vst v63  }
0x12c: {  	_ =	swait.ge [sflag:s10], $0x7D0  }
0x12d: {  	[sflag:s10] =	ssyncset.done $0x0  }
0x12e: {  	[sflag:s10] =	ssyncadd.s32 $0xFFFFF830  }
0x12f: {  	[tilespmem:s13], [sflag:$0x1] =	stream.indirect.gather [hbm4b:s4+s12], $0x80, s3, s12, $0xb8;
	[tilespmem:$0x1F000] =	vst v63  }
0x130: {  	_ = 	snop  }
0x131: {  	[tilespmem:s14], [sflag:$0x2] =	stream.indirect.gather [hbm4b:s4+s12], $0x80, s12, s12, $0xb8;
	[tilespmem:$0x1F000] =	vst v63  }
0x132: {  	s9 =	rddreg [dreg:$0x6]  }
0x133: {  	[tilespmem:s15], [sflag:$0x3] =	stream.indirect.gather [hbm4b:s4+s12], $0x80, s9, s12, $0xb8;
	[tilespmem:$0x1F000] =	vst v63  }
0x134: {  	_ =	swait.ge [sflag:s16], $0x2800  }
0x135: {  	[sflag:s16] =	ssyncset.done $0x0  }
0x136: {  	s9 =	rddreg [dreg:$0x7];
	[sflag:s16] =	ssyncadd.s32 $0xFFFFD800  }
0x137: {  	[tilespmem:s17], [sflag:$0x4] =	stream.indirect.gather [hbm4b:s4+s12], $0x80, s9, s12, $0xb8;
	[tilespmem:$0x1F000] =	vst v63  }
0x138: {  	_ = 	snop  }
0x139: {  	[spmem:s2] =	stream.indirect.scatter.add.f32 [tilespmem:s13], [sflag:$0x5], $0x80, s11, s12, $0xb8;
	[tilespmem:$0x1F000] =	vst v63  }
0x13a: {  	_ =	swait.ge [sflag:s10], $0x2800  }
0x13b: {  	[sflag:s10] =	ssyncset.done $0x0  }
0x13c: {  	[sflag:s10] =	ssyncadd.s32 $0xFFFFD800  }
0x13d: {  	_ =	swait.ge [sflag:s18], $0x2800  }
0x13e: {  	s7 =	smov.u32 s6;
	[sflag:s18] =	ssyncset.done $0x0  }
0x13f: {  	s8 =	smov.u32 s7;
	s7 =	rddreg [dreg:$0x8];
	[sflag:s18] =	ssyncadd.s32 $0xFFFFD800  }
0x140: {  	[tilespmem:s13], [sflag:$0x1] =	stream.indirect.gather [hbm4b:s4+s12], $0x80, s7, s12, $0xb8;
	[tilespmem:$0x1F000] =	vst v63  }
0x141: {  	s9 =	rddreg [dreg:$0x9]  }
0x142: {  	[spmem:s2] =	stream.indirect.scatter.add.f32 [tilespmem:s14], [sflag:$0x5], $0x80, s9, s12, $0xb8;
	[tilespmem:$0x1F000] =	vst v63  }
0x143: {  	_ =	swait.ge [sflag:s10], $0x2800  }
0x144: {  	[sflag:s10] =	ssyncset.done $0x0  }
0x145: {  	[sflag:s10] =	ssyncadd.s32 $0xFFFFD800  }
0x146: {  	_ =	swait.ge [sflag:s19], $0x2800  }
0x147: {  	[sflag:s19] =	ssyncset.done $0x0  }
0x148: {  	s7 =	rddreg [dreg:$0xa];
	[sflag:s19] =	ssyncadd.s32 $0xFFFFD800  }
0x149: {  	[tilespmem:s14], [sflag:$0x2] =	stream.indirect.gather [hbm4b:s4+s12], $0x80, s7, s12, $0xb8;
	[tilespmem:$0x1F000] =	vst v63  }
0x14a: {  	s9 =	rddreg [dreg:$0xb]  }
0x14b: {  	[spmem:s2] =	stream.indirect.scatter.add.f32 [tilespmem:s15], [sflag:$0x5], $0x80, s9, s12, $0xb8;
	[tilespmem:$0x1F000] =	vst v63  }
0x14c: {  	_ =	swait.ge [sflag:s10], $0x2800  }
0x14d: {  	[sflag:s10] =	ssyncset.done $0x0  }
0x14e: {  	[sflag:s10] =	ssyncadd.s32 $0xFFFFD800  }
0x14f: {  	_ =	swait.ge [sflag:s20], $0x2800  }
0x150: {  	[sflag:s20] =	ssyncset.done $0x0  }
0x151: {  	s7 =	rddreg [dreg:$0xc];
	[sflag:s20] =	ssyncadd.s32 $0xFFFFD800  }
0x152: {  	[tilespmem:s15], [sflag:$0x3] =	stream.indirect.gather [hbm4b:s4+s12], $0x80, s7, s12, $0xb8;
	[tilespmem:$0x1F000] =	vst v63  }
0x153: {  	s9 =	rddreg [dreg:$0xd]  }
0x154: {  	[spmem:s2] =	stream.indirect.scatter.add.f32 [tilespmem:s17], [sflag:$0x5], $0x80, s9, s12, $0xb8;
	[tilespmem:$0x1F000] =	vst v63  }
0x155: {  	_ =	swait.ge [sflag:s10], $0x2800  }
0x156: {  	[sflag:s10] =	ssyncset.done $0x0  }
0x157: {  	[sflag:s10] =	ssyncadd.s32 $0xFFFFD800  }
0x158: {  	_ =	swait.ge [sflag:s16], $0x2800  }
0x159: {  	[sflag:s16] =	ssyncset.done $0x0  }
0x15a: {  	s7 =	rddreg [dreg:$0xe];
	[sflag:s16] =	ssyncadd.s32 $0xFFFFD800  }
0x15b: {  	[tilespmem:s17], [sflag:$0x4] =	stream.indirect.gather [hbm4b:s4+s12], $0x80, s7, s12, $0xb8;
	[tilespmem:$0x1F000] =	vst v63  }
0x15c: {  	s9 =	rddreg [dreg:$0xf]  }
0x15d: {  	[spmem:s2] =	stream.indirect.scatter.add.f32 [tilespmem:s13], [sflag:$0x5], $0x80, s9, s12, $0xb8;
	[tilespmem:$0x1F000] =	vst v63  }
0x15e: {  	_ =	swait.ge [sflag:s10], $0x2800  }
0x15f: {  	[sflag:s10] =	ssyncset.done $0x0  }
0x160: {  	[sflag:s10] =	ssyncadd.s32 $0xFFFFD800  }
0x161: {  	_ =	swait.ge [sflag:s18], $0x2800  }
0x162: {  	[sflag:s18] =	ssyncset.done $0x0  }
0x163: {  	s7 =	rddreg [dreg:$0x10];
	[sflag:s18] =	ssyncadd.s32 $0xFFFFD800  }
0x164: {  	[tilespmem:s13], [sflag:$0x1] =	stream.indirect.gather [hbm4b:s4+s12], $0x80, s7, s12, $0xb8;
	[tilespmem:$0x1F000] =	vst v63  }
0x165: {  	s9 =	rddreg [dreg:$0x11]  }
0x166: {  	[spmem:s2] =	stream.indirect.scatter.add.f32 [tilespmem:s14], [sflag:$0x5], $0x80, s9, s12, $0xb8;
	[tilespmem:$0x1F000] =	vst v63  }
0x167: {  	_ =	swait.ge [sflag:s10], $0x2800  }
0x168: {  	[sflag:s10] =	ssyncset.done $0x0  }
0x169: {  	[sflag:s10] =	ssyncadd.s32 $0xFFFFD800  }
0x16a: {  	_ =	swait.ge [sflag:s19], $0x2800  }
0x16b: {  	[sflag:s19] =	ssyncset.done $0x0  }
0x16c: {  	s7 =	rddreg [dreg:$0x12];
	[sflag:s19] =	ssyncadd.s32 $0xFFFFD800  }
0x16d: {  	[tilespmem:s14], [sflag:$0x2] =	stream.indirect.gather [hbm4b:s4+s12], $0x80, s7, s12, $0xb8;
	[tilespmem:$0x1F000] =	vst v63  }
0x16e: {  	s9 =	rddreg [dreg:$0x13]  }
0x16f: {  	[spmem:s2] =	stream.indirect.scatter.add.f32 [tilespmem:s15], [sflag:$0x5], $0x80, s9, s12, $0xb8;
	[tilespmem:$0x1F000] =	vst v63  }
0x170: {  	_ =	swait.ge [sflag:s10], $0x2800  }
0x171: {  	[sflag:s10] =	ssyncset.done $0x0  }
0x172: {  	[sflag:s10] =	ssyncadd.s32 $0xFFFFD800  }
0x173: {  	_ =	swait.ge [sflag:s20], $0x2800  }
0x174: {  	[sflag:s20] =	ssyncset.done $0x0  }
0x175: {  	s7 =	rddreg [dreg:$0x14];
	[sflag:s20] =	ssyncadd.s32 $0xFFFFD800  }
0x176: {  	[tilespmem:s15], [sflag:$0x3] =	stream.indirect.gather [hbm4b:s4+s12], $0x80, s7, s12, $0xb8;
	[tilespmem:$0x1F000] =	vst v63  }
0x177: {  	s9 =	rddreg [dreg:$0x15]  }
0x178: {  	[spmem:s2] =	stream.indirect.scatter.add.f32 [tilespmem:s17], [sflag:$0x5], $0x80, s9, s12, $0xb8;
	[tilespmem:$0x1F000] =	vst v63  }
0x179: {  	_ =	swait.ge [sflag:s10], $0x2800  }
0x17a: {  	[sflag:s10] =	ssyncset.done $0x0  }
0x17b: {  	[sflag:s10] =	ssyncadd.s32 $0xFFFFD800  }
0x17c: {  	_ =	swait.ge [sflag:s16], $0x2800  }
0x17d: {  	[sflag:s16] =	ssyncset.done $0x0  }
0x17e: {  	s7 =	rddreg [dreg:$0x16];
	[sflag:s16] =	ssyncadd.s32 $0xFFFFD800  }
0x17f: {  	[tilespmem:s17], [sflag:$0x4] =	stream.indirect.gather [hbm4b:s4+s12], $0x80, s7, s12, $0xb8;
	[tilespmem:$0x1F000] =	vst v63  }
0x180: {  	s9 =	rddreg [dreg:$0x17]  }
0x181: {  	[spmem:s2] =	stream.indirect.scatter.add.f32 [tilespmem:s13], [sflag:$0x5], $0x80, s9, s12, $0xb8;
	[tilespmem:$0x1F000] =	vst v63  }
0x182: {  	_ =	swait.ge [sflag:s10], $0x2800  }
0x183: {  	[sflag:s10] =	ssyncset.done $0x0  }
0x184: {  	[sflag:s10] =	ssyncadd.s32 $0xFFFFD800  }
0x185: {  	_ =	swait.ge [sflag:s18], $0x2800  }
0x186: {  	[sflag:s18] =	ssyncset.done $0x0  }
0x187: {  	s7 =	rddreg [dreg:$0x18];
	[sflag:s18] =	ssyncadd.s32 $0xFFFFD800  }
0x188: {  	[tilespmem:s13], [sflag:$0x1] =	stream.indirect.gather [hbm4b:s4+s12], $0x80, s7, s12, $0xb8;
	[tilespmem:$0x1F000] =	vst v63  }
0x189: {  	s9 =	rddreg [dreg:$0x19]  }
0x18a: {  	[spmem:s2] =	stream.indirect.scatter.add.f32 [tilespmem:s14], [sflag:$0x5], $0x80, s9, s12, $0xb8;
	[tilespmem:$0x1F000] =	vst v63  }
0x18b: {  	_ =	swait.ge [sflag:s10], $0x2800  }
0x18c: {  	[sflag:s10] =	ssyncset.done $0x0  }
0x18d: {  	[sflag:s10] =	ssyncadd.s32 $0xFFFFD800  }
0x18e: {  	_ =	swait.ge [sflag:s19], $0x2800  }
0x18f: {  	[sflag:s19] =	ssyncset.done $0x0  }
0x190: {  	s7 =	rddreg [dreg:$0x1a];
	[sflag:s19] =	ssyncadd.s32 $0xFFFFD800  }
0x191: {  	[tilespmem:s14], [sflag:$0x2] =	stream.indirect.gather [hbm4b:s4+s12], $0x80, s7, s12, $0xb8;
	[tilespmem:$0x1F000] =	vst v63  }
0x192: {  	s9 =	rddreg [dreg:$0x1b]  }
0x193: {  	[spmem:s2] =	stream.indirect.scatter.add.f32 [tilespmem:s15], [sflag:$0x5], $0x80, s9, s12, $0xb8;
	[tilespmem:$0x1F000] =	vst v63  }
0x194: {  	_ =	swait.ge [sflag:s10], $0x2800  }
0x195: {  	[sflag:s10] =	ssyncset.done $0x0  }
0x196: {  	[sflag:s10] =	ssyncadd.s32 $0xFFFFD800  }
0x197: {  	_ =	swait.ge [sflag:s20], $0x2800  }
0x198: {  	[sflag:s20] =	ssyncset.done $0x0  }
0x199: {  	s7 =	rddreg [dreg:$0x1c];
	[sflag:s20] =	ssyncadd.s32 $0xFFFFD800  }
0x19a: {  	[tilespmem:s15], [sflag:$0x3] =	stream.indirect.gather [hbm4b:s4+s12], $0x80, s7, s12, $0xb8;
	[tilespmem:$0x1F000] =	vst v63  }
0x19b: {  	s9 =	rddreg [dreg:$0x1d]  }
0x19c: {  	[spmem:s2] =	stream.indirect.scatter.add.f32 [tilespmem:s17], [sflag:$0x5], $0x80, s9, s12, $0xb8;
	[tilespmem:$0x1F000] =	vst v63  }
0x19d: {  	_ =	swait.ge [sflag:s10], $0x2800  }
0x19e: {  	[sflag:s10] =	ssyncset.done $0x0  }
0x19f: {  	[sflag:s10] =	ssyncadd.s32 $0xFFFFD800  }
0x1a0: {  	_ =	swait.ge [sflag:s16], $0x2800  }
0x1a1: {  	[sflag:s16] =	ssyncset.done $0x0  }
0x1a2: {  	s7 =	rddreg [dreg:$0x1e];
	[sflag:s16] =	ssyncadd.s32 $0xFFFFD800  }
0x1a3: {  	[tilespmem:s17], [sflag:$0x4] =	stream.indirect.gather [hbm4b:s4+s12], $0x80, s7, s12, $0xb8;
	[tilespmem:$0x1F000] =	vst v63  }
0x1a4: {  	s9 =	rddreg [dreg:$0x1f]  }
0x1a5: {  	[spmem:s2] =	stream.indirect.scatter.add.f32 [tilespmem:s13], [sflag:$0x5], $0x80, s9, s12, $0xb8;
	[tilespmem:$0x1F000] =	vst v63  }
0x1a6: {  	_ =	swait.ge [sflag:s10], $0x2800  }
0x1a7: {  	[sflag:s10] =	ssyncset.done $0x0  }
0x1a8: {  	[sflag:s10] =	ssyncadd.s32 $0xFFFFD800  }
0x1a9: {  	_ =	swait.ge [sflag:s18], $0x2800  }
0x1aa: {  	s7 =	sld [smem:$0x7F4]  }
0x1ab: {  	[sflag:s18] =	ssyncset.done $0x0  }
0x1ac: {  	s9 =	sld [smem:$0x7F5];
	[sflag:s18] =	ssyncadd.s32 $0xFFFFD800  }
0x1ad: {  	[tilespmem:s13], [sflag:$0x1] =	stream.indirect.gather [hbm4b:s4+s12], $0x80, s7, s12, $0xb8;
	[tilespmem:$0x1F000] =	vst v63  }
0x1ae: {  	_ = 	snop  }
0x1af: {  	[spmem:s2] =	stream.indirect.scatter.add.f32 [tilespmem:s14], [sflag:$0x5], $0x80, s9, s12, $0xb8;
	[tilespmem:$0x1F000] =	vst v63  }
0x1b0: {  	_ =	swait.ge [sflag:s10], $0x2800  }
0x1b1: {  	[sflag:s10] =	ssyncset.done $0x0  }
0x1b2: {  	[sflag:s10] =	ssyncadd.s32 $0xFFFFD800  }
0x1b3: {  	_ =	swait.ge [sflag:s19], $0x2800  }
0x1b4: {  	s7 =	sld [smem:$0x7F6]  }
0x1b5: {  	[sflag:s19] =	ssyncset.done $0x0  }
0x1b6: {  	s9 =	sld [smem:$0x7F7];
	[sflag:s19] =	ssyncadd.s32 $0xFFFFD800  }
0x1b7: {  	[tilespmem:s14], [sflag:$0x2] =	stream.indirect.gather [hbm4b:s4+s12], $0x80, s7, s12, $0xb8;
	[tilespmem:$0x1F000] =	vst v63  }
0x1b8: {  	_ = 	snop  }
0x1b9: {  	[spmem:s2] =	stream.indirect.scatter.add.f32 [tilespmem:s15], [sflag:$0x5], $0x80, s9, s12, $0xb8;
	[tilespmem:$0x1F000] =	vst v63  }
0x1ba: {  	_ =	swait.ge [sflag:s10], $0x2800  }
0x1bb: {  	[sflag:s10] =	ssyncset.done $0x0  }
0x1bc: {  	[sflag:s10] =	ssyncadd.s32 $0xFFFFD800  }
0x1bd: {  	_ =	swait.ge [sflag:s20], $0x2800  }
0x1be: {  	s7 =	sld [smem:$0x7F8]  }
0x1bf: {  	[sflag:s20] =	ssyncset.done $0x0  }
0x1c0: {  	s9 =	sld [smem:$0x7F9];
	[sflag:s20] =	ssyncadd.s32 $0xFFFFD800  }
0x1c1: {  	[tilespmem:s15], [sflag:$0x3] =	stream.indirect.gather [hbm4b:s4+s12], $0x80, s7, s12, $0xb8;
	[tilespmem:$0x1F000] =	vst v63  }
0x1c2: {  	_ = 	snop  }
0x1c3: {  	[spmem:s2] =	stream.indirect.scatter.add.f32 [tilespmem:s17], [sflag:$0x5], $0x80, s9, s12, $0xb8;
	[tilespmem:$0x1F000] =	vst v63  }
0x1c4: {  	_ =	swait.ge [sflag:s10], $0x2800  }
0x1c5: {  	[sflag:s10] =	ssyncset.done $0x0  }
0x1c6: {  	[sflag:s10] =	ssyncadd.s32 $0xFFFFD800  }
0x1c7: {  	_ =	swait.ge [sflag:s16], $0x2800  }
0x1c8: {  	s7 =	sld [smem:$0x7FA]  }
0x1c9: {  	[sflag:s16] =	ssyncset.done $0x0  }
0x1ca: {  	s9 =	sld [smem:$0x7FB];
	[sflag:s16] =	ssyncadd.s32 $0xFFFFD800  }
0x1cb: {  	[tilespmem:s17], [sflag:$0x4] =	stream.indirect.gather [hbm4b:s4+s12], $0x80, s7, s12, $0xb8;
	[tilespmem:$0x1F000] =	vst v63  }
0x1cc: {  	_ = 	snop  }
0x1cd: {  	[spmem:s2] =	stream.indirect.scatter.add.f32 [tilespmem:s13], [sflag:$0x5], $0x80, s9, s12, $0xb8;
	[tilespmem:$0x1F000] =	vst v63  }
0x1ce: {  	_ =	swait.ge [sflag:s10], $0x2800  }
0x1cf: {  	[sflag:s10] =	ssyncset.done $0x0  }
0x1d0: {  	[sflag:s10] =	ssyncadd.s32 $0xFFFFD800  }
0x1d1: {  	_ =	swait.ge [sflag:s18], $0x2800  }
0x1d2: {  	[sflag:s18] =	ssyncset.done $0x0  }
0x1d3: {  	[sflag:s18] =	ssyncadd.s32 $0xFFFFD800  }
0x1d4: {  	[tilespmem:s13], [sflag:$0x1] =	stream.indirect.gather [hbm4b:s4+s12], $0x80, s21, s12, $0xb8;
	[tilespmem:$0x1F000] =	vst v63  }
0x1d5: {  	_ = 	snop  }
0x1d6: {  	[spmem:s2] =	stream.indirect.scatter.add.f32 [tilespmem:s14], [sflag:$0x5], $0x80, s22, s12, $0xb8;
	[tilespmem:$0x1F000] =	vst v63  }
0x1d7: {  	_ =	swait.ge [sflag:s10], $0x2800  }
0x1d8: {  	[sflag:s10] =	ssyncset.done $0x0  }
0x1d9: {  	[sflag:s10] =	ssyncadd.s32 $0xFFFFD800  }
0x1da: {  	_ =	swait.ge [sflag:s19], $0x2800  }
0x1db: {  	[sflag:s19] =	ssyncset.done $0x0  }
0x1dc: {  	[sflag:s19] =	ssyncadd.s32 $0xFFFFD800  }
0x1dd: {  	[tilespmem:s14], [sflag:$0x2] =	stream.indirect.gather [hbm4b:s4+s12], $0x80, s23, s12, $0xb8;
	[tilespmem:$0x1F000] =	vst v63  }
0x1de: {  	_ = 	snop  }
0x1df: {  	[spmem:s2] =	stream.indirect.scatter.add.f32 [tilespmem:s15], [sflag:$0x5], $0x80, s24, s12, $0xb8;
	[tilespmem:$0x1F000] =	vst v63  }
0x1e0: {  	_ =	swait.ge [sflag:s10], $0x2800  }
0x1e1: {  	[sflag:s10] =	ssyncset.done $0x0  }
0x1e2: {  	[sflag:s10] =	ssyncadd.s32 $0xFFFFD800  }
0x1e3: {  	_ =	swait.ge [sflag:s20], $0x2800  }
0x1e4: {  	[sflag:s20] =	ssyncset.done $0x0  }
0x1e5: {  	[sflag:s20] =	ssyncadd.s32 $0xFFFFD800  }
0x1e6: {  	[tilespmem:s15], [sflag:$0x3] =	stream.indirect.gather [hbm4b:s4+s12], $0x80, s25, s12, $0xb8;
	[tilespmem:$0x1F000] =	vst v63  }
0x1e7: {  	_ = 	snop  }
0x1e8: {  	[spmem:s2] =	stream.indirect.scatter.add.f32 [tilespmem:s17], [sflag:$0x5], $0x80, s26, s12, $0xb8;
	[tilespmem:$0x1F000] =	vst v63  }
0x1e9: {  	_ =	swait.ge [sflag:s10], $0x2800  }
0x1ea: {  	[sflag:s10] =	ssyncset.done $0x0  }
0x1eb: {  	[sflag:s10] =	ssyncadd.s32 $0xFFFFD800  }
0x1ec: {  	_ =	swait.ge [sflag:s16], $0x2800  }
0x1ed: {  	[sflag:s16] =	ssyncset.done $0x0  }
0x1ee: {  	[sflag:s16] =	ssyncadd.s32 $0xFFFFD800  }
0x1ef: {  	[tilespmem:s17], [sflag:$0x4] =	stream.indirect.gather [hbm4b:s4+s12], $0x80, s28, s12, $0xb8;
	[tilespmem:$0x1F000] =	vst v63  }
0x1f0: {  	_ = 	snop  }
0x1f1: {  	[spmem:s2] =	stream.indirect.scatter.add.f32 [tilespmem:s13], [sflag:$0x5], $0x80, s29, s12, $0xb8;
	[tilespmem:$0x1F000] =	vst v63  }
0x1f2: {  	_ =	swait.ge [sflag:s10], $0x2800  }
0x1f3: {  	[sflag:s10] =	ssyncset.done $0x0  }
0x1f4: {  	[sflag:s10] =	ssyncadd.s32 $0xFFFFD800  }
0x1f5: {  	_ =	swait.ge [sflag:s18], $0x2800  }
0x1f6: {  	[sflag:s18] =	ssyncset.done $0x0  }
0x1f7: {  	[sflag:s18] =	ssyncadd.s32 $0xFFFFD800  }
0x1f8: {  	[tilespmem:s13], [sflag:$0x1] =	stream.indirect.gather [hbm4b:s4+s12], $0x80, s30, s12, $0xb8;
	[tilespmem:$0x1F000] =	vst v63  }
0x1f9: {  	_ = 	snop  }
0x1fa: {  	[spmem:s2] =	stream.indirect.scatter.add.f32 [tilespmem:s14], [sflag:$0x5], $0x80, s31, s12, $0xb8;
	[tilespmem:$0x1F000] =	vst v63  }
0x1fb: {  	_ =	swait.ge [sflag:s10], $0x2800  }
0x1fc: {  	[sflag:s10] =	ssyncset.done $0x0  }
0x1fd: {  	[sflag:s10] =	ssyncadd.s32 $0xFFFFD800  }
0x1fe: {  	_ =	swait.ge [sflag:s19], $0x2800  }
0x1ff: {  	[sflag:s19] =	ssyncset.done $0x0  }
0x200: {  	[sflag:s19] =	ssyncadd.s32 $0xFFFFD800  }
0x201: {  	[spmem:s2] =	stream.indirect.scatter.add.f32 [tilespmem:s15], [sflag:$0x5], $0x80, s1, s12, $0xb8;
	[tilespmem:$0x1F000] =	vst v63  }
0x202: {  	_ =	swait.ge [sflag:s10], $0x2800  }
0x203: {  	[sflag:s10] =	ssyncset.done $0x0  }
0x204: {  	[sflag:s10] =	ssyncadd.s32 $0xFFFFD800  }
0x205: {  	_ =	swait.ge [sflag:s20], $0x2800  }
0x206: {  	[sflag:s20] =	ssyncset.done $0x0  }
0x207: {  	[sflag:s20] =	ssyncadd.s32 $0xFFFFD800  }
0x208: {  	[spmem:s2] =	stream.indirect.scatter.add.f32 [tilespmem:s17], [sflag:$0x5], $0x80, s0, s12, $0xb8;
	[tilespmem:$0x1F000] =	vst v63  }
0x209: {  	_ =	swait.ge [sflag:s10], $0x2800  }
0x20a: {  	[sflag:s10] =	ssyncset.done $0x0  }
0x20b: {  	[sflag:s10] =	ssyncadd.s32 $0xFFFFD800  }
0x20c: {  	p0 =	sne.s32 s6, $0x3E8;
	_ =	swait.ge [sflag:s16], $0x2800  }
.Ltmp0:
0x20d: {  	[sflag:s16] =	ssyncset.done $0x0;
	(pc) =	sbr.rel @p0 .LBB2_2-.Ltmp0, $4  }
0x20e: {  	[sflag:s16] =	ssyncadd.s32 $0xFFFFD800  }
0x20f: {  	[spmem:s2] =	stream.indirect.scatter.add.f32 [tilespmem:s13], [sflag:$0x5], $0x80, s5, s12, $0xb8;
	[tilespmem:$0x1F000] =	vst v63  }
0x210: {  	_ =	swait.ge [sflag:s10], $0x2800  }
0x211: {  	s6 =	sadd.s32 $0xFA, s6;
	s9 =	rddreg [dreg:$0x5];
	[sflag:s10] =	ssyncset.done $0x0  }
0x212: {  	[sflag:s10] =	ssyncadd.s32 $0xFFFFD800;
	s6 =	sadd.s32 s8, s9  }
0x213: {  	[tilespmem:s3], [sflag:$0x5] =	stream.linear.gather [hbm4b:s6+s3], $0x7D0, $0x38;
	[tilespmem:$0x1F000] =	vst v63  }
0x214: {  	_ =	swait.ge [sflag:s10], $0x7D0  }
0x215: {  	s9 =	rddreg [dreg:$0x4];
	[sflag:s10] =	ssyncset.done $0x0  }
0x216: {  	[sflag:s10] =	ssyncadd.s32 $0xFFFFF830;
	s6 =	sadd.s32 s8, s9  }
0x217: {  	[tilespmem:s11], [sflag:$0x5] =	stream.linear.gather [hbm4b:s6+s3], $0x7D0, $0x38;
	[tilespmem:$0x1F000] =	vst v63  }
0x218: {  	_ =	swait.ge [sflag:s10], $0x7D0  }
0x219: {  	[sflag:s10] =	ssyncset.done $0x0  }
0x21a: {  	[sflag:s10] =	ssyncadd.s32 $0xFFFFF830  }
0x21b: {  	[tilespmem:s13], [sflag:$0x1] =	stream.indirect.gather [hbm4b:s4+s12], $0x80, s3, s12, $0xb8;
	[tilespmem:$0x1F000] =	vst v63  }
0x21c: {  	_ = 	snop  }
0x21d: {  	[tilespmem:s14], [sflag:$0x2] =	stream.indirect.gather [hbm4b:s4+s12], $0x80, s12, s12, $0xb8;
	[tilespmem:$0x1F000] =	vst v63  }
0x21e: {  	s7 =	rddreg [dreg:$0x6]  }
0x21f: {  	[tilespmem:s15], [sflag:$0x3] =	stream.indirect.gather [hbm4b:s4+s12], $0x80, s7, s12, $0xb8;
	[tilespmem:$0x1F000] =	vst v63  }
0x220: {  	_ =	swait.ge [sflag:s16], $0x2800  }
0x221: {  	[sflag:s16] =	ssyncset.done $0x0  }
0x222: {  	s8 =	rddreg [dreg:$0x7];
	[sflag:s16] =	ssyncadd.s32 $0xFFFFD800  }
0x223: {  	[tilespmem:s17], [sflag:$0x4] =	stream.indirect.gather [hbm4b:s4+s12], $0x80, s8, s12, $0xb8;
	[tilespmem:$0x1F000] =	vst v63  }
0x224: {  	_ = 	snop  }
0x225: {  	[spmem:s2] =	stream.indirect.scatter.add.f32 [tilespmem:s13], [sflag:$0x5], $0x80, s11, s12, $0xb8;
	[tilespmem:$0x1F000] =	vst v63  }
0x226: {  	_ =	swait.ge [sflag:s10], $0x2800  }
0x227: {  	[sflag:s10] =	ssyncset.done $0x0  }
0x228: {  	[sflag:s10] =	ssyncadd.s32 $0xFFFFD800  }
0x229: {  	_ =	swait.ge [sflag:s18], $0x2800  }
0x22a: {  	[sflag:s18] =	ssyncset.done $0x0  }
0x22b: {  	s9 =	rddreg [dreg:$0x8];
	[sflag:s18] =	ssyncadd.s32 $0xFFFFD800  }
0x22c: {  	[tilespmem:s13], [sflag:$0x1] =	stream.indirect.gather [hbm4b:s4+s12], $0x80, s9, s12, $0xb8;
	[tilespmem:$0x1F000] =	vst v63  }
0x22d: {  	s7 =	rddreg [dreg:$0x9]  }
0x22e: {  	[spmem:s2] =	stream.indirect.scatter.add.f32 [tilespmem:s14], [sflag:$0x5], $0x80, s7, s12, $0xb8;
	[tilespmem:$0x1F000] =	vst v63  }
0x22f: {  	_ =	swait.ge [sflag:s10], $0x2800  }
0x230: {  	[sflag:s10] =	ssyncset.done $0x0  }
0x231: {  	[sflag:s10] =	ssyncadd.s32 $0xFFFFD800  }
0x232: {  	_ =	swait.ge [sflag:s19], $0x2800  }
0x233: {  	[sflag:s19] =	ssyncset.done $0x0  }
0x234: {  	s8 =	rddreg [dreg:$0xa];
	[sflag:s19] =	ssyncadd.s32 $0xFFFFD800  }
0x235: {  	[tilespmem:s14], [sflag:$0x2] =	stream.indirect.gather [hbm4b:s4+s12], $0x80, s8, s12, $0xb8;
	[tilespmem:$0x1F000] =	vst v63  }
0x236: {  	s9 =	rddreg [dreg:$0xb]  }
0x237: {  	[spmem:s2] =	stream.indirect.scatter.add.f32 [tilespmem:s15], [sflag:$0x5], $0x80, s9, s12, $0xb8;
	[tilespmem:$0x1F000] =	vst v63  }
0x238: {  	_ =	swait.ge [sflag:s10], $0x2800  }
0x239: {  	[sflag:s10] =	ssyncset.done $0x0  }
0x23a: {  	[sflag:s10] =	ssyncadd.s32 $0xFFFFD800  }
0x23b: {  	_ =	swait.ge [sflag:s20], $0x2800  }
0x23c: {  	[sflag:s20] =	ssyncset.done $0x0  }
0x23d: {  	s8 =	rddreg [dreg:$0xc];
	[sflag:s20] =	ssyncadd.s32 $0xFFFFD800  }
0x23e: {  	[tilespmem:s15], [sflag:$0x3] =	stream.indirect.gather [hbm4b:s4+s12], $0x80, s8, s12, $0xb8;
	[tilespmem:$0x1F000] =	vst v63  }
0x23f: {  	s9 =	rddreg [dreg:$0xd]  }
0x240: {  	[spmem:s2] =	stream.indirect.scatter.add.f32 [tilespmem:s17], [sflag:$0x5], $0x80, s9, s12, $0xb8;
	[tilespmem:$0x1F000] =	vst v63  }
0x241: {  	_ =	swait.ge [sflag:s10], $0x2800  }
0x242: {  	[sflag:s10] =	ssyncset.done $0x0  }
0x243: {  	[sflag:s10] =	ssyncadd.s32 $0xFFFFD800  }
0x244: {  	_ =	swait.ge [sflag:s16], $0x2800  }
0x245: {  	[sflag:s16] =	ssyncset.done $0x0  }
0x246: {  	s8 =	rddreg [dreg:$0xe];
	[sflag:s16] =	ssyncadd.s32 $0xFFFFD800  }
0x247: {  	[tilespmem:s17], [sflag:$0x4] =	stream.indirect.gather [hbm4b:s4+s12], $0x80, s8, s12, $0xb8;
	[tilespmem:$0x1F000] =	vst v63  }
0x248: {  	s9 =	rddreg [dreg:$0xf]  }
0x249: {  	[spmem:s2] =	stream.indirect.scatter.add.f32 [tilespmem:s13], [sflag:$0x5], $0x80, s9, s12, $0xb8;
	[tilespmem:$0x1F000] =	vst v63  }
0x24a: {  	_ =	swait.ge [sflag:s10], $0x2800  }
0x24b: {  	[sflag:s10] =	ssyncset.done $0x0  }
0x24c: {  	[sflag:s10] =	ssyncadd.s32 $0xFFFFD800  }
0x24d: {  	_ =	swait.ge [sflag:s18], $0x2800  }
0x24e: {  	[sflag:s18] =	ssyncset.done $0x0  }
0x24f: {  	s8 =	rddreg [dreg:$0x10];
	[sflag:s18] =	ssyncadd.s32 $0xFFFFD800  }
0x250: {  	[tilespmem:s13], [sflag:$0x1] =	stream.indirect.gather [hbm4b:s4+s12], $0x80, s8, s12, $0xb8;
	[tilespmem:$0x1F000] =	vst v63  }
0x251: {  	s9 =	rddreg [dreg:$0x11]  }
0x252: {  	[spmem:s2] =	stream.indirect.scatter.add.f32 [tilespmem:s14], [sflag:$0x5], $0x80, s9, s12, $0xb8;
	[tilespmem:$0x1F000] =	vst v63  }
0x253: {  	_ =	swait.ge [sflag:s10], $0x2800  }
0x254: {  	[sflag:s10] =	ssyncset.done $0x0  }
0x255: {  	[sflag:s10] =	ssyncadd.s32 $0xFFFFD800  }
0x256: {  	_ =	swait.ge [sflag:s19], $0x2800  }
0x257: {  	[sflag:s19] =	ssyncset.done $0x0  }
0x258: {  	s8 =	rddreg [dreg:$0x12];
	[sflag:s19] =	ssyncadd.s32 $0xFFFFD800  }
0x259: {  	[tilespmem:s14], [sflag:$0x2] =	stream.indirect.gather [hbm4b:s4+s12], $0x80, s8, s12, $0xb8;
	[tilespmem:$0x1F000] =	vst v63  }
0x25a: {  	s9 =	rddreg [dreg:$0x13]  }
0x25b: {  	[spmem:s2] =	stream.indirect.scatter.add.f32 [tilespmem:s15], [sflag:$0x5], $0x80, s9, s12, $0xb8;
	[tilespmem:$0x1F000] =	vst v63  }
0x25c: {  	_ =	swait.ge [sflag:s10], $0x2800  }
0x25d: {  	[sflag:s10] =	ssyncset.done $0x0  }
0x25e: {  	[sflag:s10] =	ssyncadd.s32 $0xFFFFD800  }
0x25f: {  	_ =	swait.ge [sflag:s20], $0x2800  }
0x260: {  	[sflag:s20] =	ssyncset.done $0x0  }
0x261: {  	s8 =	rddreg [dreg:$0x14];
	[sflag:s20] =	ssyncadd.s32 $0xFFFFD800  }
0x262: {  	[tilespmem:s15], [sflag:$0x3] =	stream.indirect.gather [hbm4b:s4+s12], $0x80, s8, s12, $0xb8;
	[tilespmem:$0x1F000] =	vst v63  }
0x263: {  	s9 =	rddreg [dreg:$0x15]  }
0x264: {  	[spmem:s2] =	stream.indirect.scatter.add.f32 [tilespmem:s17], [sflag:$0x5], $0x80, s9, s12, $0xb8;
	[tilespmem:$0x1F000] =	vst v63  }
0x265: {  	_ =	swait.ge [sflag:s10], $0x2800  }
0x266: {  	[sflag:s10] =	ssyncset.done $0x0  }
0x267: {  	[sflag:s10] =	ssyncadd.s32 $0xFFFFD800  }
0x268: {  	_ =	swait.ge [sflag:s16], $0x2800  }
0x269: {  	[sflag:s16] =	ssyncset.done $0x0  }
0x26a: {  	s8 =	rddreg [dreg:$0x16];
	[sflag:s16] =	ssyncadd.s32 $0xFFFFD800  }
0x26b: {  	[tilespmem:s17], [sflag:$0x4] =	stream.indirect.gather [hbm4b:s4+s12], $0x80, s8, s12, $0xb8;
	[tilespmem:$0x1F000] =	vst v63  }
0x26c: {  	s9 =	rddreg [dreg:$0x17]  }
0x26d: {  	[spmem:s2] =	stream.indirect.scatter.add.f32 [tilespmem:s13], [sflag:$0x5], $0x80, s9, s12, $0xb8;
	[tilespmem:$0x1F000] =	vst v63  }
0x26e: {  	_ =	swait.ge [sflag:s10], $0x2800  }
0x26f: {  	[sflag:s10] =	ssyncset.done $0x0  }
0x270: {  	[sflag:s10] =	ssyncadd.s32 $0xFFFFD800  }
0x271: {  	_ =	swait.ge [sflag:s18], $0x2800  }
0x272: {  	[sflag:s18] =	ssyncset.done $0x0  }
0x273: {  	s8 =	rddreg [dreg:$0x18];
	[sflag:s18] =	ssyncadd.s32 $0xFFFFD800  }
0x274: {  	[tilespmem:s13], [sflag:$0x1] =	stream.indirect.gather [hbm4b:s4+s12], $0x80, s8, s12, $0xb8;
	[tilespmem:$0x1F000] =	vst v63  }
0x275: {  	s9 =	rddreg [dreg:$0x19]  }
0x276: {  	[spmem:s2] =	stream.indirect.scatter.add.f32 [tilespmem:s14], [sflag:$0x5], $0x80, s9, s12, $0xb8;
	[tilespmem:$0x1F000] =	vst v63  }
0x277: {  	_ =	swait.ge [sflag:s10], $0x2800  }
0x278: {  	[sflag:s10] =	ssyncset.done $0x0  }
0x279: {  	[sflag:s10] =	ssyncadd.s32 $0xFFFFD800  }
0x27a: {  	_ =	swait.ge [sflag:s19], $0x2800  }
0x27b: {  	[sflag:s19] =	ssyncset.done $0x0  }
0x27c: {  	s8 =	rddreg [dreg:$0x1a];
	[sflag:s19] =	ssyncadd.s32 $0xFFFFD800  }
0x27d: {  	[tilespmem:s14], [sflag:$0x2] =	stream.indirect.gather [hbm4b:s4+s12], $0x80, s8, s12, $0xb8;
	[tilespmem:$0x1F000] =	vst v63  }
0x27e: {  	s9 =	rddreg [dreg:$0x1b]  }
0x27f: {  	[spmem:s2] =	stream.indirect.scatter.add.f32 [tilespmem:s15], [sflag:$0x5], $0x80, s9, s12, $0xb8;
	[tilespmem:$0x1F000] =	vst v63  }
0x280: {  	_ =	swait.ge [sflag:s10], $0x2800  }
0x281: {  	[sflag:s10] =	ssyncset.done $0x0  }
0x282: {  	[sflag:s10] =	ssyncadd.s32 $0xFFFFD800  }
0x283: {  	_ =	swait.ge [sflag:s20], $0x2800  }
0x284: {  	[sflag:s20] =	ssyncset.done $0x0  }
0x285: {  	s8 =	rddreg [dreg:$0x1c];
	[sflag:s20] =	ssyncadd.s32 $0xFFFFD800  }
0x286: {  	[tilespmem:s15], [sflag:$0x3] =	stream.indirect.gather [hbm4b:s4+s12], $0x80, s8, s12, $0xb8;
	[tilespmem:$0x1F000] =	vst v63  }
0x287: {  	s9 =	rddreg [dreg:$0x1d]  }
0x288: {  	[spmem:s2] =	stream.indirect.scatter.add.f32 [tilespmem:s17], [sflag:$0x5], $0x80, s9, s12, $0xb8;
	[tilespmem:$0x1F000] =	vst v63  }
0x289: {  	_ =	swait.ge [sflag:s10], $0x2800  }
0x28a: {  	[sflag:s10] =	ssyncset.done $0x0  }
0x28b: {  	[sflag:s10] =	ssyncadd.s32 $0xFFFFD800  }
0x28c: {  	_ =	swait.ge [sflag:s16], $0x2800  }
0x28d: {  	[sflag:s16] =	ssyncset.done $0x0  }
0x28e: {  	s8 =	rddreg [dreg:$0x1e];
	[sflag:s16] =	ssyncadd.s32 $0xFFFFD800  }
0x28f: {  	[tilespmem:s17], [sflag:$0x4] =	stream.indirect.gather [hbm4b:s4+s12], $0x80, s8, s12, $0xb8;
	[tilespmem:$0x1F000] =	vst v63  }
0x290: {  	s9 =	rddreg [dreg:$0x1f]  }
0x291: {  	[spmem:s2] =	stream.indirect.scatter.add.f32 [tilespmem:s13], [sflag:$0x5], $0x80, s9, s12, $0xb8;
	[tilespmem:$0x1F000] =	vst v63  }
0x292: {  	_ =	swait.ge [sflag:s10], $0x2800  }
0x293: {  	[sflag:s10] =	ssyncset.done $0x0  }
0x294: {  	[sflag:s10] =	ssyncadd.s32 $0xFFFFD800  }
0x295: {  	_ =	swait.ge [sflag:s18], $0x2800  }
0x296: {  	s8 =	sld [smem:$0x7F4]  }
0x297: {  	[sflag:s18] =	ssyncset.done $0x0  }
0x298: {  	s9 =	sld [smem:$0x7F5];
	[sflag:s18] =	ssyncadd.s32 $0xFFFFD800  }
0x299: {  	[tilespmem:s13], [sflag:$0x1] =	stream.indirect.gather [hbm4b:s4+s12], $0x80, s8, s12, $0xb8;
	[tilespmem:$0x1F000] =	vst v63  }
0x29a: {  	_ = 	snop  }
0x29b: {  	[spmem:s2] =	stream.indirect.scatter.add.f32 [tilespmem:s14], [sflag:$0x5], $0x80, s9, s12, $0xb8;
	[tilespmem:$0x1F000] =	vst v63  }
0x29c: {  	_ =	swait.ge [sflag:s10], $0x2800  }
0x29d: {  	[sflag:s10] =	ssyncset.done $0x0  }
0x29e: {  	[sflag:s10] =	ssyncadd.s32 $0xFFFFD800  }
0x29f: {  	_ =	swait.ge [sflag:s19], $0x2800  }
0x2a0: {  	s8 =	sld [smem:$0x7F6]  }
0x2a1: {  	[sflag:s19] =	ssyncset.done $0x0  }
0x2a2: {  	s9 =	sld [smem:$0x7F7];
	[sflag:s19] =	ssyncadd.s32 $0xFFFFD800  }
0x2a3: {  	[tilespmem:s14], [sflag:$0x2] =	stream.indirect.gather [hbm4b:s4+s12], $0x80, s8, s12, $0xb8;
	[tilespmem:$0x1F000] =	vst v63  }
0x2a4: {  	_ = 	snop  }
0x2a5: {  	[spmem:s2] =	stream.indirect.scatter.add.f32 [tilespmem:s15], [sflag:$0x5], $0x80, s9, s12, $0xb8;
	[tilespmem:$0x1F000] =	vst v63  }
0x2a6: {  	_ =	swait.ge [sflag:s10], $0x2800  }
0x2a7: {  	[sflag:s10] =	ssyncset.done $0x0  }
0x2a8: {  	[sflag:s10] =	ssyncadd.s32 $0xFFFFD800  }
0x2a9: {  	_ =	swait.ge [sflag:s20], $0x2800  }
0x2aa: {  	s8 =	sld [smem:$0x7F8]  }
0x2ab: {  	[sflag:s20] =	ssyncset.done $0x0  }
0x2ac: {  	s9 =	sld [smem:$0x7F9];
	[sflag:s20] =	ssyncadd.s32 $0xFFFFD800  }
0x2ad: {  	[tilespmem:s15], [sflag:$0x3] =	stream.indirect.gather [hbm4b:s4+s12], $0x80, s8, s12, $0xb8;
	[tilespmem:$0x1F000] =	vst v63  }
0x2ae: {  	_ = 	snop  }
0x2af: {  	[spmem:s2] =	stream.indirect.scatter.add.f32 [tilespmem:s17], [sflag:$0x5], $0x80, s9, s12, $0xb8;
	[tilespmem:$0x1F000] =	vst v63  }
0x2b0: {  	_ =	swait.ge [sflag:s10], $0x2800  }
0x2b1: {  	[sflag:s10] =	ssyncset.done $0x0  }
0x2b2: {  	[sflag:s10] =	ssyncadd.s32 $0xFFFFD800  }
0x2b3: {  	_ =	swait.ge [sflag:s16], $0x2800  }
0x2b4: {  	s7 =	sld [smem:$0x7FA]  }
0x2b5: {  	[sflag:s16] =	ssyncset.done $0x0  }
0x2b6: {  	s8 =	sld [smem:$0x7FB];
	[sflag:s16] =	ssyncadd.s32 $0xFFFFD800  }
0x2b7: {  	[tilespmem:s17], [sflag:$0x4] =	stream.indirect.gather [hbm4b:s4+s12], $0x80, s7, s12, $0xb8;
	[tilespmem:$0x1F000] =	vst v63  }
0x2b8: {  	_ = 	snop  }
0x2b9: {  	[spmem:s2] =	stream.indirect.scatter.add.f32 [tilespmem:s13], [sflag:$0x5], $0x80, s8, s12, $0xb8;
	[tilespmem:$0x1F000] =	vst v63  }
0x2ba: {  	_ =	swait.ge [sflag:s10], $0x2800  }
0x2bb: {  	[sflag:s10] =	ssyncset.done $0x0  }
0x2bc: {  	[sflag:s10] =	ssyncadd.s32 $0xFFFFD800  }
0x2bd: {  	_ =	swait.ge [sflag:s18], $0x2800  }
0x2be: {  	[sflag:s18] =	ssyncset.done $0x0  }
0x2bf: {  	[sflag:s18] =	ssyncadd.s32 $0xFFFFD800  }
0x2c0: {  	[tilespmem:s13], [sflag:$0x1] =	stream.indirect.gather [hbm4b:s4+s12], $0x80, s21, s12, $0xb8;
	[tilespmem:$0x1F000] =	vst v63  }
0x2c1: {  	_ = 	snop  }
0x2c2: {  	[spmem:s2] =	stream.indirect.scatter.add.f32 [tilespmem:s14], [sflag:$0x5], $0x80, s22, s12, $0xb8;
	[tilespmem:$0x1F000] =	vst v63  }
0x2c3: {  	_ =	swait.ge [sflag:s10], $0x2800  }
0x2c4: {  	[sflag:s10] =	ssyncset.done $0x0  }
0x2c5: {  	[sflag:s10] =	ssyncadd.s32 $0xFFFFD800  }
0x2c6: {  	_ =	swait.ge [sflag:s19], $0x2800  }
0x2c7: {  	[sflag:s19] =	ssyncset.done $0x0  }
0x2c8: {  	[sflag:s19] =	ssyncadd.s32 $0xFFFFD800  }
0x2c9: {  	[tilespmem:s14], [sflag:$0x2] =	stream.indirect.gather [hbm4b:s4+s12], $0x80, s23, s12, $0xb8;
	[tilespmem:$0x1F000] =	vst v63  }
0x2ca: {  	_ = 	snop  }
0x2cb: {  	[spmem:s2] =	stream.indirect.scatter.add.f32 [tilespmem:s15], [sflag:$0x5], $0x80, s24, s12, $0xb8;
	[tilespmem:$0x1F000] =	vst v63  }
0x2cc: {  	_ =	swait.ge [sflag:s10], $0x2800  }
0x2cd: {  	[sflag:s10] =	ssyncset.done $0x0  }
0x2ce: {  	[sflag:s10] =	ssyncadd.s32 $0xFFFFD800  }
0x2cf: {  	_ =	swait.ge [sflag:s20], $0x2800  }
0x2d0: {  	[sflag:s20] =	ssyncset.done $0x0  }
0x2d1: {  	[sflag:s20] =	ssyncadd.s32 $0xFFFFD800  }
0x2d2: {  	[tilespmem:s15], [sflag:$0x3] =	stream.indirect.gather [hbm4b:s4+s12], $0x80, s25, s12, $0xb8;
	[tilespmem:$0x1F000] =	vst v63  }
0x2d3: {  	_ = 	snop  }
0x2d4: {  	[spmem:s2] =	stream.indirect.scatter.add.f32 [tilespmem:s17], [sflag:$0x5], $0x80, s26, s12, $0xb8;
	[tilespmem:$0x1F000] =	vst v63  }
0x2d5: {  	_ =	swait.ge [sflag:s10], $0x2800  }
0x2d6: {  	[sflag:s10] =	ssyncset.done $0x0  }
0x2d7: {  	[sflag:s10] =	ssyncadd.s32 $0xFFFFD800  }
0x2d8: {  	_ =	swait.ge [sflag:s16], $0x2800  }
0x2d9: {  	[sflag:s16] =	ssyncset.done $0x0  }
0x2da: {  	[sflag:s16] =	ssyncadd.s32 $0xFFFFD800  }
0x2db: {  	[tilespmem:s17], [sflag:$0x4] =	stream.indirect.gather [hbm4b:s4+s12], $0x80, s28, s12, $0xb8;
	[tilespmem:$0x1F000] =	vst v63  }
0x2dc: {  	_ = 	snop  }
0x2dd: {  	[spmem:s2] =	stream.indirect.scatter.add.f32 [tilespmem:s13], [sflag:$0x5], $0x80, s29, s12, $0xb8;
	[tilespmem:$0x1F000] =	vst v63  }
0x2de: {  	_ =	swait.ge [sflag:s10], $0x2800  }
0x2df: {  	[sflag:s10] =	ssyncset.done $0x0  }
0x2e0: {  	[sflag:s10] =	ssyncadd.s32 $0xFFFFD800  }
0x2e1: {  	_ =	swait.ge [sflag:s18], $0x2800  }
0x2e2: {  	[sflag:s18] =	ssyncset.done $0x0  }
0x2e3: {  	[sflag:s18] =	ssyncadd.s32 $0xFFFFD800  }
0x2e4: {  	[tilespmem:s13], [sflag:$0x1] =	stream.indirect.gather [hbm4b:s4+s12], $0x80, s30, s12, $0xb8;
	[tilespmem:$0x1F000] =	vst v63  }
0x2e5: {  	_ = 	snop  }
0x2e6: {  	[spmem:s2] =	stream.indirect.scatter.add.f32 [tilespmem:s14], [sflag:$0x5], $0x80, s31, s12, $0xb8;
	[tilespmem:$0x1F000] =	vst v63  }
0x2e7: {  	_ =	swait.ge [sflag:s10], $0x2800  }
0x2e8: {  	[sflag:s10] =	ssyncset.done $0x0  }
0x2e9: {  	[sflag:s10] =	ssyncadd.s32 $0xFFFFD800  }
0x2ea: {  	_ =	swait.ge [sflag:s19], $0x2800  }
0x2eb: {  	[sflag:s19] =	ssyncset.done $0x0  }
0x2ec: {  	[sflag:s19] =	ssyncadd.s32 $0xFFFFD800  }
0x2ed: {  	[spmem:s2] =	stream.indirect.scatter.add.f32 [tilespmem:s15], [sflag:$0x5], $0x80, s1, s12, $0xb8;
	[tilespmem:$0x1F000] =	vst v63  }
0x2ee: {  	_ =	swait.ge [sflag:s10], $0x2800  }
0x2ef: {  	[sflag:s10] =	ssyncset.done $0x0  }
0x2f0: {  	[sflag:s10] =	ssyncadd.s32 $0xFFFFD800  }
0x2f1: {  	_ =	swait.ge [sflag:s20], $0x2800  }
0x2f2: {  	[sflag:s20] =	ssyncset.done $0x0  }
0x2f3: {  	[sflag:s20] =	ssyncadd.s32 $0xFFFFD800  }
0x2f4: {  	[spmem:s2] =	stream.indirect.scatter.add.f32 [tilespmem:s17], [sflag:$0x5], $0x80, s0, s12, $0xb8;
	[tilespmem:$0x1F000] =	vst v63  }
0x2f5: {  	_ =	swait.ge [sflag:s10], $0x2800  }
0x2f6: {  	[sflag:s10] =	ssyncset.done $0x0  }
0x2f7: {  	[sflag:s10] =	ssyncadd.s32 $0xFFFFD800  }
0x2f8: {  	_ =	swait.ge [sflag:s16], $0x2800  }
0x2f9: {  	[sflag:s16] =	ssyncset.done $0x0  }
0x2fa: {  	[sflag:s16] =	ssyncadd.s32 $0xFFFFD800  }
0x2fb: {  	[spmem:s2] =	stream.indirect.scatter.add.f32 [tilespmem:s13], [sflag:$0x5], $0x80, s5, s12, $0xb8;
	[tilespmem:$0x1F000] =	vst v63  }
0x2fc: {  	_ =	swait.ge [sflag:s10], $0x2800  }
0x2fd: {  	[sflag:s10] =	ssyncset.done $0x0  }
0x2fe: {  	[sflag:s10] =	ssyncadd.s32 $0xFFFFD800  }
0x2ff: {  	[bflag:$0x0] =	sbarrier.arrive $0xFFFF  }
0x300: {  	s7 =	sld [smem:$0x7FC]  }
0x301: {  	s9 =	sld [smem:$0x7F2]  }
0x302: {  	s8 =	sld [smem:$0x7FD];
	_ =	sdelay $0x2  }
0x303: {  	[hbm:s9], [sflag:s7] =	dma.local [spmem:s8], $0x2800  }
0x304: {  	_ =	swait.ge [sflag:s10], $0x2800  }
0x305: {  	s6 =	sld [smem:$0x7F0];
	_ =	sdelay $0x2  }
0x306: {  	s9 =	sadd.s32 $0x1, s6;
	s6 =	sld [smem:$0x7F3];
	_ =	sdelay $0x2  }
0x307: {  	p0 =	sne.s32 s9, s6  }
.Ltmp1:
0x308: {  	_ = 	snop;
	(pc) =	sbr.rel @p0 .LBB2_1-.Ltmp1, $3  }
0x309: {  	_ =	sdelay $0x1  }
0x30a: {  	[sflag:s10] =	ssyncset.done $0x0  }
0x30b: {  	[sflag:s10] =	ssyncadd.s32 $0xFFFFD800  }
0x30c: {  	_ =	sfence.sel $0x180000  }
0x30d: {  	[bflag:$0x0] =	sbarrier.arrive $0xFFFF  }
0x30e: {  	_ =	strace $0x9000004A  }
0x30f: {  	s0 =	stileid.u32;
	[bflag:$0x2] =	sbarrier.arrive $0xFFFF  }
0x310: {  	p0 =	sne.s32 s0, $0x0;
	s0 =	rddreg [dreg:$0x3]  }
0x311: {  	s0 =	sadd.s32 @!p0 $0x100000, s0  }
0x312: {  	[sflag:s0] =	ssyncadd.tile.s32 @!p0 $0x1;
	_ =	shalt  }
.Lfunc_end2:
_tile_overlayer_lowered:
.L_overlay_start_2:
0x313: {  	(tag) =	ssettag $0x2  }
0x314: {  	s0 =	rddreg [dreg:$0x0];
	s2 =	stileid.u32  }
0x315: {  	s1 =	rddreg [dreg:$0x1];
	p0 =	sne.s32 s2, $0x0  }
0x316: {  	s3 =	rddreg [dreg:$0x2];
	[bflag:$0x3] =	sbarrier.arrive $0xFFFF;
	s2 =	simm.s32 @!p0 $0x1C05  }
0x317: {  	[timem:s3], [sflag:s2] =	dma.local @!p0 [hbm:s0], s1  }
0x318: {  	s0 =	simm.s32 @!p0 $0x5  }
0x319: {  	_ =	swait.ge @!p0 [sflag:s0], s1  }
0x31a: {  	s1 =	ssub.s32 @!p0 $0x0, s1;
	[sflag:s0] =	ssyncset.done @!p0 $0x0  }
0x31b: {  	[sflag:s0] =	ssyncadd.s32 @!p0 s1  }
0x31c: {  	[bflag:$0x3] =	sbarrier.arrive $0xFFFF  }
0x31d: {  	_ =	shalt  }

// kernel: sc_sum_and_deg.3.cloned.1.call-start
scs
__scs_entry_jumppad:
0x0: {  	(pc) =	sbr.rel $0x88, $3  }
0x1: {  	(tag) =	ssettag $0x0;
	lr =	simm.s32 $0x1  }
0x2: {  	[smem:$0x3F99] =	sst lr;
	_ =	strace $0xD0000000  }
0x3: {  	_ = 	snop  }
0x4: {  	_ = 	snop  }
0x5: {  	_ = 	snop  }
0x6: {  	_ = 	snop  }
0x7: {  	_ = 	snop  }
__scs_overlays_trampoline_lowered:
0x8: {  	[smem:$0x3FA8] =	sst s0  }
0x9: {  	[smem:$0x3FA9] =	sst s1  }
0xa: {  	[smem:$0x3FAA] =	sst s2  }
0xb: {  	[smem:$0x3FAB] =	sst s3  }
0xc: {  	[smem:$0x3FAC] =	sst s4  }
0xd: {  	[smem:$0x3FAD] =	sst s5  }
0xe: {  	[smem:$0x3FAE] =	sst s6  }
0xf: {  	[smem:$0x3FAF] =	sst s7  }
0x10: {  	[smem:$0x3FB0] =	sst s8  }
0x11: {  	[smem:$0x3FB1] =	sst s9;
	s0 =	simm.s32 @!p0 $0x0  }
0x12: {  	s1 =	sld [smem:$0x3F97];
	s0 =	simm.s32 @p0 $0x1  }
0x13: {  	[smem:$0x3FB2] =	sst s0;
	s0 =	simm.s32 @!p1 $0x0  }
0x14: {  	s2 =	sld [smem:$0x3F96];
	s0 =	simm.s32 @p1 $0x1  }
0x15: {  	[smem:$0x3FB3] =	sst s0;
	s0 =	simm.s32 @!p2 $0x0  }
0x16: {  	s3 =	sld [smem:$0x3FDB];
	s0 =	simm.s32 @p2 $0x1  }
0x17: {  	s4 =	simm.s32 $0x1BF5;
	[smem:$0x3FB5] =	sst s0  }
0x18: {  	s0 =	sld [smem:$0x3F98];
	_ =	swait.ge [sflag:s4], $0x0  }
0x19: {  	s7 =	sld [smem:$0x3F99]  }
0x1a: {  	s8 =	sadd.s32 $0xFFFFE003, lr  }
0x1b: {  	s9 =	sadd.s32 $0xFFFFFEF7, lr;
	s5 =	simm.s32 $0xFFFFFFFF;
	p2 =	slt.u32 s8, $0xFFFFF086  }
0x1c: {  	p1 =	slt.u32 s9, $0xF7A;
	s5 =	simm.s32 @!p2 $0x0  }
0x1d: {  	s5 =	simm.s32 @p1 $0x1;
	p0 =	seq.s32 s7, s2  }
0x1e: {  	s7 =	smul.u32 @!p0 $0xF7A, s2;
	p2 =	seq.s32 @!p0 s5, $0x0  }
0x1f: {  	s9 =	smul.u32 $0xF7A, s1;
	s8 =	simm.s32 @!p0 $0x1BF5;
	p2 =	por !p2, p0  }
0x20: {  	[sflag:s8] =	ssyncset.s32 @!p0 $0xFFFFF086;
	s6 =	sadd.s32 @!p0 s3, s7;
	s7 =	simm.s32 @!p0 $0x108  }
0x21: {  	s3 =	sadd.s32 s3, s9;
	s6 =	sadd.s32 @!p0 $0x88, s6;
	s7 =	simm.s32 @p2 $0x1082  }
0x22: {  	[simem:s7], [sflag:s8] =	dma.local @!p0 [hbm:s6], $0xF7A  }
0x23: {  	s9 =	sor.u32 $0xD0000000, s2;
	s6 =	simm.s32 $0x108;
	_ =	swait.ge @!p0 [sflag:s8], $0x0  }
0x24: {  	s3 =	sadd.s32 $0x88, s3;
	s6 =	simm.s32 @!p1 $0x1082;
	[sflag:s4] =	ssyncset.s32 $0xFFFFF086  }
0x25: {  	[simem:s6], [sflag:s4] =	dma.local [hbm:s3], $0xF7A  }
0x26: {  	[smem:$0x3F99] =	sst s1;
	(tag) =	ssettag s2;
	_ =	strace s9  }
0x27: {  	s1 =	sld [smem:$0x3FA9]  }
0x28: {  	s2 =	sld [smem:$0x3FAA]  }
0x29: {  	s4 =	sld [smem:$0x3FAC]  }
0x2a: {  	p0 =	seq.s32 s5, $0x0;
	s5 =	sld [smem:$0x3FAD]  }
0x2b: {  	s6 =	sld [smem:$0x3FAE]  }
0x2c: {  	s7 =	sld [smem:$0x3FAF]  }
0x2d: {  	s3 =	simm.s32 $0x108;
	s8 =	sld [smem:$0x3FB0]  }
0x2e: {  	s3 =	simm.s32 @!p0 $0x1082;
	s9 =	sld [smem:$0x3FB1]  }
0x2f: {  	lr =	sadd.s32 s0, s3;
	s0 =	sld [smem:$0x3FA8]  }
0x30: {  	s3 =	sld [smem:$0x3FAB]  }
0x31: {  	[smem:$0x3FB4] =	sst s10  }
0x32: {  	s10 =	sld [smem:$0x3FB2];
	_ =	sdelay $0x3  }
0x33: {  	p0 =	seq.s32 s10, $0x1;
	s10 =	sld [smem:$0x3FB4];
	_ =	sdelay $0x3  }
0x34: {  	[smem:$0x3FB4] =	sst s10  }
0x35: {  	s10 =	sld [smem:$0x3FB3];
	_ =	sdelay $0x3  }
0x36: {  	p1 =	seq.s32 s10, $0x1;
	s10 =	sld [smem:$0x3FB4];
	_ =	sdelay $0x3  }
0x37: {  	[smem:$0x3FB4] =	sst s10  }
0x38: {  	s10 =	sld [smem:$0x3FB5]  }
0x39: {  	_ = 	snop;
	(pc) =	sbr.ind lr, $3  }
0x3a: {  	_ = 	snop  }
0x3b: {  	_ = 	snop  }
0x3c: {  	p2 =	seq.s32 s10, $0x1;
	s10 =	sld [smem:$0x3FB4]  }
0x3d: {  	_ =	shalt  }
0x3e: {  	_ =	shalt  }
0x3f: {  	_ =	shalt  }
0x40: {  	_ =	shalt  }
0x41: {  	_ =	shalt  }
0x42: {  	_ =	shalt  }
0x43: {  	_ =	shalt  }
0x44: {  	_ =	shalt  }
0x45: {  	_ =	shalt  }
0x46: {  	_ =	shalt  }
0x47: {  	_ =	shalt  }
0x48: {  	_ =	shalt  }
0x49: {  	_ =	shalt  }
0x4a: {  	_ =	shalt  }
0x4b: {  	_ =	shalt  }
0x4c: {  	_ =	shalt  }
0x4d: {  	_ =	shalt  }
0x4e: {  	_ =	shalt  }
0x4f: {  	_ =	shalt  }
0x50: {  	_ =	shalt  }
0x51: {  	_ =	shalt  }
0x52: {  	_ =	shalt  }
0x53: {  	_ =	shalt  }
0x54: {  	_ =	shalt  }
0x55: {  	_ =	shalt  }
0x56: {  	_ =	shalt  }
0x57: {  	_ =	shalt  }
0x58: {  	_ =	shalt  }
0x59: {  	_ =	shalt  }
0x5a: {  	_ =	shalt  }
0x5b: {  	_ =	shalt  }
0x5c: {  	_ =	shalt  }
0x5d: {  	_ =	shalt  }
0x5e: {  	_ =	shalt  }
0x5f: {  	_ =	shalt  }
0x60: {  	_ =	shalt  }
0x61: {  	_ =	shalt  }
0x62: {  	_ =	shalt  }
0x63: {  	_ =	shalt  }
0x64: {  	_ =	shalt  }
0x65: {  	_ =	shalt  }
0x66: {  	_ =	shalt  }
0x67: {  	_ =	shalt  }
0x68: {  	_ =	shalt  }
0x69: {  	_ =	shalt  }
0x6a: {  	_ =	shalt  }
0x6b: {  	_ =	shalt  }
0x6c: {  	_ =	shalt  }
0x6d: {  	_ =	shalt  }
0x6e: {  	_ =	shalt  }
0x6f: {  	_ =	shalt  }
0x70: {  	_ =	shalt  }
0x71: {  	_ =	shalt  }
0x72: {  	_ =	shalt  }
0x73: {  	_ =	shalt  }
0x74: {  	_ =	shalt  }
0x75: {  	_ =	shalt  }
0x76: {  	_ =	shalt  }
0x77: {  	_ =	shalt  }
0x78: {  	_ =	shalt  }
0x79: {  	_ =	shalt  }
0x7a: {  	_ =	shalt  }
0x7b: {  	_ =	shalt  }
0x7c: {  	_ =	shalt  }
0x7d: {  	_ =	shalt  }
0x7e: {  	_ =	shalt  }
0x7f: {  	_ =	shalt  }
0x80: {  	_ =	shalt  }
0x81: {  	_ =	shalt  }
0x82: {  	_ =	shalt  }
0x83: {  	_ =	shalt  }
0x84: {  	_ =	shalt  }
0x85: {  	_ =	shalt  }
0x86: {  	_ =	shalt  }
0x87: {  	_ =	shalt  }
.Lfunc_end0:
.L_simem_size_0:
called_computation.1_lowered:
.L_overlay_start_0:
0x88: {  	s2 =	sld [smem:$0x3FD9]  }
0x89: {  	s3 =	sld [smem:$0x3FFE];
	_ =	sdelay $0x1  }
0x8a: {  	s1 =	srdreg.scid  }
0x8b: {  	s0 =	sand.u32 $0x1, s1  }
0x8c: {  	s17 =	sshll.u32 s0, $0xA;
	s2 =	sadd.s32 s3, s2  }
0x8d: {  	s2 =	sadd.s32 s2, s17  }
0x8e: {  	[smem:$0x3FC0] =	sst s2  }
0x8f: {  	_ = 	snop  }
0x90: {  	s2 =	sld [smem:$0x3FC9]  }
0x91: {  	s18 =	sld [smem:$0x3FD0];
	(tm) =	ssettm $0x1  }
0x92: {  	s4 =	sld [smem:$0x3FFB];
	_ =	sdelay $0x3  }
0x93: {  	_ =	strace s4  }
0x94: {  	s4 =	sld [smem:$0x3FFC];
	_ =	sdelay $0x3  }
0x95: {  	_ =	strace s4  }
0x96: {  	s4 =	sld [smem:$0x3FFD];
	_ =	sdelay $0x3  }
0x97: {  	_ =	strace s4  }
0x98: {  	_ =	strace $0x8FFFFFFF  }
0x99: {  	s19 =	sld [smem:$0x3FDB];
	_ =	sdelay $0x1  }
0x9a: {  	s5 =	simm.s32 $_scs_section_size  }
0x9b: {  	s6 =	simm.s32 $_size__tile_overlayer_lowered;
	s7 =	simm.s32 $_tile_overlayer_lowered  }
0x9c: {  	s22 =	simm.s32 $0x1BFF;
	s21 =	sshll.u32 s7, $0x1;
	s4 =	sadd.s32 s5, s19  }
0x9d: {  	s8 =	simm.s32 $0x0;
	s20 =	sshll.u32 s6, $0x1;
	s6 =	sadd.s32 s21, s4  }
0x9e: {  	[timem:s8], [sflag:s22] =	dma.local [hbm:s6], s20  }
0x9f: {  	_ =	swait.ge [sflag:s22], s20  }
0xa0: {  	s5 =	ssub.s32 $0x0, s20;
	[sflag:s22] =	ssyncset.done $0x0  }
0xa1: {  	[sflag:s22] =	ssyncadd.s32 s5;
	_ =	sdelay $0x1  }
0xa2: {  	s23 =	simm.s32 $0x1B8B  }
0xa3: {  	_ =	swait.ge [sflag:s23], $0x1  }
0xa4: {  	[sflag:s23] =	ssyncset.done $0x0  }
0xa5: {  	s25 =	simm.s32 $0x1B8E;
	s24 =	sld [smem:$0x3FFE];
	[sflag:s23] =	ssyncadd.s32 $0xFFFFFFFF  }
0xa6: {  	s26 =	simm.s32 $execute0_lowered;
	[smem:$0x3FD2] =	sst s25  }
0xa7: {  	s6 =	sshll.u32 s26, $0x1;
	_ =	strace $0x80000046;
	[dreg:$0x1] =	wrdreg $0xFFFFFFFF  }
0xa8: {  	s28 =	simm.s32 $_size_execute0_lowered;
	s4 =	sadd.s32 s4, s6;
	[dreg:$0x0] =	wrdreg $0x0  }
0xa9: {  	s6 =	sshll.u32 s28, $0x1;
	[dreg:$0x2] =	wrdreg s4  }
0xaa: {  	[dreg:$0x3] =	wrdreg s6  }
0xab: {  	[dreg:$0x4] =	wrdreg $0xC0  }
0xac: {  	_ =	task [dreg:s8], $0x5FFFF  }
0xad: {  	[dreg:$0x1] =	wrdreg $0xFFFFFFFF  }
0xae: {  	[dreg:$0x0] =	wrdreg $0x60  }
0xaf: {  	[dreg:$0x2] =	wrdreg s2  }
0xb0: {  	[dreg:$0x3] =	wrdreg s24  }
0xb1: {  	[dreg:$0x4] =	wrdreg s18  }
0xb2: {  	[dreg:$0x5] =	wrdreg $0xB0000  }
0xb3: {  	[dreg:$0x6] =	wrdreg $0x9  }
0xb4: {  	_ =	task.clear_ibuf [dreg:s8], $0x7FFFF;
	_ =	strace $0x90000046  }
0xb5: {  	s29 =	simm.s32 $0x9;
	_ =	strace $0x80000048  }
0xb6: {  	_ =	swait.ge [sflag:s29], $0x1  }
0xb7: {  	[sflag:s29] =	ssyncadd.s32 $0xFFFFFFFF  }
0xb8: {  	_ =	strace $0x90000048  }
0xb9: {  	_ =	sfence  }
0xba: {  	s30 =	sld [smem:$0x0];
	_ =	sdelay $0x2  }
0xbb: {  	s31 =	sshll.u32 s1, $0xD;
	s1 =	sshrl.u32 s1, $0x2  }
0xbc: {  	s3 =	sand.u32 $0x4000, s31;
	s1 =	sadd.s32 s1, s30  }
0xbd: {  	s0 =	sor.u32 s3, s0;
	s1 =	sshll.u32 s1, $0x11  }
0xbe: {  	s0 =	sor.u32 s1, s0  }
0xbf: {  	s0 =	sadd.s32 $0x8F2B, s0  }
0xc0: {  	[sflag:s0] =	ssyncadd.remote.s32 $0x1  }
0xc1: {  	_ =	sfence.sel $0xFFFF  }
0xc2: {  	[dreg:$0x0] =	wrdreg $0xFFFFFFFF;
	(pc) =	sbr.abs _section_cstart, $3  }
0xc3: {  	[dreg:$0x1] =	wrdreg $0xFFFFFFFF  }
0xc4: {  	_ =	task.clear_ibuf [dreg:s8], $0x2FFFF;
	_ =	strace $0x9FFFFFFF  }
0xc5: {  	(tm) =	ssettm $0x7FFFFFFF  }
tec
execute0_lowered:
.L_overlay_start_1:
0x0: {  	(tag) =	ssettag $0x1  }
0x1: {  	s1 =	rddreg [dreg:$0x0]  }
0x2: {  	s0 =	rddreg [dreg:$0x1]  }
0x3: {  	s3 =	rddreg [dreg:$0x3];
	s5 =	simm.s32 $0x0  }
0x4: {  	[smem:$0x7FF] =	sst s5;
	s2 =	sadd.s32 $0xC200, s0  }
0x5: {  	s18 =	simm.s32 $0xA0;
	_ =	strace $0x80000047;
	[smem:$0x7EC] =	sst s2  }
0x6: {  	s6 =	sadd.s32 $0x2400, s0;
	[dreg:$0x7] =	wrdreg s18  }
0x7: {  	s19 =	simm.s32 $0xF0;
	[smem:$0x7ED] =	sst s6  }
0x8: {  	s20 =	simm.s32 $0x140;
	[dreg:$0x8] =	wrdreg s19  }
0x9: {  	s22 =	simm.s32 $0x850;
	[dreg:$0x9] =	wrdreg s20  }
0xa: {  	s23 =	simm.s32 $0x190;
	[dreg:$0xa] =	wrdreg s22  }
0xb: {  	s24 =	simm.s32 $0x8A0;
	[dreg:$0xb] =	wrdreg s23  }
0xc: {  	s25 =	simm.s32 $0x1E0;
	[dreg:$0xc] =	wrdreg s24  }
0xd: {  	s26 =	simm.s32 $0x8F0;
	[dreg:$0xd] =	wrdreg s25  }
0xe: {  	s7 =	stileid.u32;
	s10 =	simm.s32 $0x230;
	[dreg:$0xe] =	wrdreg s26  }
0xf: {  	s8 =	srdreg.scid;
	s11 =	simm.s32 $0x940;
	[dreg:$0xf] =	wrdreg s10  }
0x10: {  	s12 =	simm.s32 $0x280;
	s14 =	simm.s32 $0x990;
	[dreg:$0x10] =	wrdreg s11  }
0x11: {  	s16 =	simm.s32 $0x2D0;
	s17 =	simm.s32 $0x9E0;
	[dreg:$0x11] =	wrdreg s12  }
0x12: {  	s28 =	simm.s32 $0xD50;
	s29 =	simm.s32 $0x690;
	[dreg:$0x12] =	wrdreg s14  }
0x13: {  	s30 =	simm.s32 $0xDA0;
	s31 =	simm.s32 $0x6E0;
	[dreg:$0x13] =	wrdreg s16  }
0x14: {  	s4 =	smul.u32 $0x14000, s7;
	[dreg:$0x14] =	wrdreg s17;
	s18 =	simm.s32 $0x320  }
0x15: {  	s8 =	sand.u32 $0x1, s8;
	s20 =	simm.s32 $0xA30;
	[dreg:$0x15] =	wrdreg s18  }
0x16: {  	s9 =	smul.u32 $0x140000, s8;
	s22 =	simm.s32 $0xA80;
	[dreg:$0x16] =	wrdreg s20  }
0x17: {  	s13 =	ssub.s32 $0x2, s8;
	s24 =	simm.s32 $0x3C0;
	[dreg:$0x18] =	wrdreg s22  }
0x18: {  	s10 =	smul.u32 $0x50000, s7;
	s26 =	sshll.u32 s7, $0x1;
	[dreg:$0x19] =	wrdreg s24  }
0x19: {  	s23 =	sshll.u32 s7, $0x6;
	s25 =	simm.s32 $0xAD0;
	[smem:$0x7EF] =	sst s26  }
0x1a: {  	s11 =	simm.s32 $0x410;
	s12 =	simm.s32 $0xB20;
	[dreg:$0x1a] =	wrdreg s25  }
0x1b: {  	s14 =	simm.s32 $0x460;
	s16 =	simm.s32 $0xB70;
	[dreg:$0x1b] =	wrdreg s11  }
0x1c: {  	p0 =	seq.s32 s8, $0x0;
	s17 =	simm.s32 $0x4B0;
	[dreg:$0x1c] =	wrdreg s12  }
0x1d: {  	s2 =	simm.s32 $0xE40;
	s8 =	simm.s32 $0x780;
	[dreg:$0x1d] =	wrdreg s14  }
0x1e: {  	s21 =	sshrl.u32 s4, $0x3;
	s15 =	sshrl.u32 s13, $0x1;
	[dreg:$0x1e] =	wrdreg s16  }
0x1f: {  	[dreg:$0x1f] =	wrdreg s17;
	s18 =	simm.s32 $0xBC0;
	s16 =	simm.s32 $0x800  }
0x20: {  	s20 =	simm.s32 $0xC10;
	s17 =	simm.s32 $0x50;
	s22 =	simm.s32 $0xC60  }
0x21: {  	s24 =	simm.s32 $0xCB0;
	s25 =	simm.s32 $0x5F0;
	s26 =	simm.s32 $0xD00  }
0x22: {  	s11 =	simm.s32 $0xE90;
	s12 =	simm.s32 $0xEE0;
	[smem:$0x7F3] =	sst s18  }
0x23: {  	s14 =	simm.s32 $0xF80;
	s6 =	sadd.s32 s21, s0;
	[smem:$0x7F5] =	sst s20  }
0x24: {  	s4 =	sadd.s32 s4, s9;
	s19 =	sshrl.u32 s10, $0x2;
	[smem:$0x7F7] =	sst s22  }
0x25: {  	s21 =	simm.s32 $0x370;
	s10 =	sor.u32 $0x1C05, s23;
	[smem:$0x7F9] =	sst s24  }
0x26: {  	s18 =	simm.s32 $0x1000;
	s23 =	simm.s32 $0x5A0;
	[smem:$0x7FA] =	sst s25  }
0x27: {  	s20 =	simm.s32 $0x6000;
	s22 =	simm.s32 $0x8800;
	[smem:$0x7FB] =	sst s26  }
0x28: {  	s24 =	simm.s32 $0x3;
	s25 =	simm.s32 $0x4;
	[dreg:$0x17] =	wrdreg s21  }
0x29: {  	s26 =	simm.s32 $0x640;
	s4 =	sshrl.u32 s4, $0x3;
	[smem:$0x7F8] =	sst s23  }
0x2a: {  	s9 =	sadd.s32 s19, s3;
	s6 =	sadd.s32 $0x16000, s6;
	[smem:$0x7FC] =	sst s10  }
0x2b: {  	s19 =	simm.s32 $0x500;
	s21 =	simm.s32 $0x550;
	[smem:$0x7EE] =	sst s6  }
0x2c: {  	s0 =	sadd.s32 s4, s0;
	s4 =	ssub.s32 s13, s15;
	[smem:$0x7F4] =	sst s19  }
0x2d: {  	s15 =	smul.u32 $0x4E20, s7;
	s7 =	sshrl.u32 s9, $0x3;
	[smem:$0x7F6] =	sst s21  }
.Ltmp0:
0x2e: {  	s0 =	sadd.s32 $0x3E000, s0;
	[smem:$0x7FD] =	sst s7;
	(pc) =	sbr.rel .LBB2_1-.Ltmp0, $4  }
0x2f: {  	s23 =	simm.s32 $0x2;
	s13 =	smax.u32 s4, $0x1;
	[smem:$0x7F0] =	sst s0  }
0x30: {  	s19 =	simm.s32 $0x3800;
	s21 =	simm.s32 $0x1;
	[smem:$0x7F1] =	sst s13  }
0x31: {  	s9 =	simm.s32 $0xF30;
	s4 =	simm.s32 $0x730;
	[smem:$0x7F2] =	sst s15  }
0x32: {  	s15 =	simm.s32 $0x5;
	s0 =	simm.s32 $0xDF0;
	s13 =	simm.s32 $0x0  }
.LBB2_18:
0x33: {  	[bflag:$0x0] =	sbarrier.arrive $0xFFFF  }
0x34: {  	s10 =	sld [smem:$0x7FC]  }
0x35: {  	s6 =	sld [smem:$0x7F0]  }
0x36: {  	s7 =	sld [smem:$0x7FD];
	_ =	sdelay $0x2  }
0x37: {  	[hbm:s6], [sflag:s10] =	dma.local [spmem:s7], $0x2800  }
0x38: {  	_ =	swait.ge [sflag:s15], $0x2800  }
0x39: {  	s13 =	sld [smem:$0x7EB]  }
0x3a: {  	s6 =	sld [smem:$0x7F1];
	_ =	sdelay $0x1  }
0x3b: {  	s13 =	sadd.s32 $0x1, s13  }
0x3c: {  	p1 =	sne.s32 s13, s6  }
.Ltmp1:
0x3d: {  	_ = 	snop;
	(pc) =	sbr.rel @!p1 .LBB2_19-.Ltmp1, $3  }
0x3e: {  	_ =	sdelay $0x1  }
0x3f: {  	[sflag:s15] =	ssyncset.done $0x0  }
0x40: {  	[sflag:s15] =	ssyncadd.s32 $0xFFFFD800  }
.LBB2_1:
0x41: {  	s6 =	sld [smem:$0x7EE];
	_ =	sdelay $0x1  }
.Ltmp2:
0x42: {  	[smem:$0x7EB] =	sst s13;
	(pc) =	sbr.rel @!p0 .LBB2_2-.Ltmp2, $4  }
0x43: {  	[spmem:s7], [sflag:s10] =	dma.local [hbm:s6], $0x2800  }
0x44: {  	_ =	swait.ge [sflag:s15], $0x2800  }
0x45: {  	[sflag:s15] =	ssyncset.done $0x0  }
0x46: {  	[sflag:s15] =	ssyncadd.s32 $0xFFFFD800  }
0x47: {  	[bflag:$0x0] =	sbarrier.arrive $0xFFFF;
	s6 =	simm.s32 $0x0;
	p2 =	por $0x1, $0x1  }
.LBB2_15:
0x48: {  	s7 =	sld [smem:$0x7F2]  }
0x49: {  	s6 =	smul.u32 $0x2710, s6  }
0x4a: {  	s10 =	sld [smem:$0x7ED]  }
0x4b: {  	s6 =	sadd.s32 s6, s7  }
0x4c: {  	s13 =	sld [smem:$0x7EC];
	s6 =	sshrl.u32 s6, $0x3  }
0x4d: {  	s10 =	sadd.s32 s6, s10  }
0x4e: {  	[dreg:$0x6] =	wrdreg s10  }
0x4f: {  	s6 =	sadd.s32 s6, s13;
	s10 =	rddreg [dreg:$0x6]  }
0x50: {  	[dreg:$0x5] =	wrdreg s6;
	s10 =	sadd.s32 $0x0, s10  }
0x51: {  	[tilespmem:s16], [sflag:$0x5] =	stream.linear.gather [hbm4b:s10+s5], $0x7D0, $0x38;
	[tilespmem:$0x1F000] =	vst v63  }
0x52: {  	_ =	swait.ge [sflag:s15], $0x7D0  }
0x53: {  	s13 =	rddreg [dreg:$0x5];
	[sflag:s15] =	ssyncset.done $0x0  }
0x54: {  	[sflag:s15] =	ssyncadd.s32 $0xFFFFF830;
	s6 =	sadd.s32 $0x0, s13  }
0x55: {  	[tilespmem:s5], [sflag:$0x5] =	stream.linear.gather [hbm4b:s6+s5], $0x7D0, $0x38;
	[tilespmem:$0x1F000] =	vst v63  }
0x56: {  	_ =	swait.ge [sflag:s15], $0x7D0  }
0x57: {  	[sflag:s15] =	ssyncset.done $0x0  }
0x58: {  	[sflag:s15] =	ssyncadd.s32 $0xFFFFF830  }
0x59: {  	[tilespmem:s18], [sflag:$0x1] =	stream.indirect.gather [hbm4b:s1+s17], $0x80, s5, s17, $0xb8;
	[tilespmem:$0x1F000] =	vst v63  }
0x5a: {  	_ = 	snop  }
0x5b: {  	[tilespmem:s19], [sflag:$0x2] =	stream.indirect.gather [hbm4b:s1+s17], $0x80, s17, s17, $0xb8;
	[tilespmem:$0x1F000] =	vst v63  }
0x5c: {  	s7 =	rddreg [dreg:$0x7]  }
0x5d: {  	[tilespmem:s20], [sflag:$0x3] =	stream.indirect.gather [hbm4b:s1+s17], $0x80, s7, s17, $0xb8;
	[tilespmem:$0x1F000] =	vst v63  }
0x5e: {  	_ =	swait.ge [sflag:s21], $0x2800  }
0x5f: {  	[sflag:s21] =	ssyncset.done $0x0  }
0x60: {  	s10 =	rddreg [dreg:$0x8];
	[sflag:s21] =	ssyncadd.s32 $0xFFFFD800  }
0x61: {  	[tilespmem:s22], [sflag:$0x4] =	stream.indirect.gather [hbm4b:s1+s17], $0x80, s10, s17, $0xb8;
	[tilespmem:$0x1F000] =	vst v63  }
0x62: {  	_ = 	snop  }
0x63: {  	[spmem:s3] =	stream.indirect.scatter.add.f32 [tilespmem:s18], [sflag:$0x5], $0x80, s16, s17, $0xb8;
	[tilespmem:$0x1F000] =	vst v63  }
0x64: {  	_ =	swait.ge [sflag:s15], $0x2800  }
0x65: {  	[sflag:s15] =	ssyncset.done $0x0  }
0x66: {  	[sflag:s15] =	ssyncadd.s32 $0xFFFFD800  }
0x67: {  	_ =	swait.ge [sflag:s23], $0x2800  }
0x68: {  	[sflag:s23] =	ssyncset.done $0x0  }
0x69: {  	s13 =	rddreg [dreg:$0x9];
	[sflag:s23] =	ssyncadd.s32 $0xFFFFD800  }
0x6a: {  	[tilespmem:s18], [sflag:$0x1] =	stream.indirect.gather [hbm4b:s1+s17], $0x80, s13, s17, $0xb8;
	[tilespmem:$0x1F000] =	vst v63  }
0x6b: {  	s7 =	rddreg [dreg:$0xa]  }
0x6c: {  	[spmem:s3] =	stream.indirect.scatter.add.f32 [tilespmem:s19], [sflag:$0x5], $0x80, s7, s17, $0xb8;
	[tilespmem:$0x1F000] =	vst v63  }
0x6d: {  	_ =	swait.ge [sflag:s15], $0x2800  }
0x6e: {  	[sflag:s15] =	ssyncset.done $0x0  }
0x6f: {  	[sflag:s15] =	ssyncadd.s32 $0xFFFFD800  }
0x70: {  	_ =	swait.ge [sflag:s24], $0x2800  }
0x71: {  	[sflag:s24] =	ssyncset.done $0x0  }
0x72: {  	s13 =	rddreg [dreg:$0xb];
	[sflag:s24] =	ssyncadd.s32 $0xFFFFD800  }
0x73: {  	[tilespmem:s19], [sflag:$0x2] =	stream.indirect.gather [hbm4b:s1+s17], $0x80, s13, s17, $0xb8;
	[tilespmem:$0x1F000] =	vst v63  }
0x74: {  	s7 =	rddreg [dreg:$0xc]  }
0x75: {  	[spmem:s3] =	stream.indirect.scatter.add.f32 [tilespmem:s20], [sflag:$0x5], $0x80, s7, s17, $0xb8;
	[tilespmem:$0x1F000] =	vst v63  }
0x76: {  	_ =	swait.ge [sflag:s15], $0x2800  }
0x77: {  	[sflag:s15] =	ssyncset.done $0x0  }
0x78: {  	[sflag:s15] =	ssyncadd.s32 $0xFFFFD800  }
0x79: {  	_ =	swait.ge [sflag:s25], $0x2800  }
0x7a: {  	[sflag:s25] =	ssyncset.done $0x0  }
0x7b: {  	s13 =	rddreg [dreg:$0xd];
	[sflag:s25] =	ssyncadd.s32 $0xFFFFD800  }
0x7c: {  	[tilespmem:s20], [sflag:$0x3] =	stream.indirect.gather [hbm4b:s1+s17], $0x80, s13, s17, $0xb8;
	[tilespmem:$0x1F000] =	vst v63  }
0x7d: {  	s7 =	rddreg [dreg:$0xe]  }
0x7e: {  	[spmem:s3] =	stream.indirect.scatter.add.f32 [tilespmem:s22], [sflag:$0x5], $0x80, s7, s17, $0xb8;
	[tilespmem:$0x1F000] =	vst v63  }
0x7f: {  	_ =	swait.ge [sflag:s15], $0x2800  }
0x80: {  	[sflag:s15] =	ssyncset.done $0x0  }
0x81: {  	[sflag:s15] =	ssyncadd.s32 $0xFFFFD800  }
0x82: {  	_ =	swait.ge [sflag:s21], $0x2800  }
0x83: {  	[sflag:s21] =	ssyncset.done $0x0  }
0x84: {  	s13 =	rddreg [dreg:$0xf];
	[sflag:s21] =	ssyncadd.s32 $0xFFFFD800  }
0x85: {  	[tilespmem:s22], [sflag:$0x4] =	stream.indirect.gather [hbm4b:s1+s17], $0x80, s13, s17, $0xb8;
	[tilespmem:$0x1F000] =	vst v63  }
0x86: {  	s7 =	rddreg [dreg:$0x10]  }
0x87: {  	[spmem:s3] =	stream.indirect.scatter.add.f32 [tilespmem:s18], [sflag:$0x5], $0x80, s7, s17, $0xb8;
	[tilespmem:$0x1F000] =	vst v63  }
0x88: {  	_ =	swait.ge [sflag:s15], $0x2800  }
0x89: {  	[sflag:s15] =	ssyncset.done $0x0  }
0x8a: {  	[sflag:s15] =	ssyncadd.s32 $0xFFFFD800  }
0x8b: {  	_ =	swait.ge [sflag:s23], $0x2800  }
0x8c: {  	[sflag:s23] =	ssyncset.done $0x0  }
0x8d: {  	s13 =	rddreg [dreg:$0x11];
	[sflag:s23] =	ssyncadd.s32 $0xFFFFD800  }
0x8e: {  	[tilespmem:s18], [sflag:$0x1] =	stream.indirect.gather [hbm4b:s1+s17], $0x80, s13, s17, $0xb8;
	[tilespmem:$0x1F000] =	vst v63  }
0x8f: {  	s7 =	rddreg [dreg:$0x12]  }
0x90: {  	[spmem:s3] =	stream.indirect.scatter.add.f32 [tilespmem:s19], [sflag:$0x5], $0x80, s7, s17, $0xb8;
	[tilespmem:$0x1F000] =	vst v63  }
0x91: {  	_ =	swait.ge [sflag:s15], $0x2800  }
0x92: {  	[sflag:s15] =	ssyncset.done $0x0  }
0x93: {  	[sflag:s15] =	ssyncadd.s32 $0xFFFFD800  }
0x94: {  	_ =	swait.ge [sflag:s24], $0x2800  }
0x95: {  	[sflag:s24] =	ssyncset.done $0x0  }
0x96: {  	s13 =	rddreg [dreg:$0x13];
	[sflag:s24] =	ssyncadd.s32 $0xFFFFD800  }
0x97: {  	[tilespmem:s19], [sflag:$0x2] =	stream.indirect.gather [hbm4b:s1+s17], $0x80, s13, s17, $0xb8;
	[tilespmem:$0x1F000] =	vst v63  }
0x98: {  	s7 =	rddreg [dreg:$0x14]  }
0x99: {  	[spmem:s3] =	stream.indirect.scatter.add.f32 [tilespmem:s20], [sflag:$0x5], $0x80, s7, s17, $0xb8;
	[tilespmem:$0x1F000] =	vst v63  }
0x9a: {  	_ =	swait.ge [sflag:s15], $0x2800  }
0x9b: {  	[sflag:s15] =	ssyncset.done $0x0  }
0x9c: {  	[sflag:s15] =	ssyncadd.s32 $0xFFFFD800  }
0x9d: {  	_ =	swait.ge [sflag:s25], $0x2800  }
0x9e: {  	[sflag:s25] =	ssyncset.done $0x0  }
0x9f: {  	s13 =	rddreg [dreg:$0x15];
	[sflag:s25] =	ssyncadd.s32 $0xFFFFD800  }
0xa0: {  	[tilespmem:s20], [sflag:$0x3] =	stream.indirect.gather [hbm4b:s1+s17], $0x80, s13, s17, $0xb8;
	[tilespmem:$0x1F000] =	vst v63  }
0xa1: {  	s7 =	rddreg [dreg:$0x16]  }
0xa2: {  	[spmem:s3] =	stream.indirect.scatter.add.f32 [tilespmem:s22], [sflag:$0x5], $0x80, s7, s17, $0xb8;
	[tilespmem:$0x1F000] =	vst v63  }
0xa3: {  	_ =	swait.ge [sflag:s15], $0x2800  }
0xa4: {  	[sflag:s15] =	ssyncset.done $0x0  }
0xa5: {  	[sflag:s15] =	ssyncadd.s32 $0xFFFFD800  }
0xa6: {  	_ =	swait.ge [sflag:s21], $0x2800  }
0xa7: {  	[sflag:s21] =	ssyncset.done $0x0  }
0xa8: {  	s13 =	rddreg [dreg:$0x17];
	[sflag:s21] =	ssyncadd.s32 $0xFFFFD800  }
0xa9: {  	[tilespmem:s22], [sflag:$0x4] =	stream.indirect.gather [hbm4b:s1+s17], $0x80, s13, s17, $0xb8;
	[tilespmem:$0x1F000] =	vst v63  }
0xaa: {  	s7 =	rddreg [dreg:$0x18]  }
0xab: {  	[spmem:s3] =	stream.indirect.scatter.add.f32 [tilespmem:s18], [sflag:$0x5], $0x80, s7, s17, $0xb8;
	[tilespmem:$0x1F000] =	vst v63  }
0xac: {  	_ =	swait.ge [sflag:s15], $0x2800  }
0xad: {  	[sflag:s15] =	ssyncset.done $0x0  }
0xae: {  	[sflag:s15] =	ssyncadd.s32 $0xFFFFD800  }
0xaf: {  	_ =	swait.ge [sflag:s23], $0x2800  }
0xb0: {  	[sflag:s23] =	ssyncset.done $0x0  }
0xb1: {  	s13 =	rddreg [dreg:$0x19];
	[sflag:s23] =	ssyncadd.s32 $0xFFFFD800  }
0xb2: {  	[tilespmem:s18], [sflag:$0x1] =	stream.indirect.gather [hbm4b:s1+s17], $0x80, s13, s17, $0xb8;
	[tilespmem:$0x1F000] =	vst v63  }
0xb3: {  	s7 =	rddreg [dreg:$0x1a]  }
0xb4: {  	[spmem:s3] =	stream.indirect.scatter.add.f32 [tilespmem:s19], [sflag:$0x5], $0x80, s7, s17, $0xb8;
	[tilespmem:$0x1F000] =	vst v63  }
0xb5: {  	_ =	swait.ge [sflag:s15], $0x2800  }
0xb6: {  	[sflag:s15] =	ssyncset.done $0x0  }
0xb7: {  	[sflag:s15] =	ssyncadd.s32 $0xFFFFD800  }
0xb8: {  	_ =	swait.ge [sflag:s24], $0x2800  }
0xb9: {  	[sflag:s24] =	ssyncset.done $0x0  }
0xba: {  	s13 =	rddreg [dreg:$0x1b];
	[sflag:s24] =	ssyncadd.s32 $0xFFFFD800  }
0xbb: {  	[tilespmem:s19], [sflag:$0x2] =	stream.indirect.gather [hbm4b:s1+s17], $0x80, s13, s17, $0xb8;
	[tilespmem:$0x1F000] =	vst v63  }
0xbc: {  	s7 =	rddreg [dreg:$0x1c]  }
0xbd: {  	[spmem:s3] =	stream.indirect.scatter.add.f32 [tilespmem:s20], [sflag:$0x5], $0x80, s7, s17, $0xb8;
	[tilespmem:$0x1F000] =	vst v63  }
0xbe: {  	_ =	swait.ge [sflag:s15], $0x2800  }
0xbf: {  	[sflag:s15] =	ssyncset.done $0x0  }
0xc0: {  	[sflag:s15] =	ssyncadd.s32 $0xFFFFD800  }
0xc1: {  	_ =	swait.ge [sflag:s25], $0x2800  }
0xc2: {  	[sflag:s25] =	ssyncset.done $0x0  }
0xc3: {  	s13 =	rddreg [dreg:$0x1d];
	[sflag:s25] =	ssyncadd.s32 $0xFFFFD800  }
0xc4: {  	[tilespmem:s20], [sflag:$0x3] =	stream.indirect.gather [hbm4b:s1+s17], $0x80, s13, s17, $0xb8;
	[tilespmem:$0x1F000] =	vst v63  }
0xc5: {  	s7 =	rddreg [dreg:$0x1e]  }
0xc6: {  	[spmem:s3] =	stream.indirect.scatter.add.f32 [tilespmem:s22], [sflag:$0x5], $0x80, s7, s17, $0xb8;
	[tilespmem:$0x1F000] =	vst v63  }
0xc7: {  	_ =	swait.ge [sflag:s15], $0x2800  }
0xc8: {  	[sflag:s15] =	ssyncset.done $0x0  }
0xc9: {  	[sflag:s15] =	ssyncadd.s32 $0xFFFFD800  }
0xca: {  	_ =	swait.ge [sflag:s21], $0x2800  }
0xcb: {  	s13 =	rddreg [dreg:$0x1f];
	[sflag:s21] =	ssyncset.done $0x0  }
0xcc: {  	s7 =	sld [smem:$0x7F3];
	[sflag:s21] =	ssyncadd.s32 $0xFFFFD800  }
0xcd: {  	[tilespmem:s22], [sflag:$0x4] =	stream.indirect.gather [hbm4b:s1+s17], $0x80, s13, s17, $0xb8;
	[tilespmem:$0x1F000] =	vst v63  }
0xce: {  	_ = 	snop  }
0xcf: {  	[spmem:s3] =	stream.indirect.scatter.add.f32 [tilespmem:s18], [sflag:$0x5], $0x80, s7, s17, $0xb8;
	[tilespmem:$0x1F000] =	vst v63  }
0xd0: {  	_ =	swait.ge [sflag:s15], $0x2800  }
0xd1: {  	[sflag:s15] =	ssyncset.done $0x0  }
0xd2: {  	[sflag:s15] =	ssyncadd.s32 $0xFFFFD800  }
0xd3: {  	_ =	swait.ge [sflag:s23], $0x2800  }
0xd4: {  	s13 =	sld [smem:$0x7F4]  }
0xd5: {  	[sflag:s23] =	ssyncset.done $0x0  }
0xd6: {  	s7 =	sld [smem:$0x7F5];
	[sflag:s23] =	ssyncadd.s32 $0xFFFFD800  }
0xd7: {  	[tilespmem:s18], [sflag:$0x1] =	stream.indirect.gather [hbm4b:s1+s17], $0x80, s13, s17, $0xb8;
	[tilespmem:$0x1F000] =	vst v63  }
0xd8: {  	_ = 	snop  }
0xd9: {  	[spmem:s3] =	stream.indirect.scatter.add.f32 [tilespmem:s19], [sflag:$0x5], $0x80, s7, s17, $0xb8;
	[tilespmem:$0x1F000] =	vst v63  }
0xda: {  	_ =	swait.ge [sflag:s15], $0x2800  }
0xdb: {  	[sflag:s15] =	ssyncset.done $0x0  }
0xdc: {  	[sflag:s15] =	ssyncadd.s32 $0xFFFFD800  }
0xdd: {  	_ =	swait.ge [sflag:s24], $0x2800  }
0xde: {  	s13 =	sld [smem:$0x7F6]  }
0xdf: {  	[sflag:s24] =	ssyncset.done $0x0  }
0xe0: {  	s7 =	sld [smem:$0x7F7];
	[sflag:s24] =	ssyncadd.s32 $0xFFFFD800  }
0xe1: {  	[tilespmem:s19], [sflag:$0x2] =	stream.indirect.gather [hbm4b:s1+s17], $0x80, s13, s17, $0xb8;
	[tilespmem:$0x1F000] =	vst v63  }
0xe2: {  	_ = 	snop  }
0xe3: {  	[spmem:s3] =	stream.indirect.scatter.add.f32 [tilespmem:s20], [sflag:$0x5], $0x80, s7, s17, $0xb8;
	[tilespmem:$0x1F000] =	vst v63  }
0xe4: {  	_ =	swait.ge [sflag:s15], $0x2800  }
0xe5: {  	[sflag:s15] =	ssyncset.done $0x0  }
0xe6: {  	[sflag:s15] =	ssyncadd.s32 $0xFFFFD800  }
0xe7: {  	_ =	swait.ge [sflag:s25], $0x2800  }
0xe8: {  	s13 =	sld [smem:$0x7F8]  }
0xe9: {  	[sflag:s25] =	ssyncset.done $0x0  }
0xea: {  	s7 =	sld [smem:$0x7F9];
	[sflag:s25] =	ssyncadd.s32 $0xFFFFD800  }
0xeb: {  	[tilespmem:s20], [sflag:$0x3] =	stream.indirect.gather [hbm4b:s1+s17], $0x80, s13, s17, $0xb8;
	[tilespmem:$0x1F000] =	vst v63  }
0xec: {  	_ = 	snop  }
0xed: {  	[spmem:s3] =	stream.indirect.scatter.add.f32 [tilespmem:s22], [sflag:$0x5], $0x80, s7, s17, $0xb8;
	[tilespmem:$0x1F000] =	vst v63  }
0xee: {  	_ =	swait.ge [sflag:s15], $0x2800  }
0xef: {  	[sflag:s15] =	ssyncset.done $0x0  }
0xf0: {  	[sflag:s15] =	ssyncadd.s32 $0xFFFFD800  }
0xf1: {  	_ =	swait.ge [sflag:s21], $0x2800  }
0xf2: {  	s10 =	sld [smem:$0x7FA]  }
0xf3: {  	[sflag:s21] =	ssyncset.done $0x0  }
0xf4: {  	s13 =	sld [smem:$0x7FB];
	[sflag:s21] =	ssyncadd.s32 $0xFFFFD800  }
0xf5: {  	[tilespmem:s22], [sflag:$0x4] =	stream.indirect.gather [hbm4b:s1+s17], $0x80, s10, s17, $0xb8;
	[tilespmem:$0x1F000] =	vst v63  }
0xf6: {  	_ = 	snop  }
0xf7: {  	[spmem:s3] =	stream.indirect.scatter.add.f32 [tilespmem:s18], [sflag:$0x5], $0x80, s13, s17, $0xb8;
	[tilespmem:$0x1F000] =	vst v63  }
0xf8: {  	_ =	swait.ge [sflag:s15], $0x2800  }
0xf9: {  	[sflag:s15] =	ssyncset.done $0x0  }
0xfa: {  	[sflag:s15] =	ssyncadd.s32 $0xFFFFD800  }
0xfb: {  	_ =	swait.ge [sflag:s23], $0x2800  }
0xfc: {  	[sflag:s23] =	ssyncset.done $0x0  }
0xfd: {  	[sflag:s23] =	ssyncadd.s32 $0xFFFFD800  }
0xfe: {  	[tilespmem:s18], [sflag:$0x1] =	stream.indirect.gather [hbm4b:s1+s17], $0x80, s26, s17, $0xb8;
	[tilespmem:$0x1F000] =	vst v63  }
0xff: {  	_ = 	snop  }
0x100: {  	[spmem:s3] =	stream.indirect.scatter.add.f32 [tilespmem:s19], [sflag:$0x5], $0x80, s28, s17, $0xb8;
	[tilespmem:$0x1F000] =	vst v63  }
0x101: {  	_ =	swait.ge [sflag:s15], $0x2800  }
0x102: {  	[sflag:s15] =	ssyncset.done $0x0  }
0x103: {  	[sflag:s15] =	ssyncadd.s32 $0xFFFFD800  }
0x104: {  	_ =	swait.ge [sflag:s24], $0x2800  }
0x105: {  	[sflag:s24] =	ssyncset.done $0x0  }
0x106: {  	[sflag:s24] =	ssyncadd.s32 $0xFFFFD800  }
0x107: {  	[tilespmem:s19], [sflag:$0x2] =	stream.indirect.gather [hbm4b:s1+s17], $0x80, s29, s17, $0xb8;
	[tilespmem:$0x1F000] =	vst v63  }
0x108: {  	_ = 	snop  }
0x109: {  	[spmem:s3] =	stream.indirect.scatter.add.f32 [tilespmem:s20], [sflag:$0x5], $0x80, s30, s17, $0xb8;
	[tilespmem:$0x1F000] =	vst v63  }
0x10a: {  	_ =	swait.ge [sflag:s15], $0x2800  }
0x10b: {  	[sflag:s15] =	ssyncset.done $0x0  }
0x10c: {  	[sflag:s15] =	ssyncadd.s32 $0xFFFFD800  }
0x10d: {  	_ =	swait.ge [sflag:s25], $0x2800  }
0x10e: {  	[sflag:s25] =	ssyncset.done $0x0  }
0x10f: {  	[sflag:s25] =	ssyncadd.s32 $0xFFFFD800  }
0x110: {  	[tilespmem:s20], [sflag:$0x3] =	stream.indirect.gather [hbm4b:s1+s17], $0x80, s31, s17, $0xb8;
	[tilespmem:$0x1F000] =	vst v63  }
0x111: {  	_ = 	snop  }
0x112: {  	[spmem:s3] =	stream.indirect.scatter.add.f32 [tilespmem:s22], [sflag:$0x5], $0x80, s0, s17, $0xb8;
	[tilespmem:$0x1F000] =	vst v63  }
0x113: {  	_ =	swait.ge [sflag:s15], $0x2800  }
0x114: {  	[sflag:s15] =	ssyncset.done $0x0  }
0x115: {  	[sflag:s15] =	ssyncadd.s32 $0xFFFFD800  }
0x116: {  	_ =	swait.ge [sflag:s21], $0x2800  }
0x117: {  	[sflag:s21] =	ssyncset.done $0x0  }
0x118: {  	[sflag:s21] =	ssyncadd.s32 $0xFFFFD800  }
0x119: {  	[tilespmem:s22], [sflag:$0x4] =	stream.indirect.gather [hbm4b:s1+s17], $0x80, s4, s17, $0xb8;
	[tilespmem:$0x1F000] =	vst v63  }
0x11a: {  	_ = 	snop  }
0x11b: {  	[spmem:s3] =	stream.indirect.scatter.add.f32 [tilespmem:s18], [sflag:$0x5], $0x80, s2, s17, $0xb8;
	[tilespmem:$0x1F000] =	vst v63  }
0x11c: {  	_ =	swait.ge [sflag:s15], $0x2800  }
0x11d: {  	[sflag:s15] =	ssyncset.done $0x0  }
0x11e: {  	[sflag:s15] =	ssyncadd.s32 $0xFFFFD800  }
0x11f: {  	_ =	swait.ge [sflag:s23], $0x2800  }
0x120: {  	[sflag:s23] =	ssyncset.done $0x0  }
0x121: {  	[sflag:s23] =	ssyncadd.s32 $0xFFFFD800  }
0x122: {  	[tilespmem:s18], [sflag:$0x1] =	stream.indirect.gather [hbm4b:s1+s17], $0x80, s8, s17, $0xb8;
	[tilespmem:$0x1F000] =	vst v63  }
0x123: {  	_ = 	snop  }
0x124: {  	[spmem:s3] =	stream.indirect.scatter.add.f32 [tilespmem:s19], [sflag:$0x5], $0x80, s11, s17, $0xb8;
	[tilespmem:$0x1F000] =	vst v63  }
0x125: {  	_ =	swait.ge [sflag:s15], $0x2800  }
0x126: {  	[sflag:s15] =	ssyncset.done $0x0  }
0x127: {  	[sflag:s15] =	ssyncadd.s32 $0xFFFFD800  }
0x128: {  	_ =	swait.ge [sflag:s24], $0x2800  }
0x129: {  	[sflag:s24] =	ssyncset.done $0x0  }
0x12a: {  	[sflag:s24] =	ssyncadd.s32 $0xFFFFD800  }
0x12b: {  	[spmem:s3] =	stream.indirect.scatter.add.f32 [tilespmem:s20], [sflag:$0x5], $0x80, s12, s17, $0xb8;
	[tilespmem:$0x1F000] =	vst v63  }
0x12c: {  	_ =	swait.ge [sflag:s15], $0x2800  }
0x12d: {  	[sflag:s15] =	ssyncset.done $0x0  }
0x12e: {  	[sflag:s15] =	ssyncadd.s32 $0xFFFFD800  }
0x12f: {  	_ =	swait.ge [sflag:s25], $0x2800  }
0x130: {  	[sflag:s25] =	ssyncset.done $0x0  }
0x131: {  	[sflag:s25] =	ssyncadd.s32 $0xFFFFD800  }
0x132: {  	[spmem:s3] =	stream.indirect.scatter.add.f32 [tilespmem:s22], [sflag:$0x5], $0x80, s9, s17, $0xb8;
	[tilespmem:$0x1F000] =	vst v63  }
0x133: {  	_ =	swait.ge [sflag:s15], $0x2800  }
0x134: {  	[sflag:s15] =	ssyncset.done $0x0  }
0x135: {  	[sflag:s15] =	ssyncadd.s32 $0xFFFFD800  }
0x136: {  	_ =	swait.ge [sflag:s21], $0x2800  }
0x137: {  	[sflag:s21] =	ssyncset.done $0x0  }
0x138: {  	[sflag:s21] =	ssyncadd.s32 $0xFFFFD800  }
0x139: {  	[spmem:s3] =	stream.indirect.scatter.add.f32 [tilespmem:s18], [sflag:$0x5], $0x80, s14, s17, $0xb8;
	[tilespmem:$0x1F000] =	vst v63  }
0x13a: {  	p1 =	por p2, p2;
	s6 =	simm.s32 $0xFA;
	_ =	swait.ge [sflag:s15], $0x2800  }
0x13b: {  	s10 =	simm.s32 $0x1F4;
	s13 =	rddreg [dreg:$0x6];
	[sflag:s15] =	ssyncset.done $0x0  }
.LBB2_16:
0x13c: {  	[sflag:s15] =	ssyncadd.s32 $0xFFFFD800;
	s13 =	sadd.s32 s6, s13  }
0x13d: {  	[tilespmem:s16], [sflag:$0x5] =	stream.linear.gather [hbm4b:s13+s5], $0x7D0, $0x38;
	[tilespmem:$0x1F000] =	vst v63  }
0x13e: {  	_ =	swait.ge [sflag:s15], $0x7D0  }
0x13f: {  	s13 =	rddreg [dreg:$0x5];
	[sflag:s15] =	ssyncset.done $0x0  }
0x140: {  	[sflag:s15] =	ssyncadd.s32 $0xFFFFF830;
	s13 =	sadd.s32 s6, s13  }
0x141: {  	[tilespmem:s5], [sflag:$0x5] =	stream.linear.gather [hbm4b:s13+s5], $0x7D0, $0x38;
	[tilespmem:$0x1F000] =	vst v63  }
0x142: {  	_ =	swait.ge [sflag:s15], $0x7D0  }
0x143: {  	[sflag:s15] =	ssyncset.done $0x0  }
0x144: {  	[sflag:s15] =	ssyncadd.s32 $0xFFFFF830  }
0x145: {  	[tilespmem:s18], [sflag:$0x1] =	stream.indirect.gather [hbm4b:s1+s17], $0x80, s5, s17, $0xb8;
	[tilespmem:$0x1F000] =	vst v63  }
0x146: {  	_ = 	snop  }
0x147: {  	[tilespmem:s19], [sflag:$0x2] =	stream.indirect.gather [hbm4b:s1+s17], $0x80, s17, s17, $0xb8;
	[tilespmem:$0x1F000] =	vst v63  }
0x148: {  	s13 =	rddreg [dreg:$0x7]  }
0x149: {  	[tilespmem:s20], [sflag:$0x3] =	stream.indirect.gather [hbm4b:s1+s17], $0x80, s13, s17, $0xb8;
	[tilespmem:$0x1F000] =	vst v63  }
0x14a: {  	_ =	swait.ge [sflag:s21], $0x2800  }
0x14b: {  	[sflag:s21] =	ssyncset.done $0x0  }
0x14c: {  	s13 =	rddreg [dreg:$0x8];
	[sflag:s21] =	ssyncadd.s32 $0xFFFFD800  }
0x14d: {  	[tilespmem:s22], [sflag:$0x4] =	stream.indirect.gather [hbm4b:s1+s17], $0x80, s13, s17, $0xb8;
	[tilespmem:$0x1F000] =	vst v63  }
0x14e: {  	_ = 	snop  }
0x14f: {  	[spmem:s3] =	stream.indirect.scatter.add.f32 [tilespmem:s18], [sflag:$0x5], $0x80, s16, s17, $0xb8;
	[tilespmem:$0x1F000] =	vst v63  }
0x150: {  	_ =	swait.ge [sflag:s15], $0x2800  }
0x151: {  	[sflag:s15] =	ssyncset.done $0x0  }
0x152: {  	[sflag:s15] =	ssyncadd.s32 $0xFFFFD800  }
0x153: {  	_ =	swait.ge [sflag:s23], $0x2800  }
0x154: {  	s7 =	smov.u32 s10;
	[sflag:s23] =	ssyncset.done $0x0  }
0x155: {  	s6 =	smov.u32 s7;
	s7 =	rddreg [dreg:$0x9];
	[sflag:s23] =	ssyncadd.s32 $0xFFFFD800  }
0x156: {  	[tilespmem:s18], [sflag:$0x1] =	stream.indirect.gather [hbm4b:s1+s17], $0x80, s7, s17, $0xb8;
	[tilespmem:$0x1F000] =	vst v63  }
0x157: {  	s13 =	rddreg [dreg:$0xa]  }
0x158: {  	[spmem:s3] =	stream.indirect.scatter.add.f32 [tilespmem:s19], [sflag:$0x5], $0x80, s13, s17, $0xb8;
	[tilespmem:$0x1F000] =	vst v63  }
0x159: {  	_ =	swait.ge [sflag:s15], $0x2800  }
0x15a: {  	[sflag:s15] =	ssyncset.done $0x0  }
0x15b: {  	[sflag:s15] =	ssyncadd.s32 $0xFFFFD800  }
0x15c: {  	_ =	swait.ge [sflag:s24], $0x2800  }
0x15d: {  	[sflag:s24] =	ssyncset.done $0x0  }
0x15e: {  	s7 =	rddreg [dreg:$0xb];
	[sflag:s24] =	ssyncadd.s32 $0xFFFFD800  }
0x15f: {  	[tilespmem:s19], [sflag:$0x2] =	stream.indirect.gather [hbm4b:s1+s17], $0x80, s7, s17, $0xb8;
	[tilespmem:$0x1F000] =	vst v63  }
0x160: {  	s13 =	rddreg [dreg:$0xc]  }
0x161: {  	[spmem:s3] =	stream.indirect.scatter.add.f32 [tilespmem:s20], [sflag:$0x5], $0x80, s13, s17, $0xb8;
	[tilespmem:$0x1F000] =	vst v63  }
0x162: {  	_ =	swait.ge [sflag:s15], $0x2800  }
0x163: {  	[sflag:s15] =	ssyncset.done $0x0  }
0x164: {  	[sflag:s15] =	ssyncadd.s32 $0xFFFFD800  }
0x165: {  	_ =	swait.ge [sflag:s25], $0x2800  }
0x166: {  	[sflag:s25] =	ssyncset.done $0x0  }
0x167: {  	s7 =	rddreg [dreg:$0xd];
	[sflag:s25] =	ssyncadd.s32 $0xFFFFD800  }
0x168: {  	[tilespmem:s20], [sflag:$0x3] =	stream.indirect.gather [hbm4b:s1+s17], $0x80, s7, s17, $0xb8;
	[tilespmem:$0x1F000] =	vst v63  }
0x169: {  	s13 =	rddreg [dreg:$0xe]  }
0x16a: {  	[spmem:s3] =	stream.indirect.scatter.add.f32 [tilespmem:s22], [sflag:$0x5], $0x80, s13, s17, $0xb8;
	[tilespmem:$0x1F000] =	vst v63  }
0x16b: {  	_ =	swait.ge [sflag:s15], $0x2800  }
0x16c: {  	[sflag:s15] =	ssyncset.done $0x0  }
0x16d: {  	[sflag:s15] =	ssyncadd.s32 $0xFFFFD800  }
0x16e: {  	_ =	swait.ge [sflag:s21], $0x2800  }
0x16f: {  	[sflag:s21] =	ssyncset.done $0x0  }
0x170: {  	s7 =	rddreg [dreg:$0xf];
	[sflag:s21] =	ssyncadd.s32 $0xFFFFD800  }
0x171: {  	[tilespmem:s22], [sflag:$0x4] =	stream.indirect.gather [hbm4b:s1+s17], $0x80, s7, s17, $0xb8;
	[tilespmem:$0x1F000] =	vst v63  }
0x172: {  	s13 =	rddreg [dreg:$0x10]  }
0x173: {  	[spmem:s3] =	stream.indirect.scatter.add.f32 [tilespmem:s18], [sflag:$0x5], $0x80, s13, s17, $0xb8;
	[tilespmem:$0x1F000] =	vst v63  }
0x174: {  	_ =	swait.ge [sflag:s15], $0x2800  }
0x175: {  	[sflag:s15] =	ssyncset.done $0x0  }
0x176: {  	[sflag:s15] =	ssyncadd.s32 $0xFFFFD800  }
0x177: {  	_ =	swait.ge [sflag:s23], $0x2800  }
0x178: {  	[sflag:s23] =	ssyncset.done $0x0  }
0x179: {  	s7 =	rddreg [dreg:$0x11];
	[sflag:s23] =	ssyncadd.s32 $0xFFFFD800  }
0x17a: {  	[tilespmem:s18], [sflag:$0x1] =	stream.indirect.gather [hbm4b:s1+s17], $0x80, s7, s17, $0xb8;
	[tilespmem:$0x1F000] =	vst v63  }
0x17b: {  	s13 =	rddreg [dreg:$0x12]  }
0x17c: {  	[spmem:s3] =	stream.indirect.scatter.add.f32 [tilespmem:s19], [sflag:$0x5], $0x80, s13, s17, $0xb8;
	[tilespmem:$0x1F000] =	vst v63  }
0x17d: {  	_ =	swait.ge [sflag:s15], $0x2800  }
0x17e: {  	[sflag:s15] =	ssyncset.done $0x0  }
0x17f: {  	[sflag:s15] =	ssyncadd.s32 $0xFFFFD800  }
0x180: {  	_ =	swait.ge [sflag:s24], $0x2800  }
0x181: {  	[sflag:s24] =	ssyncset.done $0x0  }
0x182: {  	s7 =	rddreg [dreg:$0x13];
	[sflag:s24] =	ssyncadd.s32 $0xFFFFD800  }
0x183: {  	[tilespmem:s19], [sflag:$0x2] =	stream.indirect.gather [hbm4b:s1+s17], $0x80, s7, s17, $0xb8;
	[tilespmem:$0x1F000] =	vst v63  }
0x184: {  	s13 =	rddreg [dreg:$0x14]  }
0x185: {  	[spmem:s3] =	stream.indirect.scatter.add.f32 [tilespmem:s20], [sflag:$0x5], $0x80, s13, s17, $0xb8;
	[tilespmem:$0x1F000] =	vst v63  }
0x186: {  	_ =	swait.ge [sflag:s15], $0x2800  }
0x187: {  	[sflag:s15] =	ssyncset.done $0x0  }
0x188: {  	[sflag:s15] =	ssyncadd.s32 $0xFFFFD800  }
0x189: {  	_ =	swait.ge [sflag:s25], $0x2800  }
0x18a: {  	[sflag:s25] =	ssyncset.done $0x0  }
0x18b: {  	s7 =	rddreg [dreg:$0x15];
	[sflag:s25] =	ssyncadd.s32 $0xFFFFD800  }
0x18c: {  	[tilespmem:s20], [sflag:$0x3] =	stream.indirect.gather [hbm4b:s1+s17], $0x80, s7, s17, $0xb8;
	[tilespmem:$0x1F000] =	vst v63  }
0x18d: {  	s13 =	rddreg [dreg:$0x16]  }
0x18e: {  	[spmem:s3] =	stream.indirect.scatter.add.f32 [tilespmem:s22], [sflag:$0x5], $0x80, s13, s17, $0xb8;
	[tilespmem:$0x1F000] =	vst v63  }
0x18f: {  	_ =	swait.ge [sflag:s15], $0x2800  }
0x190: {  	[sflag:s15] =	ssyncset.done $0x0  }
0x191: {  	[sflag:s15] =	ssyncadd.s32 $0xFFFFD800  }
0x192: {  	_ =	swait.ge [sflag:s21], $0x2800  }
0x193: {  	[sflag:s21] =	ssyncset.done $0x0  }
0x194: {  	s7 =	rddreg [dreg:$0x17];
	[sflag:s21] =	ssyncadd.s32 $0xFFFFD800  }
0x195: {  	[tilespmem:s22], [sflag:$0x4] =	stream.indirect.gather [hbm4b:s1+s17], $0x80, s7, s17, $0xb8;
	[tilespmem:$0x1F000] =	vst v63  }
0x196: {  	s13 =	rddreg [dreg:$0x18]  }
0x197: {  	[spmem:s3] =	stream.indirect.scatter.add.f32 [tilespmem:s18], [sflag:$0x5], $0x80, s13, s17, $0xb8;
	[tilespmem:$0x1F000] =	vst v63  }
0x198: {  	_ =	swait.ge [sflag:s15], $0x2800  }
0x199: {  	[sflag:s15] =	ssyncset.done $0x0  }
0x19a: {  	[sflag:s15] =	ssyncadd.s32 $0xFFFFD800  }
0x19b: {  	_ =	swait.ge [sflag:s23], $0x2800  }
0x19c: {  	[sflag:s23] =	ssyncset.done $0x0  }
0x19d: {  	s7 =	rddreg [dreg:$0x19];
	[sflag:s23] =	ssyncadd.s32 $0xFFFFD800  }
0x19e: {  	[tilespmem:s18], [sflag:$0x1] =	stream.indirect.gather [hbm4b:s1+s17], $0x80, s7, s17, $0xb8;
	[tilespmem:$0x1F000] =	vst v63  }
0x19f: {  	s13 =	rddreg [dreg:$0x1a]  }
0x1a0: {  	[spmem:s3] =	stream.indirect.scatter.add.f32 [tilespmem:s19], [sflag:$0x5], $0x80, s13, s17, $0xb8;
	[tilespmem:$0x1F000] =	vst v63  }
0x1a1: {  	_ =	swait.ge [sflag:s15], $0x2800  }
0x1a2: {  	[sflag:s15] =	ssyncset.done $0x0  }
0x1a3: {  	[sflag:s15] =	ssyncadd.s32 $0xFFFFD800  }
0x1a4: {  	_ =	swait.ge [sflag:s24], $0x2800  }
0x1a5: {  	[sflag:s24] =	ssyncset.done $0x0  }
0x1a6: {  	s7 =	rddreg [dreg:$0x1b];
	[sflag:s24] =	ssyncadd.s32 $0xFFFFD800  }
0x1a7: {  	[tilespmem:s19], [sflag:$0x2] =	stream.indirect.gather [hbm4b:s1+s17], $0x80, s7, s17, $0xb8;
	[tilespmem:$0x1F000] =	vst v63  }
0x1a8: {  	s13 =	rddreg [dreg:$0x1c]  }
0x1a9: {  	[spmem:s3] =	stream.indirect.scatter.add.f32 [tilespmem:s20], [sflag:$0x5], $0x80, s13, s17, $0xb8;
	[tilespmem:$0x1F000] =	vst v63  }
0x1aa: {  	_ =	swait.ge [sflag:s15], $0x2800  }
0x1ab: {  	[sflag:s15] =	ssyncset.done $0x0  }
0x1ac: {  	[sflag:s15] =	ssyncadd.s32 $0xFFFFD800  }
0x1ad: {  	_ =	swait.ge [sflag:s25], $0x2800  }
0x1ae: {  	[sflag:s25] =	ssyncset.done $0x0  }
0x1af: {  	s7 =	rddreg [dreg:$0x1d];
	[sflag:s25] =	ssyncadd.s32 $0xFFFFD800  }
0x1b0: {  	[tilespmem:s20], [sflag:$0x3] =	stream.indirect.gather [hbm4b:s1+s17], $0x80, s7, s17, $0xb8;
	[tilespmem:$0x1F000] =	vst v63  }
0x1b1: {  	s13 =	rddreg [dreg:$0x1e]  }
0x1b2: {  	[spmem:s3] =	stream.indirect.scatter.add.f32 [tilespmem:s22], [sflag:$0x5], $0x80, s13, s17, $0xb8;
	[tilespmem:$0x1F000] =	vst v63  }
0x1b3: {  	_ =	swait.ge [sflag:s15], $0x2800  }
0x1b4: {  	[sflag:s15] =	ssyncset.done $0x0  }
0x1b5: {  	[sflag:s15] =	ssyncadd.s32 $0xFFFFD800  }
0x1b6: {  	_ =	swait.ge [sflag:s21], $0x2800  }
0x1b7: {  	s7 =	rddreg [dreg:$0x1f];
	[sflag:s21] =	ssyncset.done $0x0  }
0x1b8: {  	s13 =	sld [smem:$0x7F3];
	[sflag:s21] =	ssyncadd.s32 $0xFFFFD800  }
0x1b9: {  	[tilespmem:s22], [sflag:$0x4] =	stream.indirect.gather [hbm4b:s1+s17], $0x80, s7, s17, $0xb8;
	[tilespmem:$0x1F000] =	vst v63  }
0x1ba: {  	_ = 	snop  }
0x1bb: {  	[spmem:s3] =	stream.indirect.scatter.add.f32 [tilespmem:s18], [sflag:$0x5], $0x80, s13, s17, $0xb8;
	[tilespmem:$0x1F000] =	vst v63  }
0x1bc: {  	_ =	swait.ge [sflag:s15], $0x2800  }
0x1bd: {  	[sflag:s15] =	ssyncset.done $0x0  }
0x1be: {  	[sflag:s15] =	ssyncadd.s32 $0xFFFFD800  }
0x1bf: {  	_ =	swait.ge [sflag:s23], $0x2800  }
0x1c0: {  	s7 =	sld [smem:$0x7F4]  }
0x1c1: {  	[sflag:s23] =	ssyncset.done $0x0  }
0x1c2: {  	s13 =	sld [smem:$0x7F5];
	[sflag:s23] =	ssyncadd.s32 $0xFFFFD800  }
0x1c3: {  	[tilespmem:s18], [sflag:$0x1] =	stream.indirect.gather [hbm4b:s1+s17], $0x80, s7, s17, $0xb8;
	[tilespmem:$0x1F000] =	vst v63  }
0x1c4: {  	_ = 	snop  }
0x1c5: {  	[spmem:s3] =	stream.indirect.scatter.add.f32 [tilespmem:s19], [sflag:$0x5], $0x80, s13, s17, $0xb8;
	[tilespmem:$0x1F000] =	vst v63  }
0x1c6: {  	_ =	swait.ge [sflag:s15], $0x2800  }
0x1c7: {  	[sflag:s15] =	ssyncset.done $0x0  }
0x1c8: {  	[sflag:s15] =	ssyncadd.s32 $0xFFFFD800  }
0x1c9: {  	_ =	swait.ge [sflag:s24], $0x2800  }
0x1ca: {  	s7 =	sld [smem:$0x7F6]  }
0x1cb: {  	[sflag:s24] =	ssyncset.done $0x0  }
0x1cc: {  	s13 =	sld [smem:$0x7F7];
	[sflag:s24] =	ssyncadd.s32 $0xFFFFD800  }
0x1cd: {  	[tilespmem:s19], [sflag:$0x2] =	stream.indirect.gather [hbm4b:s1+s17], $0x80, s7, s17, $0xb8;
	[tilespmem:$0x1F000] =	vst v63  }
0x1ce: {  	_ = 	snop  }
0x1cf: {  	[spmem:s3] =	stream.indirect.scatter.add.f32 [tilespmem:s20], [sflag:$0x5], $0x80, s13, s17, $0xb8;
	[tilespmem:$0x1F000] =	vst v63  }
0x1d0: {  	_ =	swait.ge [sflag:s15], $0x2800  }
0x1d1: {  	[sflag:s15] =	ssyncset.done $0x0  }
0x1d2: {  	[sflag:s15] =	ssyncadd.s32 $0xFFFFD800  }
0x1d3: {  	_ =	swait.ge [sflag:s25], $0x2800  }
0x1d4: {  	s7 =	sld [smem:$0x7F8]  }
0x1d5: {  	[sflag:s25] =	ssyncset.done $0x0  }
0x1d6: {  	s13 =	sld [smem:$0x7F9];
	[sflag:s25] =	ssyncadd.s32 $0xFFFFD800  }
0x1d7: {  	[tilespmem:s20], [sflag:$0x3] =	stream.indirect.gather [hbm4b:s1+s17], $0x80, s7, s17, $0xb8;
	[tilespmem:$0x1F000] =	vst v63  }
0x1d8: {  	_ = 	snop  }
0x1d9: {  	[spmem:s3] =	stream.indirect.scatter.add.f32 [tilespmem:s22], [sflag:$0x5], $0x80, s13, s17, $0xb8;
	[tilespmem:$0x1F000] =	vst v63  }
0x1da: {  	_ =	swait.ge [sflag:s15], $0x2800  }
0x1db: {  	[sflag:s15] =	ssyncset.done $0x0  }
0x1dc: {  	[sflag:s15] =	ssyncadd.s32 $0xFFFFD800  }
0x1dd: {  	_ =	swait.ge [sflag:s21], $0x2800  }
0x1de: {  	s7 =	sld [smem:$0x7FA]  }
0x1df: {  	[sflag:s21] =	ssyncset.done $0x0  }
0x1e0: {  	s13 =	sld [smem:$0x7FB];
	[sflag:s21] =	ssyncadd.s32 $0xFFFFD800  }
0x1e1: {  	[tilespmem:s22], [sflag:$0x4] =	stream.indirect.gather [hbm4b:s1+s17], $0x80, s7, s17, $0xb8;
	[tilespmem:$0x1F000] =	vst v63  }
0x1e2: {  	_ = 	snop  }
0x1e3: {  	[spmem:s3] =	stream.indirect.scatter.add.f32 [tilespmem:s18], [sflag:$0x5], $0x80, s13, s17, $0xb8;
	[tilespmem:$0x1F000] =	vst v63  }
0x1e4: {  	_ =	swait.ge [sflag:s15], $0x2800  }
0x1e5: {  	[sflag:s15] =	ssyncset.done $0x0  }
0x1e6: {  	[sflag:s15] =	ssyncadd.s32 $0xFFFFD800  }
0x1e7: {  	_ =	swait.ge [sflag:s23], $0x2800  }
0x1e8: {  	[sflag:s23] =	ssyncset.done $0x0  }
0x1e9: {  	[sflag:s23] =	ssyncadd.s32 $0xFFFFD800  }
0x1ea: {  	[tilespmem:s18], [sflag:$0x1] =	stream.indirect.gather [hbm4b:s1+s17], $0x80, s26, s17, $0xb8;
	[tilespmem:$0x1F000] =	vst v63  }
0x1eb: {  	_ = 	snop  }
0x1ec: {  	[spmem:s3] =	stream.indirect.scatter.add.f32 [tilespmem:s19], [sflag:$0x5], $0x80, s28, s17, $0xb8;
	[tilespmem:$0x1F000] =	vst v63  }
0x1ed: {  	_ =	swait.ge [sflag:s15], $0x2800  }
0x1ee: {  	[sflag:s15] =	ssyncset.done $0x0  }
0x1ef: {  	[sflag:s15] =	ssyncadd.s32 $0xFFFFD800  }
0x1f0: {  	_ =	swait.ge [sflag:s24], $0x2800  }
0x1f1: {  	[sflag:s24] =	ssyncset.done $0x0  }
0x1f2: {  	[sflag:s24] =	ssyncadd.s32 $0xFFFFD800  }
0x1f3: {  	[tilespmem:s19], [sflag:$0x2] =	stream.indirect.gather [hbm4b:s1+s17], $0x80, s29, s17, $0xb8;
	[tilespmem:$0x1F000] =	vst v63  }
0x1f4: {  	_ = 	snop  }
0x1f5: {  	[spmem:s3] =	stream.indirect.scatter.add.f32 [tilespmem:s20], [sflag:$0x5], $0x80, s30, s17, $0xb8;
	[tilespmem:$0x1F000] =	vst v63  }
0x1f6: {  	_ =	swait.ge [sflag:s15], $0x2800  }
0x1f7: {  	[sflag:s15] =	ssyncset.done $0x0  }
0x1f8: {  	[sflag:s15] =	ssyncadd.s32 $0xFFFFD800  }
0x1f9: {  	_ =	swait.ge [sflag:s25], $0x2800  }
0x1fa: {  	[sflag:s25] =	ssyncset.done $0x0  }
0x1fb: {  	[sflag:s25] =	ssyncadd.s32 $0xFFFFD800  }
0x1fc: {  	[tilespmem:s20], [sflag:$0x3] =	stream.indirect.gather [hbm4b:s1+s17], $0x80, s31, s17, $0xb8;
	[tilespmem:$0x1F000] =	vst v63  }
0x1fd: {  	_ = 	snop  }
0x1fe: {  	[spmem:s3] =	stream.indirect.scatter.add.f32 [tilespmem:s22], [sflag:$0x5], $0x80, s0, s17, $0xb8;
	[tilespmem:$0x1F000] =	vst v63  }
0x1ff: {  	_ =	swait.ge [sflag:s15], $0x2800  }
0x200: {  	[sflag:s15] =	ssyncset.done $0x0  }
0x201: {  	[sflag:s15] =	ssyncadd.s32 $0xFFFFD800  }
0x202: {  	_ =	swait.ge [sflag:s21], $0x2800  }
0x203: {  	[sflag:s21] =	ssyncset.done $0x0  }
0x204: {  	[sflag:s21] =	ssyncadd.s32 $0xFFFFD800  }
0x205: {  	[tilespmem:s22], [sflag:$0x4] =	stream.indirect.gather [hbm4b:s1+s17], $0x80, s4, s17, $0xb8;
	[tilespmem:$0x1F000] =	vst v63  }
0x206: {  	_ = 	snop  }
0x207: {  	[spmem:s3] =	stream.indirect.scatter.add.f32 [tilespmem:s18], [sflag:$0x5], $0x80, s2, s17, $0xb8;
	[tilespmem:$0x1F000] =	vst v63  }
0x208: {  	_ =	swait.ge [sflag:s15], $0x2800  }
0x209: {  	[sflag:s15] =	ssyncset.done $0x0  }
0x20a: {  	[sflag:s15] =	ssyncadd.s32 $0xFFFFD800  }
0x20b: {  	_ =	swait.ge [sflag:s23], $0x2800  }
0x20c: {  	[sflag:s23] =	ssyncset.done $0x0  }
0x20d: {  	[sflag:s23] =	ssyncadd.s32 $0xFFFFD800  }
0x20e: {  	[tilespmem:s18], [sflag:$0x1] =	stream.indirect.gather [hbm4b:s1+s17], $0x80, s8, s17, $0xb8;
	[tilespmem:$0x1F000] =	vst v63  }
0x20f: {  	_ = 	snop  }
0x210: {  	[spmem:s3] =	stream.indirect.scatter.add.f32 [tilespmem:s19], [sflag:$0x5], $0x80, s11, s17, $0xb8;
	[tilespmem:$0x1F000] =	vst v63  }
0x211: {  	_ =	swait.ge [sflag:s15], $0x2800  }
0x212: {  	[sflag:s15] =	ssyncset.done $0x0  }
0x213: {  	[sflag:s15] =	ssyncadd.s32 $0xFFFFD800  }
0x214: {  	_ =	swait.ge [sflag:s24], $0x2800  }
0x215: {  	[sflag:s24] =	ssyncset.done $0x0  }
0x216: {  	[sflag:s24] =	ssyncadd.s32 $0xFFFFD800  }
0x217: {  	[spmem:s3] =	stream.indirect.scatter.add.f32 [tilespmem:s20], [sflag:$0x5], $0x80, s12, s17, $0xb8;
	[tilespmem:$0x1F000] =	vst v63  }
0x218: {  	_ =	swait.ge [sflag:s15], $0x2800  }
0x219: {  	[sflag:s15] =	ssyncset.done $0x0  }
0x21a: {  	[sflag:s15] =	ssyncadd.s32 $0xFFFFD800  }
0x21b: {  	_ =	swait.ge [sflag:s25], $0x2800  }
0x21c: {  	[sflag:s25] =	ssyncset.done $0x0  }
0x21d: {  	[sflag:s25] =	ssyncadd.s32 $0xFFFFD800  }
0x21e: {  	[spmem:s3] =	stream.indirect.scatter.add.f32 [tilespmem:s22], [sflag:$0x5], $0x80, s9, s17, $0xb8;
	[tilespmem:$0x1F000] =	vst v63  }
0x21f: {  	_ =	swait.ge [sflag:s15], $0x2800  }
0x220: {  	[sflag:s15] =	ssyncset.done $0x0  }
0x221: {  	[sflag:s15] =	ssyncadd.s32 $0xFFFFD800  }
0x222: {  	p2 =	sne.s32 s10, $0x3E8;
	_ =	swait.ge [sflag:s21], $0x2800  }
.Ltmp3:
0x223: {  	[sflag:s21] =	ssyncset.done $0x0;
	(pc) =	sbr.rel @p2 .LBB2_16-.Ltmp3, $4  }
0x224: {  	[sflag:s21] =	ssyncadd.s32 $0xFFFFD800  }
0x225: {  	[spmem:s3] =	stream.indirect.scatter.add.f32 [tilespmem:s18], [sflag:$0x5], $0x80, s14, s17, $0xb8;
	[tilespmem:$0x1F000] =	vst v63  }
0x226: {  	_ =	swait.ge [sflag:s15], $0x2800  }
0x227: {  	s10 =	sadd.s32 $0xFA, s10;
	s13 =	rddreg [dreg:$0x6];
	[sflag:s15] =	ssyncset.done $0x0  }
0x228: {  	[sflag:s15] =	ssyncadd.s32 $0xFFFFD800;
	s7 =	sadd.s32 s6, s13  }
0x229: {  	[tilespmem:s16], [sflag:$0x5] =	stream.linear.gather [hbm4b:s7+s5], $0x7D0, $0x38;
	[tilespmem:$0x1F000] =	vst v63  }
0x22a: {  	_ =	swait.ge [sflag:s15], $0x7D0  }
0x22b: {  	s13 =	rddreg [dreg:$0x5];
	[sflag:s15] =	ssyncset.done $0x0  }
0x22c: {  	[sflag:s15] =	ssyncadd.s32 $0xFFFFF830;
	s10 =	sadd.s32 s6, s13  }
0x22d: {  	[tilespmem:s5], [sflag:$0x5] =	stream.linear.gather [hbm4b:s10+s5], $0x7D0, $0x38;
	[tilespmem:$0x1F000] =	vst v63  }
0x22e: {  	_ =	swait.ge [sflag:s15], $0x7D0  }
0x22f: {  	[sflag:s15] =	ssyncset.done $0x0  }
0x230: {  	[sflag:s15] =	ssyncadd.s32 $0xFFFFF830  }
0x231: {  	[tilespmem:s18], [sflag:$0x1] =	stream.indirect.gather [hbm4b:s1+s17], $0x80, s5, s17, $0xb8;
	[tilespmem:$0x1F000] =	vst v63  }
0x232: {  	_ = 	snop  }
0x233: {  	[tilespmem:s19], [sflag:$0x2] =	stream.indirect.gather [hbm4b:s1+s17], $0x80, s17, s17, $0xb8;
	[tilespmem:$0x1F000] =	vst v63  }
0x234: {  	s13 =	rddreg [dreg:$0x7]  }
0x235: {  	[tilespmem:s20], [sflag:$0x3] =	stream.indirect.gather [hbm4b:s1+s17], $0x80, s13, s17, $0xb8;
	[tilespmem:$0x1F000] =	vst v63  }
0x236: {  	_ =	swait.ge [sflag:s21], $0x2800  }
0x237: {  	[sflag:s21] =	ssyncset.done $0x0  }
0x238: {  	s7 =	rddreg [dreg:$0x8];
	[sflag:s21] =	ssyncadd.s32 $0xFFFFD800  }
0x239: {  	[tilespmem:s22], [sflag:$0x4] =	stream.indirect.gather [hbm4b:s1+s17], $0x80, s7, s17, $0xb8;
	[tilespmem:$0x1F000] =	vst v63  }
0x23a: {  	_ = 	snop  }
0x23b: {  	[spmem:s3] =	stream.indirect.scatter.add.f32 [tilespmem:s18], [sflag:$0x5], $0x80, s16, s17, $0xb8;
	[tilespmem:$0x1F000] =	vst v63  }
0x23c: {  	_ =	swait.ge [sflag:s15], $0x2800  }
0x23d: {  	[sflag:s15] =	ssyncset.done $0x0  }
0x23e: {  	[sflag:s15] =	ssyncadd.s32 $0xFFFFD800  }
0x23f: {  	_ =	swait.ge [sflag:s23], $0x2800  }
0x240: {  	[sflag:s23] =	ssyncset.done $0x0  }
0x241: {  	s10 =	rddreg [dreg:$0x9];
	[sflag:s23] =	ssyncadd.s32 $0xFFFFD800  }
0x242: {  	[tilespmem:s18], [sflag:$0x1] =	stream.indirect.gather [hbm4b:s1+s17], $0x80, s10, s17, $0xb8;
	[tilespmem:$0x1F000] =	vst v63  }
0x243: {  	s13 =	rddreg [dreg:$0xa]  }
0x244: {  	[spmem:s3] =	stream.indirect.scatter.add.f32 [tilespmem:s19], [sflag:$0x5], $0x80, s13, s17, $0xb8;
	[tilespmem:$0x1F000] =	vst v63  }
0x245: {  	_ =	swait.ge [sflag:s15], $0x2800  }
0x246: {  	[sflag:s15] =	ssyncset.done $0x0  }
0x247: {  	[sflag:s15] =	ssyncadd.s32 $0xFFFFD800  }
0x248: {  	_ =	swait.ge [sflag:s24], $0x2800  }
0x249: {  	[sflag:s24] =	ssyncset.done $0x0  }
0x24a: {  	s10 =	rddreg [dreg:$0xb];
	[sflag:s24] =	ssyncadd.s32 $0xFFFFD800  }
0x24b: {  	[tilespmem:s19], [sflag:$0x2] =	stream.indirect.gather [hbm4b:s1+s17], $0x80, s10, s17, $0xb8;
	[tilespmem:$0x1F000] =	vst v63  }
0x24c: {  	s13 =	rddreg [dreg:$0xc]  }
0x24d: {  	[spmem:s3] =	stream.indirect.scatter.add.f32 [tilespmem:s20], [sflag:$0x5], $0x80, s13, s17, $0xb8;
	[tilespmem:$0x1F000] =	vst v63  }
0x24e: {  	_ =	swait.ge [sflag:s15], $0x2800  }
0x24f: {  	[sflag:s15] =	ssyncset.done $0x0  }
0x250: {  	[sflag:s15] =	ssyncadd.s32 $0xFFFFD800  }
0x251: {  	_ =	swait.ge [sflag:s25], $0x2800  }
0x252: {  	[sflag:s25] =	ssyncset.done $0x0  }
0x253: {  	s10 =	rddreg [dreg:$0xd];
	[sflag:s25] =	ssyncadd.s32 $0xFFFFD800  }
0x254: {  	[tilespmem:s20], [sflag:$0x3] =	stream.indirect.gather [hbm4b:s1+s17], $0x80, s10, s17, $0xb8;
	[tilespmem:$0x1F000] =	vst v63  }
0x255: {  	s13 =	rddreg [dreg:$0xe]  }
0x256: {  	[spmem:s3] =	stream.indirect.scatter.add.f32 [tilespmem:s22], [sflag:$0x5], $0x80, s13, s17, $0xb8;
	[tilespmem:$0x1F000] =	vst v63  }
0x257: {  	_ =	swait.ge [sflag:s15], $0x2800  }
0x258: {  	[sflag:s15] =	ssyncset.done $0x0  }
0x259: {  	[sflag:s15] =	ssyncadd.s32 $0xFFFFD800  }
0x25a: {  	_ =	swait.ge [sflag:s21], $0x2800  }
0x25b: {  	[sflag:s21] =	ssyncset.done $0x0  }
0x25c: {  	s10 =	rddreg [dreg:$0xf];
	[sflag:s21] =	ssyncadd.s32 $0xFFFFD800  }
0x25d: {  	[tilespmem:s22], [sflag:$0x4] =	stream.indirect.gather [hbm4b:s1+s17], $0x80, s10, s17, $0xb8;
	[tilespmem:$0x1F000] =	vst v63  }
0x25e: {  	s13 =	rddreg [dreg:$0x10]  }
0x25f: {  	[spmem:s3] =	stream.indirect.scatter.add.f32 [tilespmem:s18], [sflag:$0x5], $0x80, s13, s17, $0xb8;
	[tilespmem:$0x1F000] =	vst v63  }
0x260: {  	_ =	swait.ge [sflag:s15], $0x2800  }
0x261: {  	[sflag:s15] =	ssyncset.done $0x0  }
0x262: {  	[sflag:s15] =	ssyncadd.s32 $0xFFFFD800  }
0x263: {  	_ =	swait.ge [sflag:s23], $0x2800  }
0x264: {  	[sflag:s23] =	ssyncset.done $0x0  }
0x265: {  	s10 =	rddreg [dreg:$0x11];
	[sflag:s23] =	ssyncadd.s32 $0xFFFFD800  }
0x266: {  	[tilespmem:s18], [sflag:$0x1] =	stream.indirect.gather [hbm4b:s1+s17], $0x80, s10, s17, $0xb8;
	[tilespmem:$0x1F000] =	vst v63  }
0x267: {  	s13 =	rddreg [dreg:$0x12]  }
0x268: {  	[spmem:s3] =	stream.indirect.scatter.add.f32 [tilespmem:s19], [sflag:$0x5], $0x80, s13, s17, $0xb8;
	[tilespmem:$0x1F000] =	vst v63  }
0x269: {  	_ =	swait.ge [sflag:s15], $0x2800  }
0x26a: {  	[sflag:s15] =	ssyncset.done $0x0  }
0x26b: {  	[sflag:s15] =	ssyncadd.s32 $0xFFFFD800  }
0x26c: {  	_ =	swait.ge [sflag:s24], $0x2800  }
0x26d: {  	[sflag:s24] =	ssyncset.done $0x0  }
0x26e: {  	s10 =	rddreg [dreg:$0x13];
	[sflag:s24] =	ssyncadd.s32 $0xFFFFD800  }
0x26f: {  	[tilespmem:s19], [sflag:$0x2] =	stream.indirect.gather [hbm4b:s1+s17], $0x80, s10, s17, $0xb8;
	[tilespmem:$0x1F000] =	vst v63  }
0x270: {  	s13 =	rddreg [dreg:$0x14]  }
0x271: {  	[spmem:s3] =	stream.indirect.scatter.add.f32 [tilespmem:s20], [sflag:$0x5], $0x80, s13, s17, $0xb8;
	[tilespmem:$0x1F000] =	vst v63  }
0x272: {  	_ =	swait.ge [sflag:s15], $0x2800  }
0x273: {  	[sflag:s15] =	ssyncset.done $0x0  }
0x274: {  	[sflag:s15] =	ssyncadd.s32 $0xFFFFD800  }
0x275: {  	_ =	swait.ge [sflag:s25], $0x2800  }
0x276: {  	[sflag:s25] =	ssyncset.done $0x0  }
0x277: {  	s10 =	rddreg [dreg:$0x15];
	[sflag:s25] =	ssyncadd.s32 $0xFFFFD800  }
0x278: {  	[tilespmem:s20], [sflag:$0x3] =	stream.indirect.gather [hbm4b:s1+s17], $0x80, s10, s17, $0xb8;
	[tilespmem:$0x1F000] =	vst v63  }
0x279: {  	s13 =	rddreg [dreg:$0x16]  }
0x27a: {  	[spmem:s3] =	stream.indirect.scatter.add.f32 [tilespmem:s22], [sflag:$0x5], $0x80, s13, s17, $0xb8;
	[tilespmem:$0x1F000] =	vst v63  }
0x27b: {  	_ =	swait.ge [sflag:s15], $0x2800  }
0x27c: {  	[sflag:s15] =	ssyncset.done $0x0  }
0x27d: {  	[sflag:s15] =	ssyncadd.s32 $0xFFFFD800  }
0x27e: {  	_ =	swait.ge [sflag:s21], $0x2800  }
0x27f: {  	[sflag:s21] =	ssyncset.done $0x0  }
0x280: {  	s10 =	rddreg [dreg:$0x17];
	[sflag:s21] =	ssyncadd.s32 $0xFFFFD800  }
0x281: {  	[tilespmem:s22], [sflag:$0x4] =	stream.indirect.gather [hbm4b:s1+s17], $0x80, s10, s17, $0xb8;
	[tilespmem:$0x1F000] =	vst v63  }
0x282: {  	s13 =	rddreg [dreg:$0x18]  }
0x283: {  	[spmem:s3] =	stream.indirect.scatter.add.f32 [tilespmem:s18], [sflag:$0x5], $0x80, s13, s17, $0xb8;
	[tilespmem:$0x1F000] =	vst v63  }
0x284: {  	_ =	swait.ge [sflag:s15], $0x2800  }
0x285: {  	[sflag:s15] =	ssyncset.done $0x0  }
0x286: {  	[sflag:s15] =	ssyncadd.s32 $0xFFFFD800  }
0x287: {  	_ =	swait.ge [sflag:s23], $0x2800  }
0x288: {  	[sflag:s23] =	ssyncset.done $0x0  }
0x289: {  	s10 =	rddreg [dreg:$0x19];
	[sflag:s23] =	ssyncadd.s32 $0xFFFFD800  }
0x28a: {  	[tilespmem:s18], [sflag:$0x1] =	stream.indirect.gather [hbm4b:s1+s17], $0x80, s10, s17, $0xb8;
	[tilespmem:$0x1F000] =	vst v63  }
0x28b: {  	s13 =	rddreg [dreg:$0x1a]  }
0x28c: {  	[spmem:s3] =	stream.indirect.scatter.add.f32 [tilespmem:s19], [sflag:$0x5], $0x80, s13, s17, $0xb8;
	[tilespmem:$0x1F000] =	vst v63  }
0x28d: {  	_ =	swait.ge [sflag:s15], $0x2800  }
0x28e: {  	[sflag:s15] =	ssyncset.done $0x0  }
0x28f: {  	[sflag:s15] =	ssyncadd.s32 $0xFFFFD800  }
0x290: {  	_ =	swait.ge [sflag:s24], $0x2800  }
0x291: {  	[sflag:s24] =	ssyncset.done $0x0  }
0x292: {  	s10 =	rddreg [dreg:$0x1b];
	[sflag:s24] =	ssyncadd.s32 $0xFFFFD800  }
0x293: {  	[tilespmem:s19], [sflag:$0x2] =	stream.indirect.gather [hbm4b:s1+s17], $0x80, s10, s17, $0xb8;
	[tilespmem:$0x1F000] =	vst v63  }
0x294: {  	s13 =	rddreg [dreg:$0x1c]  }
0x295: {  	[spmem:s3] =	stream.indirect.scatter.add.f32 [tilespmem:s20], [sflag:$0x5], $0x80, s13, s17, $0xb8;
	[tilespmem:$0x1F000] =	vst v63  }
0x296: {  	_ =	swait.ge [sflag:s15], $0x2800  }
0x297: {  	[sflag:s15] =	ssyncset.done $0x0  }
0x298: {  	[sflag:s15] =	ssyncadd.s32 $0xFFFFD800  }
0x299: {  	_ =	swait.ge [sflag:s25], $0x2800  }
0x29a: {  	[sflag:s25] =	ssyncset.done $0x0  }
0x29b: {  	s10 =	rddreg [dreg:$0x1d];
	[sflag:s25] =	ssyncadd.s32 $0xFFFFD800  }
0x29c: {  	[tilespmem:s20], [sflag:$0x3] =	stream.indirect.gather [hbm4b:s1+s17], $0x80, s10, s17, $0xb8;
	[tilespmem:$0x1F000] =	vst v63  }
0x29d: {  	s13 =	rddreg [dreg:$0x1e]  }
0x29e: {  	[spmem:s3] =	stream.indirect.scatter.add.f32 [tilespmem:s22], [sflag:$0x5], $0x80, s13, s17, $0xb8;
	[tilespmem:$0x1F000] =	vst v63  }
0x29f: {  	_ =	swait.ge [sflag:s15], $0x2800  }
0x2a0: {  	[sflag:s15] =	ssyncset.done $0x0  }
0x2a1: {  	[sflag:s15] =	ssyncadd.s32 $0xFFFFD800  }
0x2a2: {  	_ =	swait.ge [sflag:s21], $0x2800  }
0x2a3: {  	s10 =	rddreg [dreg:$0x1f];
	[sflag:s21] =	ssyncset.done $0x0  }
0x2a4: {  	s13 =	sld [smem:$0x7F3];
	[sflag:s21] =	ssyncadd.s32 $0xFFFFD800  }
0x2a5: {  	[tilespmem:s22], [sflag:$0x4] =	stream.indirect.gather [hbm4b:s1+s17], $0x80, s10, s17, $0xb8;
	[tilespmem:$0x1F000] =	vst v63  }
0x2a6: {  	_ = 	snop  }
0x2a7: {  	[spmem:s3] =	stream.indirect.scatter.add.f32 [tilespmem:s18], [sflag:$0x5], $0x80, s13, s17, $0xb8;
	[tilespmem:$0x1F000] =	vst v63  }
0x2a8: {  	_ =	swait.ge [sflag:s15], $0x2800  }
0x2a9: {  	[sflag:s15] =	ssyncset.done $0x0  }
0x2aa: {  	[sflag:s15] =	ssyncadd.s32 $0xFFFFD800  }
0x2ab: {  	_ =	swait.ge [sflag:s23], $0x2800  }
0x2ac: {  	s10 =	sld [smem:$0x7F4]  }
0x2ad: {  	[sflag:s23] =	ssyncset.done $0x0  }
0x2ae: {  	s13 =	sld [smem:$0x7F5];
	[sflag:s23] =	ssyncadd.s32 $0xFFFFD800  }
0x2af: {  	[tilespmem:s18], [sflag:$0x1] =	stream.indirect.gather [hbm4b:s1+s17], $0x80, s10, s17, $0xb8;
	[tilespmem:$0x1F000] =	vst v63  }
0x2b0: {  	_ = 	snop  }
0x2b1: {  	[spmem:s3] =	stream.indirect.scatter.add.f32 [tilespmem:s19], [sflag:$0x5], $0x80, s13, s17, $0xb8;
	[tilespmem:$0x1F000] =	vst v63  }
0x2b2: {  	_ =	swait.ge [sflag:s15], $0x2800  }
0x2b3: {  	[sflag:s15] =	ssyncset.done $0x0  }
0x2b4: {  	[sflag:s15] =	ssyncadd.s32 $0xFFFFD800  }
0x2b5: {  	_ =	swait.ge [sflag:s24], $0x2800  }
0x2b6: {  	s10 =	sld [smem:$0x7F6]  }
0x2b7: {  	[sflag:s24] =	ssyncset.done $0x0  }
0x2b8: {  	s13 =	sld [smem:$0x7F7];
	[sflag:s24] =	ssyncadd.s32 $0xFFFFD800  }
0x2b9: {  	[tilespmem:s19], [sflag:$0x2] =	stream.indirect.gather [hbm4b:s1+s17], $0x80, s10, s17, $0xb8;
	[tilespmem:$0x1F000] =	vst v63  }
0x2ba: {  	_ = 	snop  }
0x2bb: {  	[spmem:s3] =	stream.indirect.scatter.add.f32 [tilespmem:s20], [sflag:$0x5], $0x80, s13, s17, $0xb8;
	[tilespmem:$0x1F000] =	vst v63  }
0x2bc: {  	_ =	swait.ge [sflag:s15], $0x2800  }
0x2bd: {  	[sflag:s15] =	ssyncset.done $0x0  }
0x2be: {  	[sflag:s15] =	ssyncadd.s32 $0xFFFFD800  }
0x2bf: {  	_ =	swait.ge [sflag:s25], $0x2800  }
0x2c0: {  	s10 =	sld [smem:$0x7F8]  }
0x2c1: {  	[sflag:s25] =	ssyncset.done $0x0  }
0x2c2: {  	s13 =	sld [smem:$0x7F9];
	[sflag:s25] =	ssyncadd.s32 $0xFFFFD800  }
0x2c3: {  	[tilespmem:s20], [sflag:$0x3] =	stream.indirect.gather [hbm4b:s1+s17], $0x80, s10, s17, $0xb8;
	[tilespmem:$0x1F000] =	vst v63  }
0x2c4: {  	_ = 	snop  }
0x2c5: {  	[spmem:s3] =	stream.indirect.scatter.add.f32 [tilespmem:s22], [sflag:$0x5], $0x80, s13, s17, $0xb8;
	[tilespmem:$0x1F000] =	vst v63  }
0x2c6: {  	_ =	swait.ge [sflag:s15], $0x2800  }
0x2c7: {  	[sflag:s15] =	ssyncset.done $0x0  }
0x2c8: {  	[sflag:s15] =	ssyncadd.s32 $0xFFFFD800  }
0x2c9: {  	_ =	swait.ge [sflag:s21], $0x2800  }
0x2ca: {  	s10 =	sld [smem:$0x7FA]  }
0x2cb: {  	[sflag:s21] =	ssyncset.done $0x0  }
0x2cc: {  	s13 =	sld [smem:$0x7FB];
	[sflag:s21] =	ssyncadd.s32 $0xFFFFD800  }
0x2cd: {  	[tilespmem:s22], [sflag:$0x4] =	stream.indirect.gather [hbm4b:s1+s17], $0x80, s10, s17, $0xb8;
	[tilespmem:$0x1F000] =	vst v63  }
0x2ce: {  	_ = 	snop  }
0x2cf: {  	[spmem:s3] =	stream.indirect.scatter.add.f32 [tilespmem:s18], [sflag:$0x5], $0x80, s13, s17, $0xb8;
	[tilespmem:$0x1F000] =	vst v63  }
0x2d0: {  	_ =	swait.ge [sflag:s15], $0x2800  }
0x2d1: {  	[sflag:s15] =	ssyncset.done $0x0  }
0x2d2: {  	[sflag:s15] =	ssyncadd.s32 $0xFFFFD800  }
0x2d3: {  	_ =	swait.ge [sflag:s23], $0x2800  }
0x2d4: {  	[sflag:s23] =	ssyncset.done $0x0  }
0x2d5: {  	[sflag:s23] =	ssyncadd.s32 $0xFFFFD800  }
0x2d6: {  	[tilespmem:s18], [sflag:$0x1] =	stream.indirect.gather [hbm4b:s1+s17], $0x80, s26, s17, $0xb8;
	[tilespmem:$0x1F000] =	vst v63  }
0x2d7: {  	_ = 	snop  }
0x2d8: {  	[spmem:s3] =	stream.indirect.scatter.add.f32 [tilespmem:s19], [sflag:$0x5], $0x80, s28, s17, $0xb8;
	[tilespmem:$0x1F000] =	vst v63  }
0x2d9: {  	_ =	swait.ge [sflag:s15], $0x2800  }
0x2da: {  	[sflag:s15] =	ssyncset.done $0x0  }
0x2db: {  	[sflag:s15] =	ssyncadd.s32 $0xFFFFD800  }
0x2dc: {  	_ =	swait.ge [sflag:s24], $0x2800  }
0x2dd: {  	[sflag:s24] =	ssyncset.done $0x0  }
0x2de: {  	[sflag:s24] =	ssyncadd.s32 $0xFFFFD800  }
0x2df: {  	[tilespmem:s19], [sflag:$0x2] =	stream.indirect.gather [hbm4b:s1+s17], $0x80, s29, s17, $0xb8;
	[tilespmem:$0x1F000] =	vst v63  }
0x2e0: {  	_ = 	snop  }
0x2e1: {  	[spmem:s3] =	stream.indirect.scatter.add.f32 [tilespmem:s20], [sflag:$0x5], $0x80, s30, s17, $0xb8;
	[tilespmem:$0x1F000] =	vst v63  }
0x2e2: {  	_ =	swait.ge [sflag:s15], $0x2800  }
0x2e3: {  	[sflag:s15] =	ssyncset.done $0x0  }
0x2e4: {  	[sflag:s15] =	ssyncadd.s32 $0xFFFFD800  }
0x2e5: {  	_ =	swait.ge [sflag:s25], $0x2800  }
0x2e6: {  	[sflag:s25] =	ssyncset.done $0x0  }
0x2e7: {  	[sflag:s25] =	ssyncadd.s32 $0xFFFFD800  }
0x2e8: {  	[tilespmem:s20], [sflag:$0x3] =	stream.indirect.gather [hbm4b:s1+s17], $0x80, s31, s17, $0xb8;
	[tilespmem:$0x1F000] =	vst v63  }
0x2e9: {  	_ = 	snop  }
0x2ea: {  	[spmem:s3] =	stream.indirect.scatter.add.f32 [tilespmem:s22], [sflag:$0x5], $0x80, s0, s17, $0xb8;
	[tilespmem:$0x1F000] =	vst v63  }
0x2eb: {  	_ =	swait.ge [sflag:s15], $0x2800  }
0x2ec: {  	[sflag:s15] =	ssyncset.done $0x0  }
0x2ed: {  	[sflag:s15] =	ssyncadd.s32 $0xFFFFD800  }
0x2ee: {  	_ =	swait.ge [sflag:s21], $0x2800  }
0x2ef: {  	[sflag:s21] =	ssyncset.done $0x0  }
0x2f0: {  	[sflag:s21] =	ssyncadd.s32 $0xFFFFD800  }
0x2f1: {  	[tilespmem:s22], [sflag:$0x4] =	stream.indirect.gather [hbm4b:s1+s17], $0x80, s4, s17, $0xb8;
	[tilespmem:$0x1F000] =	vst v63  }
0x2f2: {  	_ = 	snop  }
0x2f3: {  	[spmem:s3] =	stream.indirect.scatter.add.f32 [tilespmem:s18], [sflag:$0x5], $0x80, s2, s17, $0xb8;
	[tilespmem:$0x1F000] =	vst v63  }
0x2f4: {  	_ =	swait.ge [sflag:s15], $0x2800  }
0x2f5: {  	[sflag:s15] =	ssyncset.done $0x0  }
0x2f6: {  	[sflag:s15] =	ssyncadd.s32 $0xFFFFD800  }
0x2f7: {  	_ =	swait.ge [sflag:s23], $0x2800  }
0x2f8: {  	[sflag:s23] =	ssyncset.done $0x0  }
0x2f9: {  	[sflag:s23] =	ssyncadd.s32 $0xFFFFD800  }
0x2fa: {  	[tilespmem:s18], [sflag:$0x1] =	stream.indirect.gather [hbm4b:s1+s17], $0x80, s8, s17, $0xb8;
	[tilespmem:$0x1F000] =	vst v63  }
0x2fb: {  	_ = 	snop  }
0x2fc: {  	[spmem:s3] =	stream.indirect.scatter.add.f32 [tilespmem:s19], [sflag:$0x5], $0x80, s11, s17, $0xb8;
	[tilespmem:$0x1F000] =	vst v63  }
0x2fd: {  	_ =	swait.ge [sflag:s15], $0x2800  }
0x2fe: {  	[sflag:s15] =	ssyncset.done $0x0  }
0x2ff: {  	[sflag:s15] =	ssyncadd.s32 $0xFFFFD800  }
0x300: {  	_ =	swait.ge [sflag:s24], $0x2800  }
0x301: {  	[sflag:s24] =	ssyncset.done $0x0  }
0x302: {  	[sflag:s24] =	ssyncadd.s32 $0xFFFFD800  }
0x303: {  	[spmem:s3] =	stream.indirect.scatter.add.f32 [tilespmem:s20], [sflag:$0x5], $0x80, s12, s17, $0xb8;
	[tilespmem:$0x1F000] =	vst v63  }
0x304: {  	_ =	swait.ge [sflag:s15], $0x2800  }
0x305: {  	[sflag:s15] =	ssyncset.done $0x0  }
0x306: {  	[sflag:s15] =	ssyncadd.s32 $0xFFFFD800  }
0x307: {  	_ =	swait.ge [sflag:s25], $0x2800  }
0x308: {  	[sflag:s25] =	ssyncset.done $0x0  }
0x309: {  	[sflag:s25] =	ssyncadd.s32 $0xFFFFD800  }
0x30a: {  	[spmem:s3] =	stream.indirect.scatter.add.f32 [tilespmem:s22], [sflag:$0x5], $0x80, s9, s17, $0xb8;
	[tilespmem:$0x1F000] =	vst v63  }
0x30b: {  	_ =	swait.ge [sflag:s15], $0x2800  }
0x30c: {  	[sflag:s15] =	ssyncset.done $0x0  }
0x30d: {  	[sflag:s15] =	ssyncadd.s32 $0xFFFFD800  }
0x30e: {  	_ =	swait.ge [sflag:s21], $0x2800  }
0x30f: {  	[sflag:s21] =	ssyncset.done $0x0  }
0x310: {  	[sflag:s21] =	ssyncadd.s32 $0xFFFFD800  }
0x311: {  	[spmem:s3] =	stream.indirect.scatter.add.f32 [tilespmem:s18], [sflag:$0x5], $0x80, s14, s17, $0xb8;
	[tilespmem:$0x1F000] =	vst v63  }
.Ltmp4:
0x312: {  	_ = 	snop;
	(pc) =	sbr.rel @p1 .LBB2_15-.Ltmp4, $4  }
.Ltmp5:
0x313: {  	_ = 	snop;
	(pc) =	sbr.rel @!p1 .LBB2_18-.Ltmp5, $4  }
0x314: {  	_ =	swait.ge [sflag:s15], $0x2800  }
0x315: {  	[sflag:s15] =	ssyncset.done $0x0  }
0x316: {  	p2 =	por $0x0, $0x0;
	s6 =	simm.s32 $0x1;
	[sflag:s15] =	ssyncadd.s32 $0xFFFFD800  }
0x317: {  	_ = 	snop  }
.LBB2_2:
0x318: {  	s6 =	simm.s32 $0x0;
	s7 =	rddreg [dreg:$0x2]  }
0x319: {  	[tilespmem:s18], [sflag:$0x5] =	stream.linear.gather [hbm4b:s7+s6], $0x2800, $0x38;
	[tilespmem:$0x1F000] =	vst v63  }
0x31a: {  	_ =	swait.ge [sflag:s15], $0x2800  }
0x31b: {  	[sflag:s15] =	ssyncset.done $0x0  }
0x31c: {  	[sflag:s15] =	ssyncadd.s32 $0xFFFFD800  }
0x31d: {  	p2 =	por $0x1, $0x1;
	s10 =	simm.s32 $0x0;
	[bflag:$0x0] =	sbarrier.arrive $0xFFFF  }
.LBB2_3:
0x31e: {  	s7 =	sld [smem:$0x7EF];
	_ =	sdelay $0x2  }
0x31f: {  	s7 =	sor.u32 s7, s10  }
0x320: {  	s13 =	sld [smem:$0x7ED];
	s7 =	smul.u32 $0x2710, s7  }
0x321: {  	_ = 	snop  }
0x322: {  	s7 =	sshrl.u32 s7, $0x3  }
0x323: {  	s10 =	sadd.s32 s13, s7  }
0x324: {  	[tilespmem:s16], [sflag:$0x5] =	stream.linear.gather [hbm4b:s10+s6], $0x7D0, $0x38;
	[tilespmem:$0x1F000] =	vst v63  }
0x325: {  	_ =	swait.ge [sflag:s15], $0x7D0  }
0x326: {  	[sflag:s15] =	ssyncset.done $0x0  }
0x327: {  	s13 =	simm.s32 $0x800;
	[sflag:s15] =	ssyncadd.s32 $0xFFFFF830  }
0x328: {  	[spmem:s3] =	stream.indirect.scatter.add.f32 [tilespmem:s18], [sflag:$0x5], $0x80, s13, s17, $0xb8;
	[tilespmem:$0x1F000] =	vst v63  }
0x329: {  	p1 =	por p2, p2;
	s13 =	simm.s32 $0x140;
	_ =	swait.ge [sflag:s15], $0x2800  }
.LBB2_4:
0x32a: {  	s7 =	sshra.s32 s13, $0x2;
	[sflag:s15] =	ssyncset.done $0x0;
	p2 =	sne.s32 s13, $0x1E00  }
.Ltmp6:
0x32b: {  	s7 =	sadd.s32 $0x800, s7;
	[sflag:s15] =	ssyncadd.s32 $0xFFFFD800;
	(pc) =	sbr.rel @p2 .LBB2_4-.Ltmp6, $3  }
0x32c: {  	[spmem:s3] =	stream.indirect.scatter.add.f32 [tilespmem:s18], [sflag:$0x5], $0x80, s7, s17, $0xb8;
	[tilespmem:$0x1F000] =	vst v63  }
0x32d: {  	s13 =	sadd.s32 $0x140, s13;
	_ =	sdelay $0x1  }
0x32e: {  	_ =	swait.ge [sflag:s15], $0x2800  }
0x32f: {  	[sflag:s15] =	ssyncset.done $0x0  }
0x330: {  	s7 =	sadd.s32 $0xFA, s10;
	s13 =	simm.s32 $0x0;
	[sflag:s15] =	ssyncadd.s32 $0xFFFFD800  }
0x331: {  	[tilespmem:s16], [sflag:$0x5] =	stream.linear.gather [hbm4b:s7+s13], $0x7D0, $0x38;
	[tilespmem:$0x1F000] =	vst v63  }
0x332: {  	_ =	swait.ge [sflag:s15], $0x7D0  }
0x333: {  	[sflag:s15] =	ssyncset.done $0x0  }
0x334: {  	s13 =	simm.s32 $0x800;
	[sflag:s15] =	ssyncadd.s32 $0xFFFFF830  }
0x335: {  	[spmem:s3] =	stream.indirect.scatter.add.f32 [tilespmem:s18], [sflag:$0x5], $0x80, s13, s17, $0xb8;
	[tilespmem:$0x1F000] =	vst v63  }
0x336: {  	s13 =	simm.s32 $0x140;
	_ =	swait.ge [sflag:s15], $0x2800  }
.LBB2_6:
0x337: {  	s7 =	sshra.s32 s13, $0x2;
	[sflag:s15] =	ssyncset.done $0x0;
	p2 =	sne.s32 s13, $0x1E00  }
.Ltmp7:
0x338: {  	s7 =	sadd.s32 $0x800, s7;
	[sflag:s15] =	ssyncadd.s32 $0xFFFFD800;
	(pc) =	sbr.rel @p2 .LBB2_6-.Ltmp7, $3  }
0x339: {  	[spmem:s3] =	stream.indirect.scatter.add.f32 [tilespmem:s18], [sflag:$0x5], $0x80, s7, s17, $0xb8;
	[tilespmem:$0x1F000] =	vst v63  }
0x33a: {  	s13 =	sadd.s32 $0x140, s13;
	_ =	sdelay $0x1  }
0x33b: {  	_ =	swait.ge [sflag:s15], $0x2800  }
0x33c: {  	[sflag:s15] =	ssyncset.done $0x0  }
0x33d: {  	s7 =	sadd.s32 $0x1F4, s10;
	s13 =	simm.s32 $0x0;
	[sflag:s15] =	ssyncadd.s32 $0xFFFFD800  }
0x33e: {  	[tilespmem:s16], [sflag:$0x5] =	stream.linear.gather [hbm4b:s7+s13], $0x7D0, $0x38;
	[tilespmem:$0x1F000] =	vst v63  }
0x33f: {  	_ =	swait.ge [sflag:s15], $0x7D0  }
0x340: {  	[sflag:s15] =	ssyncset.done $0x0  }
0x341: {  	s13 =	simm.s32 $0x800;
	[sflag:s15] =	ssyncadd.s32 $0xFFFFF830  }
0x342: {  	[spmem:s3] =	stream.indirect.scatter.add.f32 [tilespmem:s18], [sflag:$0x5], $0x80, s13, s17, $0xb8;
	[tilespmem:$0x1F000] =	vst v63  }
0x343: {  	s13 =	simm.s32 $0x140;
	_ =	swait.ge [sflag:s15], $0x2800  }
.LBB2_8:
0x344: {  	s7 =	sshra.s32 s13, $0x2;
	[sflag:s15] =	ssyncset.done $0x0;
	p2 =	sne.s32 s13, $0x1E00  }
.Ltmp8:
0x345: {  	s7 =	sadd.s32 $0x800, s7;
	[sflag:s15] =	ssyncadd.s32 $0xFFFFD800;
	(pc) =	sbr.rel @p2 .LBB2_8-.Ltmp8, $3  }
0x346: {  	[spmem:s3] =	stream.indirect.scatter.add.f32 [tilespmem:s18], [sflag:$0x5], $0x80, s7, s17, $0xb8;
	[tilespmem:$0x1F000] =	vst v63  }
0x347: {  	s13 =	sadd.s32 $0x140, s13;
	_ =	sdelay $0x1  }
0x348: {  	_ =	swait.ge [sflag:s15], $0x2800  }
0x349: {  	[sflag:s15] =	ssyncset.done $0x0  }
0x34a: {  	s7 =	sadd.s32 $0x2EE, s10;
	s13 =	simm.s32 $0x0;
	[sflag:s15] =	ssyncadd.s32 $0xFFFFD800  }
0x34b: {  	[tilespmem:s16], [sflag:$0x5] =	stream.linear.gather [hbm4b:s7+s13], $0x7D0, $0x38;
	[tilespmem:$0x1F000] =	vst v63  }
0x34c: {  	_ =	swait.ge [sflag:s15], $0x7D0  }
0x34d: {  	[sflag:s15] =	ssyncset.done $0x0  }
0x34e: {  	s13 =	simm.s32 $0x800;
	[sflag:s15] =	ssyncadd.s32 $0xFFFFF830  }
0x34f: {  	[spmem:s3] =	stream.indirect.scatter.add.f32 [tilespmem:s18], [sflag:$0x5], $0x80, s13, s17, $0xb8;
	[tilespmem:$0x1F000] =	vst v63  }
0x350: {  	s13 =	simm.s32 $0x140;
	_ =	swait.ge [sflag:s15], $0x2800  }
.LBB2_10:
0x351: {  	s7 =	sshra.s32 s13, $0x2;
	[sflag:s15] =	ssyncset.done $0x0;
	p2 =	sne.s32 s13, $0x1E00  }
.Ltmp9:
0x352: {  	s7 =	sadd.s32 $0x800, s7;
	[sflag:s15] =	ssyncadd.s32 $0xFFFFD800;
	(pc) =	sbr.rel @p2 .LBB2_10-.Ltmp9, $3  }
0x353: {  	[spmem:s3] =	stream.indirect.scatter.add.f32 [tilespmem:s18], [sflag:$0x5], $0x80, s7, s17, $0xb8;
	[tilespmem:$0x1F000] =	vst v63  }
0x354: {  	s13 =	sadd.s32 $0x140, s13;
	_ =	sdelay $0x1  }
0x355: {  	_ =	swait.ge [sflag:s15], $0x2800  }
0x356: {  	[sflag:s15] =	ssyncset.done $0x0  }
0x357: {  	s7 =	sadd.s32 $0x3E8, s10;
	s13 =	simm.s32 $0x0;
	[sflag:s15] =	ssyncadd.s32 $0xFFFFD800  }
0x358: {  	[tilespmem:s16], [sflag:$0x5] =	stream.linear.gather [hbm4b:s7+s13], $0x7D0, $0x38;
	[tilespmem:$0x1F000] =	vst v63  }
0x359: {  	_ =	swait.ge [sflag:s15], $0x7D0  }
0x35a: {  	[sflag:s15] =	ssyncset.done $0x0  }
0x35b: {  	s13 =	simm.s32 $0x800;
	[sflag:s15] =	ssyncadd.s32 $0xFFFFF830  }
0x35c: {  	[spmem:s3] =	stream.indirect.scatter.add.f32 [tilespmem:s18], [sflag:$0x5], $0x80, s13, s17, $0xb8;
	[tilespmem:$0x1F000] =	vst v63  }
0x35d: {  	s10 =	simm.s32 $0x140;
	_ =	swait.ge [sflag:s15], $0x2800  }
.LBB2_12:
0x35e: {  	s7 =	sshra.s32 s10, $0x2;
	[sflag:s15] =	ssyncset.done $0x0;
	p2 =	sne.s32 s10, $0x1E00  }
.Ltmp10:
0x35f: {  	s7 =	sadd.s32 $0x800, s7;
	[sflag:s15] =	ssyncadd.s32 $0xFFFFD800;
	(pc) =	sbr.rel @p2 .LBB2_12-.Ltmp10, $3  }
0x360: {  	[spmem:s3] =	stream.indirect.scatter.add.f32 [tilespmem:s18], [sflag:$0x5], $0x80, s7, s17, $0xb8;
	[tilespmem:$0x1F000] =	vst v63  }
0x361: {  	s10 =	sadd.s32 $0x140, s10;
	_ =	sdelay $0x1  }
0x362: {  	_ =	swait.ge [sflag:s15], $0x2800  }
.Ltmp11:
0x363: {  	(pc) =	sbr.rel @p1 .LBB2_3-.Ltmp11, $4  }
.Ltmp12:
0x364: {  	(pc) =	sbr.rel @!p1 .LBB2_18-.Ltmp12, $4  }
0x365: {  	_ = 	snop  }
0x366: {  	[sflag:s15] =	ssyncset.done $0x0  }
0x367: {  	s10 =	simm.s32 $0x1;
	p2 =	por $0x0, $0x0;
	[sflag:s15] =	ssyncadd.s32 $0xFFFFD800  }
0x368: {  	_ = 	snop  }
.LBB2_19:
0x369: {  	_ =	sfence.sel $0x180000  }
0x36a: {  	[bflag:$0x0] =	sbarrier.arrive $0xFFFF  }
0x36b: {  	_ =	strace $0x90000047  }
0x36c: {  	s0 =	stileid.u32;
	[bflag:$0x2] =	sbarrier.arrive $0xFFFF  }
0x36d: {  	p0 =	sne.s32 s0, $0x0;
	s0 =	rddreg [dreg:$0x4]  }
0x36e: {  	s0 =	sadd.s32 @!p0 $0x100000, s0  }
0x36f: {  	[sflag:s0] =	ssyncadd.tile.s32 @!p0 $0x1;
	_ =	shalt  }
.Lfunc_end2:
_tile_overlayer_lowered:
.L_overlay_start_2:
0x370: {  	(tag) =	ssettag $0x2  }
0x371: {  	s0 =	rddreg [dreg:$0x0];
	s2 =	stileid.u32  }
0x372: {  	s1 =	rddreg [dreg:$0x1];
	p0 =	sne.s32 s2, $0x0  }
0x373: {  	s3 =	rddreg [dreg:$0x2];
	[bflag:$0x3] =	sbarrier.arrive $0xFFFF;
	s2 =	simm.s32 @!p0 $0x1C05  }
0x374: {  	[timem:s3], [sflag:s2] =	dma.local @!p0 [hbm:s0], s1  }
0x375: {  	s0 =	simm.s32 @!p0 $0x5  }
0x376: {  	_ =	swait.ge @!p0 [sflag:s0], s1  }
0x377: {  	s1 =	ssub.s32 @!p0 $0x0, s1;
	[sflag:s0] =	ssyncset.done @!p0 $0x0  }
0x378: {  	[sflag:s0] =	ssyncadd.s32 @!p0 s1  }
0x379: {  	[bflag:$0x3] =	sbarrier.arrive $0xFFFF  }
0x37a: {  	_ =	shalt  }

// kernel: sparse-core-data-format-call.cloned.1.call-start
scs
called_computation_lowered:
.L_overlay_start_0:
0x0: {  	s2 =	sld [smem:$0x3FD9]  }
0x1: {  	s3 =	sld [smem:$0x3FFE];
	_ =	sdelay $0x1  }
0x2: {  	s1 =	srdreg.scid  }
0x3: {  	s0 =	sand.u32 $0x1, s1  }
0x4: {  	s18 =	sshll.u32 s0, $0xA;
	s2 =	sadd.s32 s3, s2  }
0x5: {  	s2 =	sadd.s32 s2, s18  }
0x6: {  	[smem:$0x3FC0] =	sst s2  }
0x7: {  	_ = 	snop  }
0x8: {  	s2 =	sld [smem:$0x3FD0];
	(tm) =	ssettm $0x1  }
0x9: {  	s19 =	sld [smem:$0x3FFB];
	_ =	sdelay $0x3  }
0xa: {  	_ =	strace s19  }
0xb: {  	s3 =	sld [smem:$0x3FFC];
	_ =	sdelay $0x3  }
0xc: {  	_ =	strace s3  }
0xd: {  	s3 =	sld [smem:$0x3FFD];
	_ =	sdelay $0x3  }
0xe: {  	_ =	strace s3  }
0xf: {  	_ =	strace $0x8FFFFFFF  }
0x10: {  	s20 =	sld [smem:$0x3FDB];
	_ =	sdelay $0x1  }
0x11: {  	s4 =	simm.s32 $_scs_section_size  }
0x12: {  	s5 =	simm.s32 $_size__tile_overlayer_lowered;
	s6 =	simm.s32 $_tile_overlayer_lowered  }
0x13: {  	s23 =	simm.s32 $0x1BFF;
	s22 =	sshll.u32 s6, $0x1;
	s3 =	sadd.s32 s4, s20  }
0x14: {  	s7 =	simm.s32 $0x0;
	s21 =	sshll.u32 s5, $0x1;
	s5 =	sadd.s32 s22, s3  }
0x15: {  	[timem:s7], [sflag:s23] =	dma.local [hbm:s5], s21  }
0x16: {  	_ =	swait.ge [sflag:s23], s21  }
0x17: {  	s4 =	ssub.s32 $0x0, s21;
	[sflag:s23] =	ssyncset.done $0x0  }
0x18: {  	[sflag:s23] =	ssyncadd.s32 s4;
	_ =	sdelay $0x1  }
0x19: {  	s24 =	simm.s32 $0x1B8B  }
0x1a: {  	_ =	swait.ge [sflag:s24], $0x1  }
0x1b: {  	[sflag:s24] =	ssyncset.done $0x0  }
0x1c: {  	s26 =	simm.s32 $0x1B8E;
	s25 =	sld [smem:$0x3FFE];
	[sflag:s24] =	ssyncadd.s32 $0xFFFFFFFF  }
0x1d: {  	s27 =	simm.s32 $execute0_lowered;
	[smem:$0x3FD2] =	sst s26  }
0x1e: {  	s5 =	sshll.u32 s27, $0x1;
	_ =	strace $0x8000004C;
	[dreg:$0x1] =	wrdreg $0xFFFFFFFF  }
0x1f: {  	s28 =	simm.s32 $_size_execute0_lowered;
	s3 =	sadd.s32 s3, s5;
	[dreg:$0x0] =	wrdreg $0x0  }
0x20: {  	s5 =	sshll.u32 s28, $0x1;
	[dreg:$0x2] =	wrdreg s3  }
0x21: {  	[dreg:$0x3] =	wrdreg s5  }
0x22: {  	[dreg:$0x4] =	wrdreg $0xC0  }
0x23: {  	_ =	task [dreg:s7], $0x5FFFF  }
0x24: {  	[dreg:$0x1] =	wrdreg $0xFFFFFFFF  }
0x25: {  	[dreg:$0x0] =	wrdreg $0x60  }
0x26: {  	[dreg:$0x2] =	wrdreg s25  }
0x27: {  	[dreg:$0x3] =	wrdreg s2  }
0x28: {  	[dreg:$0x4] =	wrdreg $0x9  }
0x29: {  	_ =	task.clear_ibuf [dreg:s7], $0x5FFFF;
	_ =	strace $0x9000004C  }
0x2a: {  	s29 =	simm.s32 $0x9;
	_ =	strace $0x8000004E  }
0x2b: {  	_ =	swait.ge [sflag:s29], $0x1  }
0x2c: {  	[sflag:s29] =	ssyncadd.s32 $0xFFFFFFFF  }
0x2d: {  	_ =	strace $0x9000004E  }
0x2e: {  	_ =	sfence  }
0x2f: {  	s30 =	sld [smem:$0x0];
	_ =	sdelay $0x2  }
0x30: {  	s31 =	sshll.u32 s1, $0xD;
	s1 =	sshrl.u32 s1, $0x2  }
0x31: {  	s3 =	sand.u32 $0x4000, s31;
	s1 =	sadd.s32 s1, s30  }
0x32: {  	s0 =	sor.u32 s3, s0;
	s1 =	sshll.u32 s1, $0x11  }
0x33: {  	s0 =	sor.u32 s1, s0  }
0x34: {  	s0 =	sadd.s32 $0x8F2B, s0  }
0x35: {  	[sflag:s0] =	ssyncadd.remote.s32 $0x1  }
0x36: {  	_ =	sfence.sel $0xFFFF  }
0x37: {  	[dreg:$0x0] =	wrdreg $0xFFFFFFFF;
	(pc) =	sbr.abs _section_cstart, $3  }
0x38: {  	[dreg:$0x1] =	wrdreg $0xFFFFFFFF  }
0x39: {  	_ =	task.clear_ibuf [dreg:s7], $0x2FFFF;
	_ =	strace $0x9FFFFFFF  }
0x3a: {  	(tm) =	ssettm $0x7FFFFFFF  }
0x3b: {  	_ =	shalt  }
tec
execute0_lowered:
.L_overlay_start_1:
0x0: {  	(tag) =	ssettag $0x1  }
0x1: {  	s0 =	srdreg.scid  }
0x2: {  	s1 =	sshll.u32 s0, $0x4  }
0x3: {  	s4 =	rddreg [dreg:$0x0];
	s0 =	stileid.u32;
	s1 =	sand.u32 $0x10, s1  }
0x4: {  	s2 =	rddreg [dreg:$0x1];
	s7 =	simm.s32 $0x1;
	s1 =	sor.u32 s0, s1  }
0x5: {  	s8 =	simm.s32 $0x2;
	s9 =	simm.s32 $0x0;
	s3 =	sshll.u32 s1, $0x1  }
0x6: {  	s12 =	simm.s32 $0x0;
	s11 =	simm.s32 $0x0;
	s6 =	ssub.s32 $0x4E2, s3  }
.Ltmp0:
0x7: {  	s4 =	sadd.s32 $0x8E000, s4;
	s5 =	sand.u32 $0x3E, s6;
	(pc) =	sbr.rel .LBB1_1-.Ltmp0, $4  }
0x8: {  	s1 =	rddreg [dreg:$0x2];
	_ =	strace $0x8000004D;
	p0 =	sne.s32 s5, $0x0  }
0x9: {  	s6 =	sshrl.u32 s6, $0x6;
	s5 =	simm.s32 $0x1;
	s7 =	simm.s32 @!p0 $0x0  }
0xa: {  	s10 =	smov.u32 s3;
	[sflag:s5] =	ssyncpa.u1 $0x0;
	s6 =	sadd.s32 s7, s6  }
0xb: {  	[sflag:s8] =	ssyncpa.u1 $0x0;
	s8 =	simm.s32 $0x0;
	s7 =	sadd.s32 $0x1, s6  }
.LBB1_9:
0xc: {  	s14 =	sadd.s32 $0x40, s10  }
0xd: {  	p1 =	sgt.s32 s14, $0x4E1  }
0xe: {  	s14 =	smov.u32 @p1 s3;
	p1 =	sne.s32 s11, s7  }
.Ltmp1:
0xf: {  	p0 =	slt.u32 s11, $0x2;
	(pc) =	sbr.rel @!p1 .LBB1_10-.Ltmp1, $4  }
0x10: {  	s13 =	simm.s32 @!p0 $0x2  }
0x11: {  	s15 =	sadd.s32 $0x1, s11;
	_ =	swait.ge @!p0 [sflag:s13], $0x4000  }
0x12: {  	s12 =	smov.u32 s10;
	s9 =	sadd.s32 $0x4000, s9;
	[sflag:s13] =	ssyncset.done @!p0 $0x0  }
0x13: {  	s11 =	smov.u32 s15;
	s10 =	smov.u32 s14;
	[sflag:s13] =	ssyncadd.s32 @!p0 $0xFFFFC000  }
.LBB1_1:
0x14: {  	p0 =	sge.u32 s11, s6  }
0x15: {  	s13 =	sxor.u32 @!p0 $0xFFFFFFFF, s11  }
0x16: {  	s31 =	sadd.s32 $0xFFFFFFFF, s11;
	s14 =	sshll.u32 @!p0 s10, $0xA;
	s13 =	sshll.u32 @!p0 s13, $0xE  }
0x17: {  	s15 =	simm.s32 @!p0 $0x0;
	s14 =	sadd.s32 @!p0 s4, s14;
	s13 =	sand.u32 @!p0 $0x4000, s13  }
0x18: {  	[tilespmem:s13], [sflag:$0x1] =	stream.linear.gather @!p0 [hbm4b:s14+s15], $0x4000, $0x38;
	[tilespmem:$0x10000] =	vst v63  }
0x19: {  	p0 =	sge.u32 s31, s6  }
.Ltmp2:
0x1a: {  	_ = 	snop;
	(pc) =	sbr.rel @p0 .LBB1_9-.Ltmp2, $1  }
0x1b: {  	_ =	sdelay $0x3  }
0x1c: {  	s13 =	sshll.u32 s9, $0x2  }
0x1d: {  	_ =	swait.ge [sflag:s5], $0x4000;
	s14 =	sshll.u32 s11, $0xE;
	s16 =	simm.s32 $0x0  }
0x1e: {  	p1 =	por $0x1, $0x1;
	s13 =	sand.u32 $0x10000, s13;
	[sflag:s5] =	ssyncset.done $0x0  }
0x1f: {  	s14 =	sand.u32 $0x4000, s14;
	s15 =	sshrl.u32 s13, $0x2;
	[sflag:s5] =	ssyncadd.s32 $0xFFFFC000  }
0x20: {  	s13 =	sor.u32 $0x8000, s14;
	s14 =	sadd.s32 $0x8040, s15;
	s15 =	sadd.s32 $0x40, s15  }
.LBB1_3:
0x21: {  	s16 =	sshll.u32 s16, $0x2  }
0x22: {  	p0 =	por p1, p1;
	s17 =	sshra.s32 s16, $0x2  }
0x23: {  	s18 =	simm.s32 $0x0;
	s16 =	sadd.s32 s17, s14;
	s17 =	sadd.s32 s17, s15  }
.LBB1_4:
0x24: {  	v0 =	vmov s17;
	_ =	sdelay $0x3  }
0x25: {  	s20 =	simm.s32 $0x0  }
0x26: {  	v6 =	vld.idx.msk [tilespmem:v0+s20+$0x30 ss:$0x1], $0xffff  }
0x27: {  	v7 =	vld.idx.msk [tilespmem:v0+s20+$0xFFFFFFC0 ss:$0x1], $0xffff  }
0x28: {  	v5 =	vld.idx.msk [tilespmem:v0+s20+$0xFFFFFFD0 ss:$0x1], $0xffff  }
0x29: {  	v4 =	vld.idx.msk [tilespmem:v0+s20+$0xFFFFFFE0 ss:$0x1], $0xffff  }
0x2a: {  	v3 =	vld.idx.msk [tilespmem:v0+s20+$0xFFFFFFF0 ss:$0x1], $0xffff  }
0x2b: {  	v1 =	vld.idx.msk [tilespmem:v0+s20+$0x0 ss:$0x1], $0xffff  }
0x2c: {  	v2 =	vld.idx.msk [tilespmem:v0+s20+$0x10 ss:$0x1], $0xffff;
	[tilespmem:s16+$0x30] =	vst v6  }
0x2d: {  	s19 =	simm.s32 $0x80;
	s21 =	simm.s32 $0x400;
	[tilespmem:s16+$0xFFFFFFC0] =	vst v7;
	v6 =	vld.idx.msk [tilespmem:v0+s20+$0x20 ss:$0x1], $0xffff;
	s20 =	smov.u32 s16  }
.LBB1_5:
0x2e: {  	p1 =	sne.s32 s21, $0xE00;
	v7 =	vld.idx.msk [tilespmem:v0+s19+$0x30 ss:$0x1], $0xffff;
	[tilespmem:s20+$0xFFFFFFD0] =	vst v5  }
0x2f: {  	v8 =	vld.idx.msk [tilespmem:v0+s19+$0xFFFFFFC0 ss:$0x1], $0xffff;
	[tilespmem:s20+$0xFFFFFFE0] =	vst v4  }
0x30: {  	v5 =	vld.idx.msk [tilespmem:v0+s19+$0xFFFFFFD0 ss:$0x1], $0xffff;
	[tilespmem:s20+$0xFFFFFFF0] =	vst v3  }
.Ltmp3:
0x31: {  	v4 =	vld.idx.msk [tilespmem:v0+s19+$0xFFFFFFE0 ss:$0x1], $0xffff;
	[tilespmem:s20+$0x0] =	vst v1;
	(pc) =	sbr.rel @p1 .LBB1_5-.Ltmp3, $4  }
0x32: {  	v3 =	vld.idx.msk [tilespmem:v0+s19+$0xFFFFFFF0 ss:$0x1], $0xffff;
	[tilespmem:s20+$0x10] =	vst v2  }
0x33: {  	v1 =	vld.idx.msk [tilespmem:v0+s19+$0x0 ss:$0x1], $0xffff;
	[tilespmem:s20+$0x20] =	vst v6;
	s20 =	sadd.s32 $0x400, s20  }
0x34: {  	v2 =	vld.idx.msk [tilespmem:v0+s19+$0x10 ss:$0x1], $0xffff;
	[tilespmem:s20+$0x30] =	vst v7  }
0x35: {  	[tilespmem:s20+$0xFFFFFFC0] =	vst v8;
	v6 =	vld.idx.msk [tilespmem:v0+s19+$0x20 ss:$0x1], $0xffff;
	s19 =	sshra.s32 s21, $0x2;
	s21 =	sadd.s32 $0x200, s21  }
0x36: {  	_ =	sdelay $0x2  }
0x37: {  	[tilespmem:s20+$0xFFFFFFD0] =	vst v5  }
0x38: {  	v56 =	vld.idx.msk [tilespmem:v0+s19+$0x30 ss:$0x1], $0xffff;
	[tilespmem:s20+$0xFFFFFFE0] =	vst v4  }
0x39: {  	v57 =	vld.idx.msk [tilespmem:v0+s19+$0xFFFFFFC0 ss:$0x1], $0xffff;
	[tilespmem:s20+$0xFFFFFFF0] =	vst v3  }
0x3a: {  	v58 =	vld.idx.msk [tilespmem:v0+s19+$0xFFFFFFD0 ss:$0x1], $0xffff;
	[tilespmem:s20+$0x0] =	vst v1  }
0x3b: {  	v59 =	vld.idx.msk [tilespmem:v0+s19+$0xFFFFFFE0 ss:$0x1], $0xffff;
	[tilespmem:s20+$0x10] =	vst v2  }
0x3c: {  	v60 =	vld.idx.msk [tilespmem:v0+s19+$0xFFFFFFF0 ss:$0x1], $0xffff;
	s31 =	sadd.s32 $0x400, s20;
	[tilespmem:s20+$0x20] =	vst v6  }
0x3d: {  	v61 =	vld.idx.msk [tilespmem:v0+s19+$0x0 ss:$0x1], $0xffff;
	[tilespmem:s31+$0x30] =	vst v56  }
0x3e: {  	v62 =	vld.idx.msk [tilespmem:v0+s19+$0x10 ss:$0x1], $0xffff;
	s18 =	sadd.s32 $0x1, s18;
	[tilespmem:s31+$0xFFFFFFC0] =	vst v57  }
0x3f: {  	v63 =	vld.idx.msk [tilespmem:v0+s19+$0x20 ss:$0x1], $0xffff;
	p1 =	sne.s32 s18, $0x8;
	[tilespmem:s31+$0xFFFFFFD0] =	vst v58  }
.Ltmp4:
0x40: {  	[tilespmem:s31+$0xFFFFFFE0] =	vst v59;
	(pc) =	sbr.rel @p1 .LBB1_4-.Ltmp4, $4  }
0x41: {  	[tilespmem:s31+$0xFFFFFFF0] =	vst v60  }
0x42: {  	[tilespmem:s31+$0x0] =	vst v61  }
0x43: {  	[tilespmem:s31+$0x10] =	vst v62  }
0x44: {  	s16 =	sadd.s32 $0x80, s16;
	s17 =	sadd.s32 $0x400, s17;
	[tilespmem:s31+$0x20] =	vst v63  }
.Ltmp5:
0x45: {  	(pc) =	sbr.rel @p0 .LBB1_3-.Ltmp5, $2  }
0x46: {  	_ =	sdelay $0x2  }
0x47: {  	s16 =	simm.s32 $0x2000;
	p1 =	por $0x0, $0x0  }
.Ltmp6:
0x48: {  	(pc) =	sbr.rel .LBB1_9-.Ltmp6, $4  }
0x49: {  	_ = 	snop  }
0x4a: {  	s12 =	sshll.u32 s12, $0xA  }
0x4b: {  	s12 =	sadd.s32 s2, s12  }
0x4c: {  	[hbm4b:s12+s8] =	stream.linear.scatter [tilespmem:s13], [sflag:$0x2], $0x4000, $0x38;
	[tilespmem:$0x10000] =	vst v63  }
.LBB1_10:
0x4d: {  	_ =	sfence.sel $0x180000  }
0x4e: {  	s2 =	simm.s32 $0x1;
	[bflag:$0x0] =	sbarrier.arrive $0xFFFF  }
0x4f: {  	s31 =	simm.s32 $0x2;
	[sflag:s2] =	ssyncpa.u1 $0x1  }
0x50: {  	[sflag:s31] =	ssyncpa.u1 $0x1  }
0x51: {  	p0 =	sne.s32 s0, $0x0;
	_ =	strace $0x9000004D  }
0x52: {  	s0 =	sadd.s32 @!p0 $0x100000, s1;
	[bflag:$0x2] =	sbarrier.arrive $0xFFFF  }
0x53: {  	[sflag:s0] =	ssyncadd.tile.s32 @!p0 $0x1;
	_ =	shalt  }
.Lfunc_end1:
_tile_overlayer_lowered:
.L_overlay_start_2:
0x54: {  	(tag) =	ssettag $0x2  }
0x55: {  	s0 =	rddreg [dreg:$0x0];
	s2 =	stileid.u32  }
0x56: {  	s1 =	rddreg [dreg:$0x1];
	p0 =	sne.s32 s2, $0x0  }
0x57: {  	s3 =	rddreg [dreg:$0x2];
	[bflag:$0x3] =	sbarrier.arrive $0xFFFF;
	s2 =	simm.s32 @!p0 $0x1C01  }
0x58: {  	[timem:s3], [sflag:s2] =	dma.local @!p0 [hbm:s0], s1  }
0x59: {  	s0 =	simm.s32 @!p0 $0x1  }
0x5a: {  	_ =	swait.ge @!p0 [sflag:s0], s1  }
0x5b: {  	s1 =	ssub.s32 @!p0 $0x0, s1;
	[sflag:s0] =	ssyncset.done @!p0 $0x0  }
0x5c: {  	[sflag:s0] =	ssyncadd.s32 @!p0 s1  }
0x5d: {  	[bflag:$0x3] =	sbarrier.arrive $0xFFFF  }
0x5e: {  	_ =	shalt  }

</sc_bundles>
